<compile_context>
chip_gen: v7x
topology: tpu7x:2x2x1
jax: 0.10.2.dev20260603
libtpu: 0.0.44.dev20260713+nightly
codegen_flags: <defaults>
</compile_context>

<pallas_src>
import functools
import jax
import jax.numpy as jnp
from jax import lax
from jax.experimental import pallas as pl
from jax.experimental.pallas import tpu as pltpu
from jax.experimental.pallas import tpu_sc as plsc

R_MAX = 5.0
N_NODES = 10000
N_EDGES = 320000
D = 128
NUM_BESSEL = 8
AVG_NEIGH = 32.0
MLP_IN = 2 * D + 9

NUM_CORES = 2
NUM_SUBCORES = 16
NUM_WORKERS = NUM_CORES * NUM_SUBCORES
PER_TILE = N_EDGES // NUM_WORKERS
CHUNK = 80
N_ITERS = PER_TILE // CHUNK
N_PAD = 10240
ROWS_PER_TILE = N_PAD // NUM_SUBCORES

EDGE_BLOCK = 1280


def _node_tables_body(nf_ref, ws_ref, wu_ref, cat_ref, ns_ref):
    nf = nf_ref[...]
    ns = jnp.dot(nf, ws_ref[...], preferred_element_type=jnp.float32)
    nu = jnp.dot(nf, wu_ref[...], preferred_element_type=jnp.float32)
    cat_ref[:, :D] = ns
    cat_ref[:, D:] = nu
    ns_ref[...] = ns


def _node_tables(node_feats, ws, wu):
    nb = 1000
    grid = N_NODES // nb
    return pl.pallas_call(
        _node_tables_body,
        grid=(grid,),
        in_specs=[
            pl.BlockSpec((nb, D), lambda i: (i, 0)),
            pl.BlockSpec((D, D), lambda i: (0, 0)),
            pl.BlockSpec((D, D), lambda i: (0, 0)),
        ],
        out_specs=[
            pl.BlockSpec((nb, 2 * D), lambda i: (i, 0)),
            pl.BlockSpec((nb, D), lambda i: (i, 0)),
        ],
        out_shape=[
            jax.ShapeDtypeStruct((N_NODES, 2 * D), jnp.float32),
            jax.ShapeDtypeStruct((N_NODES, D), jnp.float32),
        ],
    )(node_feats, ws, wu)


def _sc_gather_body(send_hbm, recv_hbm, cat_hbm, ns_hbm, gs_hbm, gr_hbm,
                    idx_s, buf_s, idx_r, buf_r,
                    sem_gs0, sem_gs1, sem_gr0, sem_gr1,
                    sem_ws0, sem_ws1, sem_wr0, sem_wr1):
    wid = lax.axis_index("c") * NUM_SUBCORES + lax.axis_index("s")
    base = wid * PER_TILE
    sem_gs = (sem_gs0, sem_gs1)
    sem_gr = (sem_gr0, sem_gr1)
    sem_ws = (sem_ws0, sem_ws1)
    sem_wr = (sem_wr0, sem_wr1)

    def g_copies(c, b):
        off = base + c * CHUNK
        return (
            pltpu.make_async_copy(cat_hbm.at[idx_s.at[b]], buf_s.at[b],
                                  sem_gs[b]),
            pltpu.make_async_copy(ns_hbm.at[idx_r.at[b]], buf_r.at[b],
                                  sem_gr[b]),
        )

    def w_copies(c, b):
        off = base + c * CHUNK
        return (
            pltpu.make_async_copy(buf_s.at[b], gs_hbm.at[pl.ds(off, CHUNK)],
                                  sem_ws[b]),
            pltpu.make_async_copy(buf_r.at[b], gr_hbm.at[pl.ds(off, CHUNK)],
                                  sem_wr[b]),
        )

    def start(c, b):
        off = base + c * CHUNK
        pltpu.sync_copy(send_hbm.at[pl.ds(off, CHUNK)], idx_s.at[b])
        pltpu.sync_copy(recv_hbm.at[pl.ds(off, CHUNK)], idx_r.at[b])
        for cp in g_copies(c, b):
            cp.start()

    def finish(c, b):
        for cp in g_copies(c, b):
            cp.wait()
        for cp in w_copies(c, b):
            cp.start()

    def drain(c, b):
        for cp in w_copies(c, b):
            cp.wait()

    n_pairs = N_ITERS // 2
    start(0, 0)

    def body(k, _):
        start(2 * k + 1, 1)
        finish(2 * k, 0)
        drain(2 * k, 0)

        @pl.when(k < n_pairs - 1)
        def _():
            start(2 * k + 2, 0)

        finish(2 * k + 1, 1)
        drain(2 * k + 1, 1)
        return 0

    lax.fori_loop(0, n_pairs, body, 0)
    last = N_ITERS - 1
    start(last, 0)
    finish(last, 0)
    drain(last, 0)


def _sc_gather(sender, receiver, cat_tbl, ns_tbl):
    mesh = plsc.VectorSubcoreMesh(core_axis_name="c", subcore_axis_name="s")
    f = pl.kernel(
        _sc_gather_body,
        out_type=(
            jax.ShapeDtypeStruct((N_EDGES, 2 * D), jnp.float32),
            jax.ShapeDtypeStruct((N_EDGES, D), jnp.float32),
        ),
        mesh=mesh,
        scratch_types=[
            pltpu.VMEM((2, CHUNK), jnp.int32),
            pltpu.VMEM((2, CHUNK, 2 * D), jnp.float32),
            pltpu.VMEM((2, CHUNK), jnp.int32),
            pltpu.VMEM((2, CHUNK, D), jnp.float32),
        ] + [pltpu.SemaphoreType.DMA] * 8,
    )
    return f(sender, receiver, cat_tbl, ns_tbl)


def _edge_mlp_body(params_ref, gs_ref, gr_ref, sca_ref,
                   w1ab_ref, c8_ref, ones2d_ref, ones8_ref, eye8_ref,
                   drow_ref, ww1_ref, bw1_ref,
                   w2_ref, w3_ref, w4_ref, out_ref):
    mw0 = params_ref[0]
    vw0 = params_ref[1]

    el_l = sca_ref[0:1, :]
    tt_l = sca_ref[1:2, :]

    u = el_l * (1.0 / R_MAX)
    u2 = u * u
    u5 = u2 * u2 * u
    f = 1.0 - 21.0 * u5 + 35.0 * u5 * u - 15.0 * u5 * u2
    c_l = jnp.where(el_l < R_MAX, f, 0.0)

    n = lax.broadcasted_iota(jnp.int32, (NUM_BESSEL, 1), 0).astype(
        jnp.float32) + 1.0
    npi_r = n * (jnp.pi / R_MAX)
    pref = jnp.sqrt(2.0 / R_MAX)
    bd_l = (pref * jnp.sin(npi_r * el_l) / el_l) * jnp.exp(
        -(npi_r * npi_r) * tt_l)

    scl = jnp.concatenate([c_l, sca_ref[1:8, :]], axis=0)
    dn = (((0,), (0,)), ((), ()))
    cols = lax.dot_general(scl, eye8_ref[...], dn,
                           preferred_element_type=jnp.float32)
    c = cols[:, 0:1]
    ll = cols[:, 2:3]
    ea = cols[:, 3:4]

    gs = gs_ref[...]
    nu_s = gs[:, D:]
    ns_r = gr_ref[...]

    x2 = jnp.concatenate([gs[:, :D], ns_r], axis=1)
    p_all = jnp.dot(x2, w1ab_ref[...], preferred_element_type=jnp.float32)
    bd_all = lax.dot_general(bd_l, c8_ref[...], dn,
                             preferred_element_type=jnp.float32)
    sq_x2 = jnp.dot(x2 * x2, ones2d_ref[...],
                    preferred_element_type=jnp.float32)
    sq_bd = lax.dot_general(bd_l * bd_l, ones8_ref[...], dn,
                            preferred_element_type=jnp.float32)

    s_lin = (p_all[:, 64:65] + bd_all[:, 64:65] + ll) * c
    s_sq = (sq_x2 + sq_bd + ll * ll) * (c * c)
    mean_ln = s_lin * (1.0 / MLP_IN)
    var_ln = (s_sq - s_lin * mean_ln) * (1.0 / (MLP_IN - 1))
    inv_std = lax.rsqrt(vw0 * var_ln + 1e-5)

    p = p_all[:, :64] + bd_all[:, :64] + ll * drow_ref[...]
    h = (c * p - (mw0 * mean_ln) * ww1_ref[...]) * inv_std + bw1_ref[...]
    h = h * jax.nn.sigmoid(h)
    h = jnp.dot(h, w2_ref[...], preferred_element_type=jnp.float32)
    h = h * jax.nn.sigmoid(h)
    h = jnp.dot(h, w3_ref[...], preferred_element_type=jnp.float32)
    h = h * jax.nn.sigmoid(h)
    tpw = jnp.dot(h, w4_ref[...], preferred_element_type=jnp.float32)
    out_ref[...] = nu_s * ea * tpw


def _edge_mlp(params, gs, gr, sca_t, w1ab, c8, ones2d, ones8, eye8,
              drow, ww1, bw1, w2, w3, w4):
    grid = N_EDGES // EDGE_BLOCK
    wspec = lambda shape: pl.BlockSpec(shape, lambda i: (0, 0))
    return pl.pallas_call(
        _edge_mlp_body,
        grid=(grid,),
        in_specs=[
            pl.BlockSpec(memory_space=pltpu.SMEM),
            pl.BlockSpec((EDGE_BLOCK, 2 * D), lambda i: (i, 0)),
            pl.BlockSpec((EDGE_BLOCK, D), lambda i: (i, 0)),
            pl.BlockSpec((8, EDGE_BLOCK), lambda i: (0, i)),
            wspec((2 * D, 65)),
            wspec((NUM_BESSEL, 65)),
            wspec((2 * D, 1)),
            wspec((NUM_BESSEL, 1)),
            wspec((8, 8)),
            wspec((1, 64)),
            wspec((1, 64)),
            wspec((1, 64)),
            wspec((64, 64)),
            wspec((64, 64)),
            wspec((64, D)),
        ],
        out_specs=pl.BlockSpec((EDGE_BLOCK, D), lambda i: (i, 0)),
        out_shape=jax.ShapeDtypeStruct((N_EDGES, D), jnp.float32),
        compiler_params=pltpu.CompilerParams(
            dimension_semantics=("arbitrary",)),
    )(params, gs, gr, sca_t, w1ab, c8, ones2d, ones8, eye8,
      drow, ww1, bw1, w2, w3, w4)


def _sc_scatter_body(recv_hbm, mji_hbm, zeros_hbm, out_hbm,
                     idx_v, rows_v, acc_sh, sem_l0, sem_l1):
    sem_l = (sem_l0, sem_l1)
    cid = lax.axis_index("c")
    sid = lax.axis_index("s")
    wid = cid * NUM_SUBCORES + sid
    rbase = sid * ROWS_PER_TILE

    pltpu.sync_copy(zeros_hbm, rows_v.at[0])

    def zbody(i, _):
        pltpu.sync_copy(rows_v.at[0],
                        acc_sh.at[pl.ds(rbase + i * CHUNK, CHUNK)])
        return 0

    lax.fori_loop(0, ROWS_PER_TILE // CHUNK, zbody, 0)
    plsc.subcore_barrier()

    base = wid * PER_TILE

    def load_copy(c, b):
        off = base + c * CHUNK
        return pltpu.make_async_copy(mji_hbm.at[pl.ds(off, CHUNK)],
                                     rows_v.at[b], sem_l[b])

    def start(c, b):
        off = base + c * CHUNK
        pltpu.sync_copy(recv_hbm.at[pl.ds(off, CHUNK)], idx_v.at[b])
        load_copy(c, b).start()

    def add(c, b):
        load_copy(c, b).wait()
        pltpu.sync_copy(rows_v.at[b], acc_sh.at[idx_v.at[b]], add=True)

    n_pairs = N_ITERS // 2
    start(0, 0)

    def body(k, _):
        start(2 * k + 1, 1)
        add(2 * k, 0)

        @pl.when(k < n_pairs - 1)
        def _():
            start(2 * k + 2, 0)

        add(2 * k + 1, 1)
        return 0

    lax.fori_loop(0, n_pairs, body, 0)
    last = N_ITERS - 1
    start(last, 0)
    add(last, 0)
    plsc.subcore_barrier()

    n_valid = jnp.minimum(N_NODES - rbase, ROWS_PER_TILE)

    def wbody(i, _):
        r = rbase + i * CHUNK
        pltpu.sync_copy(acc_sh.at[pl.ds(r, CHUNK)], rows_v.at[0])
        pltpu.sync_copy(rows_v.at[0], out_hbm.at[cid, pl.ds(r, CHUNK)])
        return 0

    lax.fori_loop(0, n_valid // CHUNK, wbody, 0)


def _sc_scatter(receiver, mji, zeros):
    mesh = plsc.VectorSubcoreMesh(core_axis_name="c", subcore_axis_name="s")
    f = pl.kernel(
        _sc_scatter_body,
        out_type=jax.ShapeDtypeStruct((NUM_CORES, N_NODES, D), jnp.float32),
        mesh=mesh,
        scratch_types=[
            pltpu.VMEM((2, CHUNK), jnp.int32),
            pltpu.VMEM((2, CHUNK, D), jnp.float32),
            pltpu.VMEM_SHARED((N_PAD, D), jnp.float32),
            pltpu.SemaphoreType.DMA,
            pltpu.SemaphoreType.DMA,
        ],
    )
    return f(receiver, mji, zeros)


def _out_linear_body(p0_ref, p1_ref, wo_ref, out_ref):
    m = p0_ref[...] + p1_ref[...]
    out_ref[...] = jnp.dot(m, wo_ref[...], preferred_element_type=jnp.float32)


def _out_linear(p0, p1, wo):
    nb = 1000
    grid = N_NODES // nb
    return pl.pallas_call(
        _out_linear_body,
        grid=(grid,),
        in_specs=[
            pl.BlockSpec((nb, D), lambda i: (i, 0)),
            pl.BlockSpec((nb, D), lambda i: (i, 0)),
            pl.BlockSpec((D, D), lambda i: (0, 0)),
        ],
        out_specs=pl.BlockSpec((nb, D), lambda i: (i, 0)),
        out_shape=jax.ShapeDtypeStruct((N_NODES, D), jnp.float32),
    )(p0, p1, wo)


def kernel(node_feats, edge_attrs, edge_feats, lengths, edge_index,
           W_scalar, W_up, W1, W2, W3, W4, W_out,
           sn_weight, sn_bias, mean_weight, var_weight):
    f32 = jnp.float32
    inv_sqrt_d = 1.0 / jnp.sqrt(f32(D))
    sender = edge_index[0].astype(jnp.int32)
    receiver = edge_index[1].astype(jnp.int32)

    ws = W_scalar * inv_sqrt_d
    wu = W_up * inv_sqrt_d
    w1w = (W1 * sn_weight[0][:, None]) * (1.0 / jnp.sqrt(f32(MLP_IN)))
    ones_col = jnp.ones((2 * D, 1), f32)
    w1ab = jnp.concatenate([w1w[: 2 * D], ones_col], axis=1)
    c8 = jnp.concatenate(
        [w1w[2 * D: 2 * D + NUM_BESSEL], jnp.ones((NUM_BESSEL, 1), f32)],
        axis=1)
    ones8 = jnp.ones((NUM_BESSEL, 1), f32)
    drow = w1w[2 * D + NUM_BESSEL:]
    ww1 = (sn_weight[0] @ W1)[None, :] * (1.0 / jnp.sqrt(f32(MLP_IN)))
    bw1 = (sn_bias[0] @ W1)[None, :] * (1.0 / jnp.sqrt(f32(MLP_IN)))
    w2 = W2 * 0.125
    w3 = W3 * 0.125
    w4 = W4 * 0.125
    wo = W_out * (inv_sqrt_d / AVG_NEIGH)
    params = jnp.stack([jax.nn.softmax(mean_weight)[0],
                        jax.nn.softmax(var_weight)[0]])

    sca_t = jnp.concatenate(
        [edge_feats[0], edge_feats[1], lengths, edge_attrs,
         jnp.zeros((N_EDGES, 4), f32)], axis=1).T
    eye8 = jnp.eye(8, dtype=f32)

    cat_tbl, ns_tbl = _node_tables(node_feats, ws, wu)
    gs, gr = _sc_gather(sender, receiver, cat_tbl, ns_tbl)
    mji = _edge_mlp(params, gs, gr, sca_t, w1ab, c8, ones_col, ones8, eye8,
                    drow, ww1, bw1, w2, w3, w4)
    zeros = jnp.zeros((CHUNK, D), f32)
    partials = _sc_scatter(receiver, mji, zeros)
    message = _out_linear(partials[0], partials[1], wo)
    return message[:, :, None]

# --- scband reference (transcript-rebuilt; emitter-appended) ---
"""Pipeline reference for scband-local-diffusion-interaction-block-2370821947766 (READ-ONLY COPY).

The authoritative reference and input builder live on the scoring server;
editing this copy changes nothing except your own understanding.
"""

import jax, jax.numpy as jnp
import numpy as np

R_MAX = 5.0
N_NODES = 10000
N_EDGES = 320000
D = 128
NUM_BESSEL = 8
AVG_NEIGH = 32.0
MLP_IN = 2 * D + 9  # 265


def _poly_cutoff(x, r_max=R_MAX, p=5.0):
    u = x / r_max
    f = (1.0
         - (p + 1.0) * (p + 2.0) / 2.0 * u ** p
         + p * (p + 2.0) * u ** (p + 1.0)
         - p * (p + 1.0) / 2.0 * u ** (p + 2.0))
    return f * (x < r_max).astype(x.dtype)


def _radial_damped_embedding(edge_lengths, t, r_max=R_MAX, num_basis=NUM_BESSEL):
    # BesselSinBasis with diffusion-time damping, times polynomial cutoff
    n = jnp.arange(1, num_basis + 1, dtype=jnp.float32)  # [8]
    pref = jnp.sqrt(2.0 / r_max)
    bessel = pref * jnp.sin(n * jnp.pi * edge_lengths / r_max) / edge_lengths  # [E,8]
    damp = jnp.exp(-((n * jnp.pi / r_max) ** 2) * t)  # heat-kernel damping, [E,8]
    cutoff = _poly_cutoff(edge_lengths)  # [E,1]
    return bessel * damp * cutoff


def _switch_norm_eval(x, weight, bias, mean_weight, var_weight, eps=1e-5):
    # eval mode: running_mean = running_var = 0 buffers
    mean_ln = jnp.mean(x, axis=1, keepdims=True)
    var_ln = jnp.var(x, axis=1, keepdims=True, ddof=1)
    mw = jax.nn.softmax(mean_weight)
    vw = jax.nn.softmax(var_weight)
    mean = mw[0] * mean_ln  # + mw[1] * 0
    var = vw[0] * var_ln    # + vw[1] * 0
    xn = (x - mean) / jnp.sqrt(var + eps)
    return xn * weight + bias


def setup_inputs(seed: int = 0) -> dict:
    key = jax.random.key(seed)
    ks = jax.random.split(key, 16)
    node_feats = jax.random.normal(ks[0], (N_NODES, D), jnp.float32)
    edge_attrs = jax.random.normal(ks[1], (N_EDGES, 1), jnp.float32)
    # edge_feats packs (edge_lengths, t) along dim 0; lengths kept positive to avoid sin(x)/x at 0
    edge_feats = jax.random.uniform(ks[2], (2, N_EDGES, 1), jnp.float32, minval=1e-2, maxval=1.0)
    lengths = jax.random.uniform(ks[3], (N_EDGES, 1), jnp.float32)
    edge_index = jax.random.randint(ks[4], (2, N_EDGES), 0, N_NODES, dtype=jnp.int64)
    # learned parameters
    W_scalar = jax.random.normal(ks[5], (D, D), jnp.float32)
    W_up = jax.random.normal(ks[6], (D, D), jnp.float32)
    W1 = jax.random.normal(ks[7], (MLP_IN, 64), jnp.float32)
    W2 = jax.random.normal(ks[8], (64, 64), jnp.float32)
    W3 = jax.random.normal(ks[9], (64, 64), jnp.float32)
    W4 = jax.random.normal(ks[10], (64, D), jnp.float32)  # conv_tp.weight_numel = 128 (uvu, scalars)
    W_out = jax.random.normal(ks[11], (D, D), jnp.float32)
    sn_weight = jnp.ones((1, MLP_IN), jnp.float32)
    sn_bias = jnp.zeros((1, MLP_IN), jnp.float32)
    mean_weight = jnp.ones((2,), jnp.float32)
    var_weight = jnp.ones((2,), jnp.float32)
    return {"node_feats": node_feats, "edge_attrs": edge_attrs, "edge_feats": edge_feats,
            "lengths": lengths, "edge_index": edge_index,
            "W_scalar": W_scalar, "W_up": W_up, "W1": W1, "W2": W2, "W3": W3, "W4": W4,
            "W_out": W_out, "sn_weight": sn_weight, "sn_bias": sn_bias,
            "mean_weight": mean_weight, "var_weight": var_weight}


def reference(node_feats, edge_attrs, edge_feats, lengths, edge_index,
              W_scalar, W_up, W1, W2, W3, W4, W_out,
              sn_weight, sn_bias, mean_weight, var_weight):
    sender = edge_index[0]
    receiver = edge_index[1]
    num_nodes = node_feats.shape[0]
    edge_lengths = edge_feats[0]
    t = edge_feats[1]
    # o3.Linear on 128x0e == dense linear with 1/sqrt(fan_in) normalization
    node_scalars = node_feats @ (W_scalar / jnp.sqrt(jnp.float32(D)))
    node_up = node_feats @ (W_up / jnp.sqrt(jnp.float32(D)))
    cutoff = _poly_cutoff(edge_lengths)  # [E,1]
    edge_feats_emb = _radial_damped_embedding(edge_lengths, t)  # [E,8]
    weights_input = jnp.concatenate([
        node_scalars[sender] * cutoff,
        node_scalars[receiver] * cutoff,
        edge_feats_emb,
        lengths * cutoff,
    ], axis=-1)  # [E, 265]
    weights_input = _switch_norm_eval(weights_input, sn_weight, sn_bias, mean_weight, var_weight)
    # e3nn FullyConnectedNet: x @ W / sqrt(fan_in), SiLU between layers
    h = jax.nn.silu(weights_input @ W1 / jnp.sqrt(jnp.float32(MLP_IN)))
    h = jax.nn.silu(h @ W2 / jnp.sqrt(64.0))
    h = jax.nn.silu(h @ W3 / jnp.sqrt(64.0))
    tp_weights = h @ W4 / jnp.sqrt(64.0)  # [E, 128]
    # conv_tp (uvu) on 128x0e x 1x0e -> 128x0e: elementwise product with per-edge weights
    mji = node_up[sender] * edge_attrs * tp_weights  # [E, 128]
    message = jax.ops.segment_sum(mji, receiver, num_segments=num_nodes)  # [N, 128]
    message = (message @ (W_out / jnp.sqrt(jnp.float32(D)))) / AVG_NEIGH
    # reshape_irreps(128x0e): [N,128] -> [N,128,1]
    return message[:, :, None]

if __name__ == "__main__":
    import jax
    _d = setup_inputs()
    print(jax.jit(kernel)(*tuple(_d.values())))

</pallas_src>

<mosaic_0001>
#map = affine_map<(d0, d1) -> (0)>
#map1 = affine_map<(d0, d1) -> (0, 0)>
module attributes {stable_mosaic.version = 14 : i64} {
  func.func @_sc_gather_body(%arg0: i32, %arg1: i32, %arg2: memref<320000xi32, #tpu.memory_space<hbm>>, %arg3: memref<320000xi32, #tpu.memory_space<hbm>>, %arg4: memref<10000x256xf32, #tpu.memory_space<hbm>>, %arg5: memref<10000x128xf32, #tpu.memory_space<hbm>>, %arg6: memref<320000x256xf32, #tpu.memory_space<hbm>>, %arg7: memref<320000x128xf32, #tpu.memory_space<hbm>>, %arg8: memref<2x80xi32, #tpu.memory_space<vmem>>, %arg9: memref<2x80x256xf32, #tpu.memory_space<vmem>>, %arg10: memref<2x80xi32, #tpu.memory_space<vmem>>, %arg11: memref<2x80x128xf32, #tpu.memory_space<vmem>>, %arg12: memref<!tpu.dma_semaphore, #tpu.memory_space<semaphore_mem>>, %arg13: memref<!tpu.dma_semaphore, #tpu.memory_space<semaphore_mem>>, %arg14: memref<!tpu.dma_semaphore, #tpu.memory_space<semaphore_mem>>, %arg15: memref<!tpu.dma_semaphore, #tpu.memory_space<semaphore_mem>>, %arg16: memref<!tpu.dma_semaphore, #tpu.memory_space<semaphore_mem>>, %arg17: memref<!tpu.dma_semaphore, #tpu.memory_space<semaphore_mem>>, %arg18: memref<!tpu.dma_semaphore, #tpu.memory_space<semaphore_mem>>, %arg19: memref<!tpu.dma_semaphore, #tpu.memory_space<semaphore_mem>>) attributes {dimension_semantics = [#tpu.dimension_semantics<core_parallel>, #tpu.dimension_semantics<subcore_parallel>], iteration_bounds = array<i64: 2, 16>, scalar_prefetch = 0 : i64, scratch_operands = 12 : i64, tpu.core_type = #tpu.core_type<sc_vector_subcore>, window_params = [{transform_indices = #map}, {transform_indices = #map}, {transform_indices = #map1}, {transform_indices = #map1}, {transform_indices = #map1}, {transform_indices = #map1}]} {
    %mul3A = arith.constant 16 : i32
    %mul3A_0 = arith.muli %arg0, %mul3A : i32
    %add3A = arith.addi %mul3A_0, %arg1 : i32
    %mul3A_1 = arith.constant 10000 : i32
    %mul3A_2 = arith.muli %add3A, %mul3A_1 : i32
    %add3A_3 = arith.constant 0 : i32
    %add3A_4 = arith.addi %mul3A_2, %add3A_3 : i32
    %run_scoped3A = arith.constant 0 : i32
    "tpu.region"() ({
      %run_scoped3A_148 = tpu.sem_alloc : memref<!tpu.dma_semaphore, #tpu.memory_space<semaphore_mem>>
      %dma_start3A_149 = arith.constant 0 : i32
      %dma_start3A_150 = tpu.memref_slice %arg8[%run_scoped3A, %dma_start3A_149] : memref<2x80xi32, #tpu.memory_space<vmem>> -> memref<1x80xi32, #tpu.memory_space<vmem>>
      %dma_start3A_151 = tpu.memref_squeeze %dma_start3A_150 : memref<1x80xi32, #tpu.memory_space<vmem>> -> memref<80xi32, #tpu.memory_space<vmem>>
      %dma_start3A_152 = tpu.memref_slice %arg2[%add3A_4] : memref<320000xi32, #tpu.memory_space<hbm>> -> memref<80xi32, #tpu.memory_space<hbm>>
      %dma_start3A_153 = arith.constant 0 : i32
      %dma_start3A_154 = tpu.memref_slice %arg8[%run_scoped3A, %dma_start3A_153] : memref<2x80xi32, #tpu.memory_space<vmem>> -> memref<1x80xi32, #tpu.memory_space<vmem>>
      %dma_start3A_155 = tpu.memref_squeeze %dma_start3A_154 : memref<1x80xi32, #tpu.memory_space<vmem>> -> memref<80xi32, #tpu.memory_space<vmem>>
      %dma_start3A_156 = tpu.memref_slice %arg2[%add3A_4] : memref<320000xi32, #tpu.memory_space<hbm>> -> memref<80xi32, #tpu.memory_space<hbm>>
      tpu.enqueue_dma source(%dma_start3A_156 : memref<80xi32, #tpu.memory_space<hbm>>) target(%dma_start3A_155 : memref<80xi32, #tpu.memory_space<vmem>>) target_semaphore(%run_scoped3A_148 : memref<!tpu.dma_semaphore, #tpu.memory_space<semaphore_mem>>)
      %dma_wait3A_157 = arith.constant 0 : i32
      %dma_wait3A_158 = tpu.memref_slice %arg8[%run_scoped3A, %dma_wait3A_157] : memref<2x80xi32, #tpu.memory_space<vmem>> -> memref<1x80xi32, #tpu.memory_space<vmem>>
      %dma_wait3A_159 = tpu.memref_squeeze %dma_wait3A_158 : memref<1x80xi32, #tpu.memory_space<vmem>> -> memref<80xi32, #tpu.memory_space<vmem>>
      %dma_wait3A_160 = tpu.memref_slice %arg2[%add3A_4] : memref<320000xi32, #tpu.memory_space<hbm>> -> memref<80xi32, #tpu.memory_space<hbm>>
      %dma_wait3A_161 = arith.constant 0 : i32
      %dma_wait3A_162 = tpu.memref_slice %arg8[%run_scoped3A, %dma_wait3A_161] : memref<2x80xi32, #tpu.memory_space<vmem>> -> memref<1x80xi32, #tpu.memory_space<vmem>>
      %dma_wait3A_163 = tpu.memref_squeeze %dma_wait3A_162 : memref<1x80xi32, #tpu.memory_space<vmem>> -> memref<80xi32, #tpu.memory_space<vmem>>
      %dma_wait3A_164 = tpu.memref_slice %arg2[%add3A_4] : memref<320000xi32, #tpu.memory_space<hbm>> -> memref<80xi32, #tpu.memory_space<hbm>>
      tpu.wait_dma2 semaphore(%run_scoped3A_148 : memref<!tpu.dma_semaphore, #tpu.memory_space<semaphore_mem>>) src(%dma_wait3A_164 : memref<80xi32, #tpu.memory_space<hbm>>) dst(%dma_wait3A_163 : memref<80xi32, #tpu.memory_space<vmem>>)
      tpu.yield
    }) : () -> ()
    %run_scoped3A_5 = arith.constant 0 : i32
    "tpu.region"() ({
      %run_scoped3A_148 = tpu.sem_alloc : memref<!tpu.dma_semaphore, #tpu.memory_space<semaphore_mem>>
      %dma_start3A_149 = arith.constant 0 : i32
      %dma_start3A_150 = tpu.memref_slice %arg10[%run_scoped3A_5, %dma_start3A_149] : memref<2x80xi32, #tpu.memory_space<vmem>> -> memref<1x80xi32, #tpu.memory_space<vmem>>
      %dma_start3A_151 = tpu.memref_squeeze %dma_start3A_150 : memref<1x80xi32, #tpu.memory_space<vmem>> -> memref<80xi32, #tpu.memory_space<vmem>>
      %dma_start3A_152 = tpu.memref_slice %arg3[%add3A_4] : memref<320000xi32, #tpu.memory_space<hbm>> -> memref<80xi32, #tpu.memory_space<hbm>>
      %dma_start3A_153 = arith.constant 0 : i32
      %dma_start3A_154 = tpu.memref_slice %arg10[%run_scoped3A_5, %dma_start3A_153] : memref<2x80xi32, #tpu.memory_space<vmem>> -> memref<1x80xi32, #tpu.memory_space<vmem>>
      %dma_start3A_155 = tpu.memref_squeeze %dma_start3A_154 : memref<1x80xi32, #tpu.memory_space<vmem>> -> memref<80xi32, #tpu.memory_space<vmem>>
      %dma_start3A_156 = tpu.memref_slice %arg3[%add3A_4] : memref<320000xi32, #tpu.memory_space<hbm>> -> memref<80xi32, #tpu.memory_space<hbm>>
      tpu.enqueue_dma source(%dma_start3A_156 : memref<80xi32, #tpu.memory_space<hbm>>) target(%dma_start3A_155 : memref<80xi32, #tpu.memory_space<vmem>>) target_semaphore(%run_scoped3A_148 : memref<!tpu.dma_semaphore, #tpu.memory_space<semaphore_mem>>)
      %dma_wait3A_157 = arith.constant 0 : i32
      %dma_wait3A_158 = tpu.memref_slice %arg10[%run_scoped3A_5, %dma_wait3A_157] : memref<2x80xi32, #tpu.memory_space<vmem>> -> memref<1x80xi32, #tpu.memory_space<vmem>>
      %dma_wait3A_159 = tpu.memref_squeeze %dma_wait3A_158 : memref<1x80xi32, #tpu.memory_space<vmem>> -> memref<80xi32, #tpu.memory_space<vmem>>
      %dma_wait3A_160 = tpu.memref_slice %arg3[%add3A_4] : memref<320000xi32, #tpu.memory_space<hbm>> -> memref<80xi32, #tpu.memory_space<hbm>>
      %dma_wait3A_161 = arith.constant 0 : i32
      %dma_wait3A_162 = tpu.memref_slice %arg10[%run_scoped3A_5, %dma_wait3A_161] : memref<2x80xi32, #tpu.memory_space<vmem>> -> memref<1x80xi32, #tpu.memory_space<vmem>>
      %dma_wait3A_163 = tpu.memref_squeeze %dma_wait3A_162 : memref<1x80xi32, #tpu.memory_space<vmem>> -> memref<80xi32, #tpu.memory_space<vmem>>
      %dma_wait3A_164 = tpu.memref_slice %arg3[%add3A_4] : memref<320000xi32, #tpu.memory_space<hbm>> -> memref<80xi32, #tpu.memory_space<hbm>>
      tpu.wait_dma2 semaphore(%run_scoped3A_148 : memref<!tpu.dma_semaphore, #tpu.memory_space<semaphore_mem>>) src(%dma_wait3A_164 : memref<80xi32, #tpu.memory_space<hbm>>) dst(%dma_wait3A_163 : memref<80xi32, #tpu.memory_space<vmem>>)
      tpu.yield
    }) : () -> ()
    %add3A_6 = arith.constant 0 : i32
    %add3A_7 = arith.addi %mul3A_2, %add3A_6 : i32
    %dma_start3A = arith.constant 0 : i32
    %dma_start3A_8 = arith.constant 0 : i32
    %dma_start3A_9 = arith.constant 0 : i32
    %dma_start3A_10 = arith.constant 0 : i32
    %dma_start3A_11 = tpu.memref_slice %arg9[%dma_start3A_8, %dma_start3A_9, %dma_start3A_10] : memref<2x80x256xf32, #tpu.memory_space<vmem>> -> memref<1x80x256xf32, #tpu.memory_space<vmem>>
    %dma_start3A_12 = tpu.memref_squeeze %dma_start3A_11 : memref<1x80x256xf32, #tpu.memory_space<vmem>> -> memref<80x256xf32, #tpu.memory_space<vmem>>
    %dma_start3A_13 = arith.constant 0 : i32
    %dma_start3A_14 = tpu.memref_slice %arg8[%dma_start3A, %dma_start3A_13] : memref<2x80xi32, #tpu.memory_space<vmem>> -> memref<1x80xi32, #tpu.memory_space<vmem>>
    %dma_start3A_15 = tpu.memref_squeeze %dma_start3A_14 : memref<1x80xi32, #tpu.memory_space<vmem>> -> memref<80xi32, #tpu.memory_space<vmem>>
    %dma_start3A_16 = arith.constant 0 : i32
    %dma_start3A_17 = arith.constant 0 : i32
    %dma_start3A_18 = tpu.memref_slice %arg4[%dma_start3A_16, %dma_start3A_17] : memref<10000x256xf32, #tpu.memory_space<hbm>> -> memref<10000x256xf32, #tpu.memory_space<hbm>>
    tpu.enqueue_indirect_dma source(%dma_start3A_18 : memref<10000x256xf32, #tpu.memory_space<hbm>>) target(%dma_start3A_12 : memref<80x256xf32, #tpu.memory_space<vmem>>) offsets(%dma_start3A_15 : memref<80xi32, #tpu.memory_space<vmem>>) semaphore(%arg12 : memref<!tpu.dma_semaphore, #tpu.memory_space<semaphore_mem>>)
    %dma_start3A_19 = arith.constant 0 : i32
    %dma_start3A_20 = arith.constant 0 : i32
    %dma_start3A_21 = arith.constant 0 : i32
    %dma_start3A_22 = arith.constant 0 : i32
    %dma_start3A_23 = tpu.memref_slice %arg11[%dma_start3A_20, %dma_start3A_21, %dma_start3A_22] : memref<2x80x128xf32, #tpu.memory_space<vmem>> -> memref<1x80x128xf32, #tpu.memory_space<vmem>>
    %dma_start3A_24 = tpu.memref_squeeze %dma_start3A_23 : memref<1x80x128xf32, #tpu.memory_space<vmem>> -> memref<80x128xf32, #tpu.memory_space<vmem>>
    %dma_start3A_25 = arith.constant 0 : i32
    %dma_start3A_26 = tpu.memref_slice %arg10[%dma_start3A_19, %dma_start3A_25] : memref<2x80xi32, #tpu.memory_space<vmem>> -> memref<1x80xi32, #tpu.memory_space<vmem>>
    %dma_start3A_27 = tpu.memref_squeeze %dma_start3A_26 : memref<1x80xi32, #tpu.memory_space<vmem>> -> memref<80xi32, #tpu.memory_space<vmem>>
    %dma_start3A_28 = arith.constant 0 : i32
    %dma_start3A_29 = arith.constant 0 : i32
    %dma_start3A_30 = tpu.memref_slice %arg5[%dma_start3A_28, %dma_start3A_29] : memref<10000x128xf32, #tpu.memory_space<hbm>> -> memref<10000x128xf32, #tpu.memory_space<hbm>>
    tpu.enqueue_indirect_dma source(%dma_start3A_30 : memref<10000x128xf32, #tpu.memory_space<hbm>>) target(%dma_start3A_24 : memref<80x128xf32, #tpu.memory_space<vmem>>) offsets(%dma_start3A_27 : memref<80xi32, #tpu.memory_space<vmem>>) semaphore(%arg14 : memref<!tpu.dma_semaphore, #tpu.memory_space<semaphore_mem>>)
    %scan3A = arith.constant 0 : i32
    %scan3A_31 = arith.constant 0 : i32
    %scan3A_32 = arith.constant 62 : i32
    %scan3A_33 = arith.addi %scan3A_31, %scan3A_32 : i32
    %scan3A_34 = arith.constant 1 : i32
    %scan3A_35 = scf.for %scan3A_148 = %scan3A_31 to %scan3A_33 step %scan3A_34 iter_args(%scan3A_149 = %scan3A) -> (i32)  : i32 {
      %mul3A_150 = arith.constant 2 : i32
      %mul3A_151 = arith.muli %mul3A_150, %scan3A_148 : i32
      %add3A_152 = arith.constant 1 : i32
      %add3A_153 = arith.addi %mul3A_151, %add3A_152 : i32
      %mul3A_154 = arith.constant 80 : i32
      %mul3A_155 = arith.muli %add3A_153, %mul3A_154 : i32
      %add3A_156 = arith.addi %mul3A_2, %mul3A_155 : i32
      %run_scoped3A_157 = arith.constant 1 : i32
      "tpu.region"() ({
        %run_scoped3A_371 = tpu.sem_alloc : memref<!tpu.dma_semaphore, #tpu.memory_space<semaphore_mem>>
        %dma_start3A_372 = arith.constant 0 : i32
        %dma_start3A_373 = tpu.memref_slice %arg8[%run_scoped3A_157, %dma_start3A_372] : memref<2x80xi32, #tpu.memory_space<vmem>> -> memref<1x80xi32, #tpu.memory_space<vmem>>
        %dma_start3A_374 = tpu.memref_squeeze %dma_start3A_373 : memref<1x80xi32, #tpu.memory_space<vmem>> -> memref<80xi32, #tpu.memory_space<vmem>>
        %dma_start3A_375 = tpu.memref_slice %arg2[%add3A_156] : memref<320000xi32, #tpu.memory_space<hbm>> -> memref<80xi32, #tpu.memory_space<hbm>>
        %dma_start3A_376 = arith.constant 0 : i32
        %dma_start3A_377 = tpu.memref_slice %arg8[%run_scoped3A_157, %dma_start3A_376] : memref<2x80xi32, #tpu.memory_space<vmem>> -> memref<1x80xi32, #tpu.memory_space<vmem>>
        %dma_start3A_378 = tpu.memref_squeeze %dma_start3A_377 : memref<1x80xi32, #tpu.memory_space<vmem>> -> memref<80xi32, #tpu.memory_space<vmem>>
        %dma_start3A_379 = tpu.memref_slice %arg2[%add3A_156] : memref<320000xi32, #tpu.memory_space<hbm>> -> memref<80xi32, #tpu.memory_space<hbm>>
        tpu.enqueue_dma source(%dma_start3A_379 : memref<80xi32, #tpu.memory_space<hbm>>) target(%dma_start3A_378 : memref<80xi32, #tpu.memory_space<vmem>>) target_semaphore(%run_scoped3A_371 : memref<!tpu.dma_semaphore, #tpu.memory_space<semaphore_mem>>)
        %dma_wait3A_380 = arith.constant 0 : i32
        %dma_wait3A_381 = tpu.memref_slice %arg8[%run_scoped3A_157, %dma_wait3A_380] : memref<2x80xi32, #tpu.memory_space<vmem>> -> memref<1x80xi32, #tpu.memory_space<vmem>>
        %dma_wait3A_382 = tpu.memref_squeeze %dma_wait3A_381 : memref<1x80xi32, #tpu.memory_space<vmem>> -> memref<80xi32, #tpu.memory_space<vmem>>
        %dma_wait3A_383 = tpu.memref_slice %arg2[%add3A_156] : memref<320000xi32, #tpu.memory_space<hbm>> -> memref<80xi32, #tpu.memory_space<hbm>>
        %dma_wait3A_384 = arith.constant 0 : i32
        %dma_wait3A_385 = tpu.memref_slice %arg8[%run_scoped3A_157, %dma_wait3A_384] : memref<2x80xi32, #tpu.memory_space<vmem>> -> memref<1x80xi32, #tpu.memory_space<vmem>>
        %dma_wait3A_386 = tpu.memref_squeeze %dma_wait3A_385 : memref<1x80xi32, #tpu.memory_space<vmem>> -> memref<80xi32, #tpu.memory_space<vmem>>
        %dma_wait3A_387 = tpu.memref_slice %arg2[%add3A_156] : memref<320000xi32, #tpu.memory_space<hbm>> -> memref<80xi32, #tpu.memory_space<hbm>>
        tpu.wait_dma2 semaphore(%run_scoped3A_371 : memref<!tpu.dma_semaphore, #tpu.memory_space<semaphore_mem>>) src(%dma_wait3A_387 : memref<80xi32, #tpu.memory_space<hbm>>) dst(%dma_wait3A_386 : memref<80xi32, #tpu.memory_space<vmem>>)
        tpu.yield
      }) : () -> ()
      %run_scoped3A_158 = arith.constant 1 : i32
      "tpu.region"() ({
        %run_scoped3A_371 = tpu.sem_alloc : memref<!tpu.dma_semaphore, #tpu.memory_space<semaphore_mem>>
        %dma_start3A_372 = arith.constant 0 : i32
        %dma_start3A_373 = tpu.memref_slice %arg10[%run_scoped3A_158, %dma_start3A_372] : memref<2x80xi32, #tpu.memory_space<vmem>> -> memref<1x80xi32, #tpu.memory_space<vmem>>
        %dma_start3A_374 = tpu.memref_squeeze %dma_start3A_373 : memref<1x80xi32, #tpu.memory_space<vmem>> -> memref<80xi32, #tpu.memory_space<vmem>>
        %dma_start3A_375 = tpu.memref_slice %arg3[%add3A_156] : memref<320000xi32, #tpu.memory_space<hbm>> -> memref<80xi32, #tpu.memory_space<hbm>>
        %dma_start3A_376 = arith.constant 0 : i32
        %dma_start3A_377 = tpu.memref_slice %arg10[%run_scoped3A_158, %dma_start3A_376] : memref<2x80xi32, #tpu.memory_space<vmem>> -> memref<1x80xi32, #tpu.memory_space<vmem>>
        %dma_start3A_378 = tpu.memref_squeeze %dma_start3A_377 : memref<1x80xi32, #tpu.memory_space<vmem>> -> memref<80xi32, #tpu.memory_space<vmem>>
        %dma_start3A_379 = tpu.memref_slice %arg3[%add3A_156] : memref<320000xi32, #tpu.memory_space<hbm>> -> memref<80xi32, #tpu.memory_space<hbm>>
        tpu.enqueue_dma source(%dma_start3A_379 : memref<80xi32, #tpu.memory_space<hbm>>) target(%dma_start3A_378 : memref<80xi32, #tpu.memory_space<vmem>>) target_semaphore(%run_scoped3A_371 : memref<!tpu.dma_semaphore, #tpu.memory_space<semaphore_mem>>)
        %dma_wait3A_380 = arith.constant 0 : i32
        %dma_wait3A_381 = tpu.memref_slice %arg10[%run_scoped3A_158, %dma_wait3A_380] : memref<2x80xi32, #tpu.memory_space<vmem>> -> memref<1x80xi32, #tpu.memory_space<vmem>>
        %dma_wait3A_382 = tpu.memref_squeeze %dma_wait3A_381 : memref<1x80xi32, #tpu.memory_space<vmem>> -> memref<80xi32, #tpu.memory_space<vmem>>
        %dma_wait3A_383 = tpu.memref_slice %arg3[%add3A_156] : memref<320000xi32, #tpu.memory_space<hbm>> -> memref<80xi32, #tpu.memory_space<hbm>>
        %dma_wait3A_384 = arith.constant 0 : i32
        %dma_wait3A_385 = tpu.memref_slice %arg10[%run_scoped3A_158, %dma_wait3A_384] : memref<2x80xi32, #tpu.memory_space<vmem>> -> memref<1x80xi32, #tpu.memory_space<vmem>>
        %dma_wait3A_386 = tpu.memref_squeeze %dma_wait3A_385 : memref<1x80xi32, #tpu.memory_space<vmem>> -> memref<80xi32, #tpu.memory_space<vmem>>
        %dma_wait3A_387 = tpu.memref_slice %arg3[%add3A_156] : memref<320000xi32, #tpu.memory_space<hbm>> -> memref<80xi32, #tpu.memory_space<hbm>>
        tpu.wait_dma2 semaphore(%run_scoped3A_371 : memref<!tpu.dma_semaphore, #tpu.memory_space<semaphore_mem>>) src(%dma_wait3A_387 : memref<80xi32, #tpu.memory_space<hbm>>) dst(%dma_wait3A_386 : memref<80xi32, #tpu.memory_space<vmem>>)
        tpu.yield
      }) : () -> ()
      %mul3A_159 = arith.constant 80 : i32
      %mul3A_160 = arith.muli %add3A_153, %mul3A_159 : i32
      %add3A_161 = arith.addi %mul3A_2, %mul3A_160 : i32
      %dma_start3A_162 = arith.constant 1 : i32
      %dma_start3A_163 = arith.constant 1 : i32
      %dma_start3A_164 = arith.constant 0 : i32
      %dma_start3A_165 = arith.constant 0 : i32
      %dma_start3A_166 = tpu.memref_slice %arg9[%dma_start3A_163, %dma_start3A_164, %dma_start3A_165] : memref<2x80x256xf32, #tpu.memory_space<vmem>> -> memref<1x80x256xf32, #tpu.memory_space<vmem>>
      %dma_start3A_167 = tpu.memref_squeeze %dma_start3A_166 : memref<1x80x256xf32, #tpu.memory_space<vmem>> -> memref<80x256xf32, #tpu.memory_space<vmem>>
      %dma_start3A_168 = arith.constant 0 : i32
      %dma_start3A_169 = tpu.memref_slice %arg8[%dma_start3A_162, %dma_start3A_168] : memref<2x80xi32, #tpu.memory_space<vmem>> -> memref<1x80xi32, #tpu.memory_space<vmem>>
      %dma_start3A_170 = tpu.memref_squeeze %dma_start3A_169 : memref<1x80xi32, #tpu.memory_space<vmem>> -> memref<80xi32, #tpu.memory_space<vmem>>
      %dma_start3A_171 = arith.constant 0 : i32
      %dma_start3A_172 = arith.constant 0 : i32
      %dma_start3A_173 = tpu.memref_slice %arg4[%dma_start3A_171, %dma_start3A_172] : memref<10000x256xf32, #tpu.memory_space<hbm>> -> memref<10000x256xf32, #tpu.memory_space<hbm>>
      tpu.enqueue_indirect_dma source(%dma_start3A_173 : memref<10000x256xf32, #tpu.memory_space<hbm>>) target(%dma_start3A_167 : memref<80x256xf32, #tpu.memory_space<vmem>>) offsets(%dma_start3A_170 : memref<80xi32, #tpu.memory_space<vmem>>) semaphore(%arg13 : memref<!tpu.dma_semaphore, #tpu.memory_space<semaphore_mem>>)
      %dma_start3A_174 = arith.constant 1 : i32
      %dma_start3A_175 = arith.constant 1 : i32
      %dma_start3A_176 = arith.constant 0 : i32
      %dma_start3A_177 = arith.constant 0 : i32
      %dma_start3A_178 = tpu.memref_slice %arg11[%dma_start3A_175, %dma_start3A_176, %dma_start3A_177] : memref<2x80x128xf32, #tpu.memory_space<vmem>> -> memref<1x80x128xf32, #tpu.memory_space<vmem>>
      %dma_start3A_179 = tpu.memref_squeeze %dma_start3A_178 : memref<1x80x128xf32, #tpu.memory_space<vmem>> -> memref<80x128xf32, #tpu.memory_space<vmem>>
      %dma_start3A_180 = arith.constant 0 : i32
      %dma_start3A_181 = tpu.memref_slice %arg10[%dma_start3A_174, %dma_start3A_180] : memref<2x80xi32, #tpu.memory_space<vmem>> -> memref<1x80xi32, #tpu.memory_space<vmem>>
      %dma_start3A_182 = tpu.memref_squeeze %dma_start3A_181 : memref<1x80xi32, #tpu.memory_space<vmem>> -> memref<80xi32, #tpu.memory_space<vmem>>
      %dma_start3A_183 = arith.constant 0 : i32
      %dma_start3A_184 = arith.constant 0 : i32
      %dma_start3A_185 = tpu.memref_slice %arg5[%dma_start3A_183, %dma_start3A_184] : memref<10000x128xf32, #tpu.memory_space<hbm>> -> memref<10000x128xf32, #tpu.memory_space<hbm>>
      tpu.enqueue_indirect_dma source(%dma_start3A_185 : memref<10000x128xf32, #tpu.memory_space<hbm>>) target(%dma_start3A_179 : memref<80x128xf32, #tpu.memory_space<vmem>>) offsets(%dma_start3A_182 : memref<80xi32, #tpu.memory_space<vmem>>) semaphore(%arg15 : memref<!tpu.dma_semaphore, #tpu.memory_space<semaphore_mem>>)
      %mul3A_186 = arith.constant 2 : i32
      %mul3A_187 = arith.muli %mul3A_186, %scan3A_148 : i32
      %mul3A_188 = arith.constant 80 : i32
      %mul3A_189 = arith.muli %mul3A_187, %mul3A_188 : i32
      %add3A_190 = arith.addi %mul3A_2, %mul3A_189 : i32
      %dma_wait3A_191 = arith.constant 0 : i32
      %dma_wait3A_192 = arith.constant 0 : i32
      %dma_wait3A_193 = arith.constant 0 : i32
      %dma_wait3A_194 = arith.constant 0 : i32
      %dma_wait3A_195 = tpu.memref_slice %arg9[%dma_wait3A_192, %dma_wait3A_193, %dma_wait3A_194] : memref<2x80x256xf32, #tpu.memory_space<vmem>> -> memref<1x80x256xf32, #tpu.memory_space<vmem>>
      %dma_wait3A_196 = tpu.memref_squeeze %dma_wait3A_195 : memref<1x80x256xf32, #tpu.memory_space<vmem>> -> memref<80x256xf32, #tpu.memory_space<vmem>>
      %dma_wait3A_197 = arith.constant 0 : i32
      %dma_wait3A_198 = tpu.memref_slice %arg8[%dma_wait3A_191, %dma_wait3A_197] : memref<2x80xi32, #tpu.memory_space<vmem>> -> memref<1x80xi32, #tpu.memory_space<vmem>>
      %dma_wait3A_199 = tpu.memref_squeeze %dma_wait3A_198 : memref<1x80xi32, #tpu.memory_space<vmem>> -> memref<80xi32, #tpu.memory_space<vmem>>
      %dma_wait3A_200 = arith.constant 0 : i32
      %dma_wait3A_201 = arith.constant 0 : i32
      %dma_wait3A_202 = tpu.memref_slice %arg4[%dma_wait3A_200, %dma_wait3A_201] : memref<10000x256xf32, #tpu.memory_space<hbm>> -> memref<10000x256xf32, #tpu.memory_space<hbm>>
      tpu.wait_indirect_dma semaphore(%arg12 : memref<!tpu.dma_semaphore, #tpu.memory_space<semaphore_mem>>) src(%dma_wait3A_202 : memref<10000x256xf32, #tpu.memory_space<hbm>>) dst(%dma_wait3A_196 : memref<80x256xf32, #tpu.memory_space<vmem>>)
      %dma_wait3A_203 = arith.constant 0 : i32
      %dma_wait3A_204 = arith.constant 0 : i32
      %dma_wait3A_205 = arith.constant 0 : i32
      %dma_wait3A_206 = arith.constant 0 : i32
      %dma_wait3A_207 = tpu.memref_slice %arg11[%dma_wait3A_204, %dma_wait3A_205, %dma_wait3A_206] : memref<2x80x128xf32, #tpu.memory_space<vmem>> -> memref<1x80x128xf32, #tpu.memory_space<vmem>>
      %dma_wait3A_208 = tpu.memref_squeeze %dma_wait3A_207 : memref<1x80x128xf32, #tpu.memory_space<vmem>> -> memref<80x128xf32, #tpu.memory_space<vmem>>
      %dma_wait3A_209 = arith.constant 0 : i32
      %dma_wait3A_210 = tpu.memref_slice %arg10[%dma_wait3A_203, %dma_wait3A_209] : memref<2x80xi32, #tpu.memory_space<vmem>> -> memref<1x80xi32, #tpu.memory_space<vmem>>
      %dma_wait3A_211 = tpu.memref_squeeze %dma_wait3A_210 : memref<1x80xi32, #tpu.memory_space<vmem>> -> memref<80xi32, #tpu.memory_space<vmem>>
      %dma_wait3A_212 = arith.constant 0 : i32
      %dma_wait3A_213 = arith.constant 0 : i32
      %dma_wait3A_214 = tpu.memref_slice %arg5[%dma_wait3A_212, %dma_wait3A_213] : memref<10000x128xf32, #tpu.memory_space<hbm>> -> memref<10000x128xf32, #tpu.memory_space<hbm>>
      tpu.wait_indirect_dma semaphore(%arg14 : memref<!tpu.dma_semaphore, #tpu.memory_space<semaphore_mem>>) src(%dma_wait3A_214 : memref<10000x128xf32, #tpu.memory_space<hbm>>) dst(%dma_wait3A_208 : memref<80x128xf32, #tpu.memory_space<vmem>>)
      %mul3A_215 = arith.constant 80 : i32
      %mul3A_216 = arith.muli %mul3A_187, %mul3A_215 : i32
      %add3A_217 = arith.addi %mul3A_2, %mul3A_216 : i32
      %dma_start3A_218 = arith.constant 0 : i32
      %dma_start3A_219 = arith.constant 0 : i32
      %dma_start3A_220 = arith.constant 0 : i32
      %dma_start3A_221 = tpu.memref_slice %arg9[%dma_start3A_218, %dma_start3A_219, %dma_start3A_220] : memref<2x80x256xf32, #tpu.memory_space<vmem>> -> memref<1x80x256xf32, #tpu.memory_space<vmem>>
      %dma_start3A_222 = tpu.memref_squeeze %dma_start3A_221 : memref<1x80x256xf32, #tpu.memory_space<vmem>> -> memref<80x256xf32, #tpu.memory_space<vmem>>
      %dma_start3A_223 = arith.constant 0 : i32
      %dma_start3A_224 = tpu.memref_slice %arg6[%add3A_217, %dma_start3A_223] : memref<320000x256xf32, #tpu.memory_space<hbm>> -> memref<80x256xf32, #tpu.memory_space<hbm>>
      %dma_start3A_225 = arith.constant 0 : i32
      %dma_start3A_226 = tpu.memref_slice %arg6[%add3A_217, %dma_start3A_225] : memref<320000x256xf32, #tpu.memory_space<hbm>> -> memref<80x256xf32, #tpu.memory_space<hbm>>
      %dma_start3A_227 = arith.constant 0 : i32
      %dma_start3A_228 = arith.constant 0 : i32
      %dma_start3A_229 = tpu.memref_slice %arg9[%dma_start3A_218, %dma_start3A_227, %dma_start3A_228] : memref<2x80x256xf32, #tpu.memory_space<vmem>> -> memref<1x80x256xf32, #tpu.memory_space<vmem>>
      %dma_start3A_230 = tpu.memref_squeeze %dma_start3A_229 : memref<1x80x256xf32, #tpu.memory_space<vmem>> -> memref<80x256xf32, #tpu.memory_space<vmem>>
      tpu.enqueue_dma source(%dma_start3A_230 : memref<80x256xf32, #tpu.memory_space<vmem>>) target(%dma_start3A_226 : memref<80x256xf32, #tpu.memory_space<hbm>>) target_semaphore(%arg16 : memref<!tpu.dma_semaphore, #tpu.memory_space<semaphore_mem>>)
      %dma_start3A_231 = arith.constant 0 : i32
      %dma_start3A_232 = arith.constant 0 : i32
      %dma_start3A_233 = arith.constant 0 : i32
      %dma_start3A_234 = tpu.memref_slice %arg11[%dma_start3A_231, %dma_start3A_232, %dma_start3A_233] : memref<2x80x128xf32, #tpu.memory_space<vmem>> -> memref<1x80x128xf32, #tpu.memory_space<vmem>>
      %dma_start3A_235 = tpu.memref_squeeze %dma_start3A_234 : memref<1x80x128xf32, #tpu.memory_space<vmem>> -> memref<80x128xf32, #tpu.memory_space<vmem>>
      %dma_start3A_236 = arith.constant 0 : i32
      %dma_start3A_237 = tpu.memref_slice %arg7[%add3A_217, %dma_start3A_236] : memref<320000x128xf32, #tpu.memory_space<hbm>> -> memref<80x128xf32, #tpu.memory_space<hbm>>
      %dma_start3A_238 = arith.constant 0 : i32
      %dma_start3A_239 = tpu.memref_slice %arg7[%add3A_217, %dma_start3A_238] : memref<320000x128xf32, #tpu.memory_space<hbm>> -> memref<80x128xf32, #tpu.memory_space<hbm>>
      %dma_start3A_240 = arith.constant 0 : i32
      %dma_start3A_241 = arith.constant 0 : i32
      %dma_start3A_242 = tpu.memref_slice %arg11[%dma_start3A_231, %dma_start3A_240, %dma_start3A_241] : memref<2x80x128xf32, #tpu.memory_space<vmem>> -> memref<1x80x128xf32, #tpu.memory_space<vmem>>
      %dma_start3A_243 = tpu.memref_squeeze %dma_start3A_242 : memref<1x80x128xf32, #tpu.memory_space<vmem>> -> memref<80x128xf32, #tpu.memory_space<vmem>>
      tpu.enqueue_dma source(%dma_start3A_243 : memref<80x128xf32, #tpu.memory_space<vmem>>) target(%dma_start3A_239 : memref<80x128xf32, #tpu.memory_space<hbm>>) target_semaphore(%arg18 : memref<!tpu.dma_semaphore, #tpu.memory_space<semaphore_mem>>)
      %mul3A_244 = arith.constant 2 : i32
      %mul3A_245 = arith.muli %mul3A_244, %scan3A_148 : i32
      %mul3A_246 = arith.constant 80 : i32
      %mul3A_247 = arith.muli %mul3A_245, %mul3A_246 : i32
      %add3A_248 = arith.addi %mul3A_2, %mul3A_247 : i32
      %dma_wait3A_249 = arith.constant 0 : i32
      %dma_wait3A_250 = arith.constant 0 : i32
      %dma_wait3A_251 = arith.constant 0 : i32
      %dma_wait3A_252 = tpu.memref_slice %arg9[%dma_wait3A_249, %dma_wait3A_250, %dma_wait3A_251] : memref<2x80x256xf32, #tpu.memory_space<vmem>> -> memref<1x80x256xf32, #tpu.memory_space<vmem>>
      %dma_wait3A_253 = tpu.memref_squeeze %dma_wait3A_252 : memref<1x80x256xf32, #tpu.memory_space<vmem>> -> memref<80x256xf32, #tpu.memory_space<vmem>>
      %dma_wait3A_254 = arith.constant 0 : i32
      %dma_wait3A_255 = tpu.memref_slice %arg6[%add3A_248, %dma_wait3A_254] : memref<320000x256xf32, #tpu.memory_space<hbm>> -> memref<80x256xf32, #tpu.memory_space<hbm>>
      %dma_wait3A_256 = arith.constant 0 : i32
      %dma_wait3A_257 = tpu.memref_slice %arg6[%add3A_248, %dma_wait3A_256] : memref<320000x256xf32, #tpu.memory_space<hbm>> -> memref<80x256xf32, #tpu.memory_space<hbm>>
      %dma_wait3A_258 = arith.constant 0 : i32
      %dma_wait3A_259 = arith.constant 0 : i32
      %dma_wait3A_260 = tpu.memref_slice %arg9[%dma_wait3A_249, %dma_wait3A_258, %dma_wait3A_259] : memref<2x80x256xf32, #tpu.memory_space<vmem>> -> memref<1x80x256xf32, #tpu.memory_space<vmem>>
      %dma_wait3A_261 = tpu.memref_squeeze %dma_wait3A_260 : memref<1x80x256xf32, #tpu.memory_space<vmem>> -> memref<80x256xf32, #tpu.memory_space<vmem>>
      tpu.wait_dma2 semaphore(%arg16 : memref<!tpu.dma_semaphore, #tpu.memory_space<semaphore_mem>>) src(%dma_wait3A_261 : memref<80x256xf32, #tpu.memory_space<vmem>>) dst(%dma_wait3A_257 : memref<80x256xf32, #tpu.memory_space<hbm>>)
      %dma_wait3A_262 = arith.constant 0 : i32
      %dma_wait3A_263 = arith.constant 0 : i32
      %dma_wait3A_264 = arith.constant 0 : i32
      %dma_wait3A_265 = tpu.memref_slice %arg11[%dma_wait3A_262, %dma_wait3A_263, %dma_wait3A_264] : memref<2x80x128xf32, #tpu.memory_space<vmem>> -> memref<1x80x128xf32, #tpu.memory_space<vmem>>
      %dma_wait3A_266 = tpu.memref_squeeze %dma_wait3A_265 : memref<1x80x128xf32, #tpu.memory_space<vmem>> -> memref<80x128xf32, #tpu.memory_space<vmem>>
      %dma_wait3A_267 = arith.constant 0 : i32
      %dma_wait3A_268 = tpu.memref_slice %arg7[%add3A_248, %dma_wait3A_267] : memref<320000x128xf32, #tpu.memory_space<hbm>> -> memref<80x128xf32, #tpu.memory_space<hbm>>
      %dma_wait3A_269 = arith.constant 0 : i32
      %dma_wait3A_270 = tpu.memref_slice %arg7[%add3A_248, %dma_wait3A_269] : memref<320000x128xf32, #tpu.memory_space<hbm>> -> memref<80x128xf32, #tpu.memory_space<hbm>>
      %dma_wait3A_271 = arith.constant 0 : i32
      %dma_wait3A_272 = arith.constant 0 : i32
      %dma_wait3A_273 = tpu.memref_slice %arg11[%dma_wait3A_262, %dma_wait3A_271, %dma_wait3A_272] : memref<2x80x128xf32, #tpu.memory_space<vmem>> -> memref<1x80x128xf32, #tpu.memory_space<vmem>>
      %dma_wait3A_274 = tpu.memref_squeeze %dma_wait3A_273 : memref<1x80x128xf32, #tpu.memory_space<vmem>> -> memref<80x128xf32, #tpu.memory_space<vmem>>
      tpu.wait_dma2 semaphore(%arg18 : memref<!tpu.dma_semaphore, #tpu.memory_space<semaphore_mem>>) src(%dma_wait3A_274 : memref<80x128xf32, #tpu.memory_space<vmem>>) dst(%dma_wait3A_270 : memref<80x128xf32, #tpu.memory_space<hbm>>)
      %lt3A = arith.constant 61 : i32
      %lt3A_275 = arith.cmpi slt, %scan3A_148, %lt3A : i32
      %convert_element_type3A = arith.extui %lt3A_275 : i1 to i32
      %cond3A = arith.constant 0 : i32
      %cond3A_276 = arith.cmpi ne, %convert_element_type3A, %cond3A : i32
      scf.if %cond3A_276 {
        %mul3A_371 = arith.constant 2 : i32
        %mul3A_372 = arith.muli %mul3A_371, %scan3A_148 : i32
        %add3A_373 = arith.constant 2 : i32
        %add3A_374 = arith.addi %mul3A_372, %add3A_373 : i32
        %mul3A_375 = arith.constant 80 : i32
        %mul3A_376 = arith.muli %add3A_374, %mul3A_375 : i32
        %add3A_377 = arith.addi %mul3A_2, %mul3A_376 : i32
        %run_scoped3A_378 = arith.constant 0 : i32
        "tpu.region"() ({
          %run_scoped3A_407 = tpu.sem_alloc : memref<!tpu.dma_semaphore, #tpu.memory_space<semaphore_mem>>
          %dma_start3A_408 = arith.constant 0 : i32
          %dma_start3A_409 = tpu.memref_slice %arg8[%run_scoped3A_378, %dma_start3A_408] : memref<2x80xi32, #tpu.memory_space<vmem>> -> memref<1x80xi32, #tpu.memory_space<vmem>>
          %dma_start3A_410 = tpu.memref_squeeze %dma_start3A_409 : memref<1x80xi32, #tpu.memory_space<vmem>> -> memref<80xi32, #tpu.memory_space<vmem>>
          %dma_start3A_411 = tpu.memref_slice %arg2[%add3A_377] : memref<320000xi32, #tpu.memory_space<hbm>> -> memref<80xi32, #tpu.memory_space<hbm>>
          %dma_start3A_412 = arith.constant 0 : i32
          %dma_start3A_413 = tpu.memref_slice %arg8[%run_scoped3A_378, %dma_start3A_412] : memref<2x80xi32, #tpu.memory_space<vmem>> -> memref<1x80xi32, #tpu.memory_space<vmem>>
          %dma_start3A_414 = tpu.memref_squeeze %dma_start3A_413 : memref<1x80xi32, #tpu.memory_space<vmem>> -> memref<80xi32, #tpu.memory_space<vmem>>
          %dma_start3A_415 = tpu.memref_slice %arg2[%add3A_377] : memref<320000xi32, #tpu.memory_space<hbm>> -> memref<80xi32, #tpu.memory_space<hbm>>
          tpu.enqueue_dma source(%dma_start3A_415 : memref<80xi32, #tpu.memory_space<hbm>>) target(%dma_start3A_414 : memref<80xi32, #tpu.memory_space<vmem>>) target_semaphore(%run_scoped3A_407 : memref<!tpu.dma_semaphore, #tpu.memory_space<semaphore_mem>>)
          %dma_wait3A_416 = arith.constant 0 : i32
          %dma_wait3A_417 = tpu.memref_slice %arg8[%run_scoped3A_378, %dma_wait3A_416] : memref<2x80xi32, #tpu.memory_space<vmem>> -> memref<1x80xi32, #tpu.memory_space<vmem>>
          %dma_wait3A_418 = tpu.memref_squeeze %dma_wait3A_417 : memref<1x80xi32, #tpu.memory_space<vmem>> -> memref<80xi32, #tpu.memory_space<vmem>>
          %dma_wait3A_419 = tpu.memref_slice %arg2[%add3A_377] : memref<320000xi32, #tpu.memory_space<hbm>> -> memref<80xi32, #tpu.memory_space<hbm>>
          %dma_wait3A_420 = arith.constant 0 : i32
          %dma_wait3A_421 = tpu.memref_slice %arg8[%run_scoped3A_378, %dma_wait3A_420] : memref<2x80xi32, #tpu.memory_space<vmem>> -> memref<1x80xi32, #tpu.memory_space<vmem>>
          %dma_wait3A_422 = tpu.memref_squeeze %dma_wait3A_421 : memref<1x80xi32, #tpu.memory_space<vmem>> -> memref<80xi32, #tpu.memory_space<vmem>>
          %dma_wait3A_423 = tpu.memref_slice %arg2[%add3A_377] : memref<320000xi32, #tpu.memory_space<hbm>> -> memref<80xi32, #tpu.memory_space<hbm>>
          tpu.wait_dma2 semaphore(%run_scoped3A_407 : memref<!tpu.dma_semaphore, #tpu.memory_space<semaphore_mem>>) src(%dma_wait3A_423 : memref<80xi32, #tpu.memory_space<hbm>>) dst(%dma_wait3A_422 : memref<80xi32, #tpu.memory_space<vmem>>)
          tpu.yield
        }) : () -> ()
        %run_scoped3A_379 = arith.constant 0 : i32
        "tpu.region"() ({
          %run_scoped3A_407 = tpu.sem_alloc : memref<!tpu.dma_semaphore, #tpu.memory_space<semaphore_mem>>
          %dma_start3A_408 = arith.constant 0 : i32
          %dma_start3A_409 = tpu.memref_slice %arg10[%run_scoped3A_379, %dma_start3A_408] : memref<2x80xi32, #tpu.memory_space<vmem>> -> memref<1x80xi32, #tpu.memory_space<vmem>>
          %dma_start3A_410 = tpu.memref_squeeze %dma_start3A_409 : memref<1x80xi32, #tpu.memory_space<vmem>> -> memref<80xi32, #tpu.memory_space<vmem>>
          %dma_start3A_411 = tpu.memref_slice %arg3[%add3A_377] : memref<320000xi32, #tpu.memory_space<hbm>> -> memref<80xi32, #tpu.memory_space<hbm>>
          %dma_start3A_412 = arith.constant 0 : i32
          %dma_start3A_413 = tpu.memref_slice %arg10[%run_scoped3A_379, %dma_start3A_412] : memref<2x80xi32, #tpu.memory_space<vmem>> -> memref<1x80xi32, #tpu.memory_space<vmem>>
          %dma_start3A_414 = tpu.memref_squeeze %dma_start3A_413 : memref<1x80xi32, #tpu.memory_space<vmem>> -> memref<80xi32, #tpu.memory_space<vmem>>
          %dma_start3A_415 = tpu.memref_slice %arg3[%add3A_377] : memref<320000xi32, #tpu.memory_space<hbm>> -> memref<80xi32, #tpu.memory_space<hbm>>
          tpu.enqueue_dma source(%dma_start3A_415 : memref<80xi32, #tpu.memory_space<hbm>>) target(%dma_start3A_414 : memref<80xi32, #tpu.memory_space<vmem>>) target_semaphore(%run_scoped3A_407 : memref<!tpu.dma_semaphore, #tpu.memory_space<semaphore_mem>>)
          %dma_wait3A_416 = arith.constant 0 : i32
          %dma_wait3A_417 = tpu.memref_slice %arg10[%run_scoped3A_379, %dma_wait3A_416] : memref<2x80xi32, #tpu.memory_space<vmem>> -> memref<1x80xi32, #tpu.memory_space<vmem>>
          %dma_wait3A_418 = tpu.memref_squeeze %dma_wait3A_417 : memref<1x80xi32, #tpu.memory_space<vmem>> -> memref<80xi32, #tpu.memory_space<vmem>>
          %dma_wait3A_419 = tpu.memref_slice %arg3[%add3A_377] : memref<320000xi32, #tpu.memory_space<hbm>> -> memref<80xi32, #tpu.memory_space<hbm>>
          %dma_wait3A_420 = arith.constant 0 : i32
          %dma_wait3A_421 = tpu.memref_slice %arg10[%run_scoped3A_379, %dma_wait3A_420] : memref<2x80xi32, #tpu.memory_space<vmem>> -> memref<1x80xi32, #tpu.memory_space<vmem>>
          %dma_wait3A_422 = tpu.memref_squeeze %dma_wait3A_421 : memref<1x80xi32, #tpu.memory_space<vmem>> -> memref<80xi32, #tpu.memory_space<vmem>>
          %dma_wait3A_423 = tpu.memref_slice %arg3[%add3A_377] : memref<320000xi32, #tpu.memory_space<hbm>> -> memref<80xi32, #tpu.memory_space<hbm>>
          tpu.wait_dma2 semaphore(%run_scoped3A_407 : memref<!tpu.dma_semaphore, #tpu.memory_space<semaphore_mem>>) src(%dma_wait3A_423 : memref<80xi32, #tpu.memory_space<hbm>>) dst(%dma_wait3A_422 : memref<80xi32, #tpu.memory_space<vmem>>)
          tpu.yield
        }) : () -> ()
        %mul3A_380 = arith.constant 80 : i32
        %mul3A_381 = arith.muli %add3A_374, %mul3A_380 : i32
        %add3A_382 = arith.addi %mul3A_2, %mul3A_381 : i32
        %dma_start3A_383 = arith.constant 0 : i32
        %dma_start3A_384 = arith.constant 0 : i32
        %dma_start3A_385 = arith.constant 0 : i32
        %dma_start3A_386 = arith.constant 0 : i32
        %dma_start3A_387 = tpu.memref_slice %arg9[%dma_start3A_384, %dma_start3A_385, %dma_start3A_386] : memref<2x80x256xf32, #tpu.memory_space<vmem>> -> memref<1x80x256xf32, #tpu.memory_space<vmem>>
        %dma_start3A_388 = tpu.memref_squeeze %dma_start3A_387 : memref<1x80x256xf32, #tpu.memory_space<vmem>> -> memref<80x256xf32, #tpu.memory_space<vmem>>
        %dma_start3A_389 = arith.constant 0 : i32
        %dma_start3A_390 = tpu.memref_slice %arg8[%dma_start3A_383, %dma_start3A_389] : memref<2x80xi32, #tpu.memory_space<vmem>> -> memref<1x80xi32, #tpu.memory_space<vmem>>
        %dma_start3A_391 = tpu.memref_squeeze %dma_start3A_390 : memref<1x80xi32, #tpu.memory_space<vmem>> -> memref<80xi32, #tpu.memory_space<vmem>>
        %dma_start3A_392 = arith.constant 0 : i32
        %dma_start3A_393 = arith.constant 0 : i32
        %dma_start3A_394 = tpu.memref_slice %arg4[%dma_start3A_392, %dma_start3A_393] : memref<10000x256xf32, #tpu.memory_space<hbm>> -> memref<10000x256xf32, #tpu.memory_space<hbm>>
        tpu.enqueue_indirect_dma source(%dma_start3A_394 : memref<10000x256xf32, #tpu.memory_space<hbm>>) target(%dma_start3A_388 : memref<80x256xf32, #tpu.memory_space<vmem>>) offsets(%dma_start3A_391 : memref<80xi32, #tpu.memory_space<vmem>>) semaphore(%arg12 : memref<!tpu.dma_semaphore, #tpu.memory_space<semaphore_mem>>)
        %dma_start3A_395 = arith.constant 0 : i32
        %dma_start3A_396 = arith.constant 0 : i32
        %dma_start3A_397 = arith.constant 0 : i32
        %dma_start3A_398 = arith.constant 0 : i32
        %dma_start3A_399 = tpu.memref_slice %arg11[%dma_start3A_396, %dma_start3A_397, %dma_start3A_398] : memref<2x80x128xf32, #tpu.memory_space<vmem>> -> memref<1x80x128xf32, #tpu.memory_space<vmem>>
        %dma_start3A_400 = tpu.memref_squeeze %dma_start3A_399 : memref<1x80x128xf32, #tpu.memory_space<vmem>> -> memref<80x128xf32, #tpu.memory_space<vmem>>
        %dma_start3A_401 = arith.constant 0 : i32
        %dma_start3A_402 = tpu.memref_slice %arg10[%dma_start3A_395, %dma_start3A_401] : memref<2x80xi32, #tpu.memory_space<vmem>> -> memref<1x80xi32, #tpu.memory_space<vmem>>
        %dma_start3A_403 = tpu.memref_squeeze %dma_start3A_402 : memref<1x80xi32, #tpu.memory_space<vmem>> -> memref<80xi32, #tpu.memory_space<vmem>>
        %dma_start3A_404 = arith.constant 0 : i32
        %dma_start3A_405 = arith.constant 0 : i32
        %dma_start3A_406 = tpu.memref_slice %arg5[%dma_start3A_404, %dma_start3A_405] : memref<10000x128xf32, #tpu.memory_space<hbm>> -> memref<10000x128xf32, #tpu.memory_space<hbm>>
        tpu.enqueue_indirect_dma source(%dma_start3A_406 : memref<10000x128xf32, #tpu.memory_space<hbm>>) target(%dma_start3A_400 : memref<80x128xf32, #tpu.memory_space<vmem>>) offsets(%dma_start3A_403 : memref<80xi32, #tpu.memory_space<vmem>>) semaphore(%arg14 : memref<!tpu.dma_semaphore, #tpu.memory_space<semaphore_mem>>)
      } else {
      }
      %mul3A_277 = arith.constant 2 : i32
      %mul3A_278 = arith.muli %mul3A_277, %scan3A_148 : i32
      %add3A_279 = arith.constant 1 : i32
      %add3A_280 = arith.addi %mul3A_278, %add3A_279 : i32
      %mul3A_281 = arith.constant 80 : i32
      %mul3A_282 = arith.muli %add3A_280, %mul3A_281 : i32
      %add3A_283 = arith.addi %mul3A_2, %mul3A_282 : i32
      %dma_wait3A_284 = arith.constant 1 : i32
      %dma_wait3A_285 = arith.constant 1 : i32
      %dma_wait3A_286 = arith.constant 0 : i32
      %dma_wait3A_287 = arith.constant 0 : i32
      %dma_wait3A_288 = tpu.memref_slice %arg9[%dma_wait3A_285, %dma_wait3A_286, %dma_wait3A_287] : memref<2x80x256xf32, #tpu.memory_space<vmem>> -> memref<1x80x256xf32, #tpu.memory_space<vmem>>
      %dma_wait3A_289 = tpu.memref_squeeze %dma_wait3A_288 : memref<1x80x256xf32, #tpu.memory_space<vmem>> -> memref<80x256xf32, #tpu.memory_space<vmem>>
      %dma_wait3A_290 = arith.constant 0 : i32
      %dma_wait3A_291 = tpu.memref_slice %arg8[%dma_wait3A_284, %dma_wait3A_290] : memref<2x80xi32, #tpu.memory_space<vmem>> -> memref<1x80xi32, #tpu.memory_space<vmem>>
      %dma_wait3A_292 = tpu.memref_squeeze %dma_wait3A_291 : memref<1x80xi32, #tpu.memory_space<vmem>> -> memref<80xi32, #tpu.memory_space<vmem>>
      %dma_wait3A_293 = arith.constant 0 : i32
      %dma_wait3A_294 = arith.constant 0 : i32
      %dma_wait3A_295 = tpu.memref_slice %arg4[%dma_wait3A_293, %dma_wait3A_294] : memref<10000x256xf32, #tpu.memory_space<hbm>> -> memref<10000x256xf32, #tpu.memory_space<hbm>>
      tpu.wait_indirect_dma semaphore(%arg13 : memref<!tpu.dma_semaphore, #tpu.memory_space<semaphore_mem>>) src(%dma_wait3A_295 : memref<10000x256xf32, #tpu.memory_space<hbm>>) dst(%dma_wait3A_289 : memref<80x256xf32, #tpu.memory_space<vmem>>)
      %dma_wait3A_296 = arith.constant 1 : i32
      %dma_wait3A_297 = arith.constant 1 : i32
      %dma_wait3A_298 = arith.constant 0 : i32
      %dma_wait3A_299 = arith.constant 0 : i32
      %dma_wait3A_300 = tpu.memref_slice %arg11[%dma_wait3A_297, %dma_wait3A_298, %dma_wait3A_299] : memref<2x80x128xf32, #tpu.memory_space<vmem>> -> memref<1x80x128xf32, #tpu.memory_space<vmem>>
      %dma_wait3A_301 = tpu.memref_squeeze %dma_wait3A_300 : memref<1x80x128xf32, #tpu.memory_space<vmem>> -> memref<80x128xf32, #tpu.memory_space<vmem>>
      %dma_wait3A_302 = arith.constant 0 : i32
      %dma_wait3A_303 = tpu.memref_slice %arg10[%dma_wait3A_296, %dma_wait3A_302] : memref<2x80xi32, #tpu.memory_space<vmem>> -> memref<1x80xi32, #tpu.memory_space<vmem>>
      %dma_wait3A_304 = tpu.memref_squeeze %dma_wait3A_303 : memref<1x80xi32, #tpu.memory_space<vmem>> -> memref<80xi32, #tpu.memory_space<vmem>>
      %dma_wait3A_305 = arith.constant 0 : i32
      %dma_wait3A_306 = arith.constant 0 : i32
      %dma_wait3A_307 = tpu.memref_slice %arg5[%dma_wait3A_305, %dma_wait3A_306] : memref<10000x128xf32, #tpu.memory_space<hbm>> -> memref<10000x128xf32, #tpu.memory_space<hbm>>
      tpu.wait_indirect_dma semaphore(%arg15 : memref<!tpu.dma_semaphore, #tpu.memory_space<semaphore_mem>>) src(%dma_wait3A_307 : memref<10000x128xf32, #tpu.memory_space<hbm>>) dst(%dma_wait3A_301 : memref<80x128xf32, #tpu.memory_space<vmem>>)
      %mul3A_308 = arith.constant 80 : i32
      %mul3A_309 = arith.muli %add3A_280, %mul3A_308 : i32
      %add3A_310 = arith.addi %mul3A_2, %mul3A_309 : i32
      %dma_start3A_311 = arith.constant 1 : i32
      %dma_start3A_312 = arith.constant 0 : i32
      %dma_start3A_313 = arith.constant 0 : i32
      %dma_start3A_314 = tpu.memref_slice %arg9[%dma_start3A_311, %dma_start3A_312, %dma_start3A_313] : memref<2x80x256xf32, #tpu.memory_space<vmem>> -> memref<1x80x256xf32, #tpu.memory_space<vmem>>
      %dma_start3A_315 = tpu.memref_squeeze %dma_start3A_314 : memref<1x80x256xf32, #tpu.memory_space<vmem>> -> memref<80x256xf32, #tpu.memory_space<vmem>>
      %dma_start3A_316 = arith.constant 0 : i32
      %dma_start3A_317 = tpu.memref_slice %arg6[%add3A_310, %dma_start3A_316] : memref<320000x256xf32, #tpu.memory_space<hbm>> -> memref<80x256xf32, #tpu.memory_space<hbm>>
      %dma_start3A_318 = arith.constant 0 : i32
      %dma_start3A_319 = tpu.memref_slice %arg6[%add3A_310, %dma_start3A_318] : memref<320000x256xf32, #tpu.memory_space<hbm>> -> memref<80x256xf32, #tpu.memory_space<hbm>>
      %dma_start3A_320 = arith.constant 0 : i32
      %dma_start3A_321 = arith.constant 0 : i32
      %dma_start3A_322 = tpu.memref_slice %arg9[%dma_start3A_311, %dma_start3A_320, %dma_start3A_321] : memref<2x80x256xf32, #tpu.memory_space<vmem>> -> memref<1x80x256xf32, #tpu.memory_space<vmem>>
      %dma_start3A_323 = tpu.memref_squeeze %dma_start3A_322 : memref<1x80x256xf32, #tpu.memory_space<vmem>> -> memref<80x256xf32, #tpu.memory_space<vmem>>
      tpu.enqueue_dma source(%dma_start3A_323 : memref<80x256xf32, #tpu.memory_space<vmem>>) target(%dma_start3A_319 : memref<80x256xf32, #tpu.memory_space<hbm>>) target_semaphore(%arg17 : memref<!tpu.dma_semaphore, #tpu.memory_space<semaphore_mem>>)
      %dma_start3A_324 = arith.constant 1 : i32
      %dma_start3A_325 = arith.constant 0 : i32
      %dma_start3A_326 = arith.constant 0 : i32
      %dma_start3A_327 = tpu.memref_slice %arg11[%dma_start3A_324, %dma_start3A_325, %dma_start3A_326] : memref<2x80x128xf32, #tpu.memory_space<vmem>> -> memref<1x80x128xf32, #tpu.memory_space<vmem>>
      %dma_start3A_328 = tpu.memref_squeeze %dma_start3A_327 : memref<1x80x128xf32, #tpu.memory_space<vmem>> -> memref<80x128xf32, #tpu.memory_space<vmem>>
      %dma_start3A_329 = arith.constant 0 : i32
      %dma_start3A_330 = tpu.memref_slice %arg7[%add3A_310, %dma_start3A_329] : memref<320000x128xf32, #tpu.memory_space<hbm>> -> memref<80x128xf32, #tpu.memory_space<hbm>>
      %dma_start3A_331 = arith.constant 0 : i32
      %dma_start3A_332 = tpu.memref_slice %arg7[%add3A_310, %dma_start3A_331] : memref<320000x128xf32, #tpu.memory_space<hbm>> -> memref<80x128xf32, #tpu.memory_space<hbm>>
      %dma_start3A_333 = arith.constant 0 : i32
      %dma_start3A_334 = arith.constant 0 : i32
      %dma_start3A_335 = tpu.memref_slice %arg11[%dma_start3A_324, %dma_start3A_333, %dma_start3A_334] : memref<2x80x128xf32, #tpu.memory_space<vmem>> -> memref<1x80x128xf32, #tpu.memory_space<vmem>>
      %dma_start3A_336 = tpu.memref_squeeze %dma_start3A_335 : memref<1x80x128xf32, #tpu.memory_space<vmem>> -> memref<80x128xf32, #tpu.memory_space<vmem>>
      tpu.enqueue_dma source(%dma_start3A_336 : memref<80x128xf32, #tpu.memory_space<vmem>>) target(%dma_start3A_332 : memref<80x128xf32, #tpu.memory_space<hbm>>) target_semaphore(%arg19 : memref<!tpu.dma_semaphore, #tpu.memory_space<semaphore_mem>>)
      %mul3A_337 = arith.constant 2 : i32
      %mul3A_338 = arith.muli %mul3A_337, %scan3A_148 : i32
      %add3A_339 = arith.constant 1 : i32
      %add3A_340 = arith.addi %mul3A_338, %add3A_339 : i32
      %mul3A_341 = arith.constant 80 : i32
      %mul3A_342 = arith.muli %add3A_340, %mul3A_341 : i32
      %add3A_343 = arith.addi %mul3A_2, %mul3A_342 : i32
      %dma_wait3A_344 = arith.constant 1 : i32
      %dma_wait3A_345 = arith.constant 0 : i32
      %dma_wait3A_346 = arith.constant 0 : i32
      %dma_wait3A_347 = tpu.memref_slice %arg9[%dma_wait3A_344, %dma_wait3A_345, %dma_wait3A_346] : memref<2x80x256xf32, #tpu.memory_space<vmem>> -> memref<1x80x256xf32, #tpu.memory_space<vmem>>
      %dma_wait3A_348 = tpu.memref_squeeze %dma_wait3A_347 : memref<1x80x256xf32, #tpu.memory_space<vmem>> -> memref<80x256xf32, #tpu.memory_space<vmem>>
      %dma_wait3A_349 = arith.constant 0 : i32
      %dma_wait3A_350 = tpu.memref_slice %arg6[%add3A_343, %dma_wait3A_349] : memref<320000x256xf32, #tpu.memory_space<hbm>> -> memref<80x256xf32, #tpu.memory_space<hbm>>
      %dma_wait3A_351 = arith.constant 0 : i32
      %dma_wait3A_352 = tpu.memref_slice %arg6[%add3A_343, %dma_wait3A_351] : memref<320000x256xf32, #tpu.memory_space<hbm>> -> memref<80x256xf32, #tpu.memory_space<hbm>>
      %dma_wait3A_353 = arith.constant 0 : i32
      %dma_wait3A_354 = arith.constant 0 : i32
      %dma_wait3A_355 = tpu.memref_slice %arg9[%dma_wait3A_344, %dma_wait3A_353, %dma_wait3A_354] : memref<2x80x256xf32, #tpu.memory_space<vmem>> -> memref<1x80x256xf32, #tpu.memory_space<vmem>>
      %dma_wait3A_356 = tpu.memref_squeeze %dma_wait3A_355 : memref<1x80x256xf32, #tpu.memory_space<vmem>> -> memref<80x256xf32, #tpu.memory_space<vmem>>
      tpu.wait_dma2 semaphore(%arg17 : memref<!tpu.dma_semaphore, #tpu.memory_space<semaphore_mem>>) src(%dma_wait3A_356 : memref<80x256xf32, #tpu.memory_space<vmem>>) dst(%dma_wait3A_352 : memref<80x256xf32, #tpu.memory_space<hbm>>)
      %dma_wait3A_357 = arith.constant 1 : i32
      %dma_wait3A_358 = arith.constant 0 : i32
      %dma_wait3A_359 = arith.constant 0 : i32
      %dma_wait3A_360 = tpu.memref_slice %arg11[%dma_wait3A_357, %dma_wait3A_358, %dma_wait3A_359] : memref<2x80x128xf32, #tpu.memory_space<vmem>> -> memref<1x80x128xf32, #tpu.memory_space<vmem>>
      %dma_wait3A_361 = tpu.memref_squeeze %dma_wait3A_360 : memref<1x80x128xf32, #tpu.memory_space<vmem>> -> memref<80x128xf32, #tpu.memory_space<vmem>>
      %dma_wait3A_362 = arith.constant 0 : i32
      %dma_wait3A_363 = tpu.memref_slice %arg7[%add3A_343, %dma_wait3A_362] : memref<320000x128xf32, #tpu.memory_space<hbm>> -> memref<80x128xf32, #tpu.memory_space<hbm>>
      %dma_wait3A_364 = arith.constant 0 : i32
      %dma_wait3A_365 = tpu.memref_slice %arg7[%add3A_343, %dma_wait3A_364] : memref<320000x128xf32, #tpu.memory_space<hbm>> -> memref<80x128xf32, #tpu.memory_space<hbm>>
      %dma_wait3A_366 = arith.constant 0 : i32
      %dma_wait3A_367 = arith.constant 0 : i32
      %dma_wait3A_368 = tpu.memref_slice %arg11[%dma_wait3A_357, %dma_wait3A_366, %dma_wait3A_367] : memref<2x80x128xf32, #tpu.memory_space<vmem>> -> memref<1x80x128xf32, #tpu.memory_space<vmem>>
      %dma_wait3A_369 = tpu.memref_squeeze %dma_wait3A_368 : memref<1x80x128xf32, #tpu.memory_space<vmem>> -> memref<80x128xf32, #tpu.memory_space<vmem>>
      tpu.wait_dma2 semaphore(%arg19 : memref<!tpu.dma_semaphore, #tpu.memory_space<semaphore_mem>>) src(%dma_wait3A_369 : memref<80x128xf32, #tpu.memory_space<vmem>>) dst(%dma_wait3A_365 : memref<80x128xf32, #tpu.memory_space<hbm>>)
      %scan3A_370 = arith.constant 0 : i32
      scf.yield %scan3A_370 : i32
    }
    %scan3A_36 = arith.constant 62 : i32
    %add3A_37 = arith.constant 9920 : i32
    %add3A_38 = arith.addi %mul3A_2, %add3A_37 : i32
    %run_scoped3A_39 = arith.constant 0 : i32
    "tpu.region"() ({
      %run_scoped3A_148 = tpu.sem_alloc : memref<!tpu.dma_semaphore, #tpu.memory_space<semaphore_mem>>
      %dma_start3A_149 = arith.constant 0 : i32
      %dma_start3A_150 = tpu.memref_slice %arg8[%run_scoped3A_39, %dma_start3A_149] : memref<2x80xi32, #tpu.memory_space<vmem>> -> memref<1x80xi32, #tpu.memory_space<vmem>>
      %dma_start3A_151 = tpu.memref_squeeze %dma_start3A_150 : memref<1x80xi32, #tpu.memory_space<vmem>> -> memref<80xi32, #tpu.memory_space<vmem>>
      %dma_start3A_152 = tpu.memref_slice %arg2[%add3A_38] : memref<320000xi32, #tpu.memory_space<hbm>> -> memref<80xi32, #tpu.memory_space<hbm>>
      %dma_start3A_153 = arith.constant 0 : i32
      %dma_start3A_154 = tpu.memref_slice %arg8[%run_scoped3A_39, %dma_start3A_153] : memref<2x80xi32, #tpu.memory_space<vmem>> -> memref<1x80xi32, #tpu.memory_space<vmem>>
      %dma_start3A_155 = tpu.memref_squeeze %dma_start3A_154 : memref<1x80xi32, #tpu.memory_space<vmem>> -> memref<80xi32, #tpu.memory_space<vmem>>
      %dma_start3A_156 = tpu.memref_slice %arg2[%add3A_38] : memref<320000xi32, #tpu.memory_space<hbm>> -> memref<80xi32, #tpu.memory_space<hbm>>
      tpu.enqueue_dma source(%dma_start3A_156 : memref<80xi32, #tpu.memory_space<hbm>>) target(%dma_start3A_155 : memref<80xi32, #tpu.memory_space<vmem>>) target_semaphore(%run_scoped3A_148 : memref<!tpu.dma_semaphore, #tpu.memory_space<semaphore_mem>>)
      %dma_wait3A_157 = arith.constant 0 : i32
      %dma_wait3A_158 = tpu.memref_slice %arg8[%run_scoped3A_39, %dma_wait3A_157] : memref<2x80xi32, #tpu.memory_space<vmem>> -> memref<1x80xi32, #tpu.memory_space<vmem>>
      %dma_wait3A_159 = tpu.memref_squeeze %dma_wait3A_158 : memref<1x80xi32, #tpu.memory_space<vmem>> -> memref<80xi32, #tpu.memory_space<vmem>>
      %dma_wait3A_160 = tpu.memref_slice %arg2[%add3A_38] : memref<320000xi32, #tpu.memory_space<hbm>> -> memref<80xi32, #tpu.memory_space<hbm>>
      %dma_wait3A_161 = arith.constant 0 : i32
      %dma_wait3A_162 = tpu.memref_slice %arg8[%run_scoped3A_39, %dma_wait3A_161] : memref<2x80xi32, #tpu.memory_space<vmem>> -> memref<1x80xi32, #tpu.memory_space<vmem>>
      %dma_wait3A_163 = tpu.memref_squeeze %dma_wait3A_162 : memref<1x80xi32, #tpu.memory_space<vmem>> -> memref<80xi32, #tpu.memory_space<vmem>>
      %dma_wait3A_164 = tpu.memref_slice %arg2[%add3A_38] : memref<320000xi32, #tpu.memory_space<hbm>> -> memref<80xi32, #tpu.memory_space<hbm>>
      tpu.wait_dma2 semaphore(%run_scoped3A_148 : memref<!tpu.dma_semaphore, #tpu.memory_space<semaphore_mem>>) src(%dma_wait3A_164 : memref<80xi32, #tpu.memory_space<hbm>>) dst(%dma_wait3A_163 : memref<80xi32, #tpu.memory_space<vmem>>)
      tpu.yield
    }) : () -> ()
    %run_scoped3A_40 = arith.constant 0 : i32
    "tpu.region"() ({
      %run_scoped3A_148 = tpu.sem_alloc : memref<!tpu.dma_semaphore, #tpu.memory_space<semaphore_mem>>
      %dma_start3A_149 = arith.constant 0 : i32
      %dma_start3A_150 = tpu.memref_slice %arg10[%run_scoped3A_40, %dma_start3A_149] : memref<2x80xi32, #tpu.memory_space<vmem>> -> memref<1x80xi32, #tpu.memory_space<vmem>>
      %dma_start3A_151 = tpu.memref_squeeze %dma_start3A_150 : memref<1x80xi32, #tpu.memory_space<vmem>> -> memref<80xi32, #tpu.memory_space<vmem>>
      %dma_start3A_152 = tpu.memref_slice %arg3[%add3A_38] : memref<320000xi32, #tpu.memory_space<hbm>> -> memref<80xi32, #tpu.memory_space<hbm>>
      %dma_start3A_153 = arith.constant 0 : i32
      %dma_start3A_154 = tpu.memref_slice %arg10[%run_scoped3A_40, %dma_start3A_153] : memref<2x80xi32, #tpu.memory_space<vmem>> -> memref<1x80xi32, #tpu.memory_space<vmem>>
      %dma_start3A_155 = tpu.memref_squeeze %dma_start3A_154 : memref<1x80xi32, #tpu.memory_space<vmem>> -> memref<80xi32, #tpu.memory_space<vmem>>
      %dma_start3A_156 = tpu.memref_slice %arg3[%add3A_38] : memref<320000xi32, #tpu.memory_space<hbm>> -> memref<80xi32, #tpu.memory_space<hbm>>
      tpu.enqueue_dma source(%dma_start3A_156 : memref<80xi32, #tpu.memory_space<hbm>>) target(%dma_start3A_155 : memref<80xi32, #tpu.memory_space<vmem>>) target_semaphore(%run_scoped3A_148 : memref<!tpu.dma_semaphore, #tpu.memory_space<semaphore_mem>>)
      %dma_wait3A_157 = arith.constant 0 : i32
      %dma_wait3A_158 = tpu.memref_slice %arg10[%run_scoped3A_40, %dma_wait3A_157] : memref<2x80xi32, #tpu.memory_space<vmem>> -> memref<1x80xi32, #tpu.memory_space<vmem>>
      %dma_wait3A_159 = tpu.memref_squeeze %dma_wait3A_158 : memref<1x80xi32, #tpu.memory_space<vmem>> -> memref<80xi32, #tpu.memory_space<vmem>>
      %dma_wait3A_160 = tpu.memref_slice %arg3[%add3A_38] : memref<320000xi32, #tpu.memory_space<hbm>> -> memref<80xi32, #tpu.memory_space<hbm>>
      %dma_wait3A_161 = arith.constant 0 : i32
      %dma_wait3A_162 = tpu.memref_slice %arg10[%run_scoped3A_40, %dma_wait3A_161] : memref<2x80xi32, #tpu.memory_space<vmem>> -> memref<1x80xi32, #tpu.memory_space<vmem>>
      %dma_wait3A_163 = tpu.memref_squeeze %dma_wait3A_162 : memref<1x80xi32, #tpu.memory_space<vmem>> -> memref<80xi32, #tpu.memory_space<vmem>>
      %dma_wait3A_164 = tpu.memref_slice %arg3[%add3A_38] : memref<320000xi32, #tpu.memory_space<hbm>> -> memref<80xi32, #tpu.memory_space<hbm>>
      tpu.wait_dma2 semaphore(%run_scoped3A_148 : memref<!tpu.dma_semaphore, #tpu.memory_space<semaphore_mem>>) src(%dma_wait3A_164 : memref<80xi32, #tpu.memory_space<hbm>>) dst(%dma_wait3A_163 : memref<80xi32, #tpu.memory_space<vmem>>)
      tpu.yield
    }) : () -> ()
    %add3A_41 = arith.constant 9920 : i32
    %add3A_42 = arith.addi %mul3A_2, %add3A_41 : i32
    %dma_start3A_43 = arith.constant 0 : i32
    %dma_start3A_44 = arith.constant 0 : i32
    %dma_start3A_45 = arith.constant 0 : i32
    %dma_start3A_46 = arith.constant 0 : i32
    %dma_start3A_47 = tpu.memref_slice %arg9[%dma_start3A_44, %dma_start3A_45, %dma_start3A_46] : memref<2x80x256xf32, #tpu.memory_space<vmem>> -> memref<1x80x256xf32, #tpu.memory_space<vmem>>
    %dma_start3A_48 = tpu.memref_squeeze %dma_start3A_47 : memref<1x80x256xf32, #tpu.memory_space<vmem>> -> memref<80x256xf32, #tpu.memory_space<vmem>>
    %dma_start3A_49 = arith.constant 0 : i32
    %dma_start3A_50 = tpu.memref_slice %arg8[%dma_start3A_43, %dma_start3A_49] : memref<2x80xi32, #tpu.memory_space<vmem>> -> memref<1x80xi32, #tpu.memory_space<vmem>>
    %dma_start3A_51 = tpu.memref_squeeze %dma_start3A_50 : memref<1x80xi32, #tpu.memory_space<vmem>> -> memref<80xi32, #tpu.memory_space<vmem>>
    %dma_start3A_52 = arith.constant 0 : i32
    %dma_start3A_53 = arith.constant 0 : i32
    %dma_start3A_54 = tpu.memref_slice %arg4[%dma_start3A_52, %dma_start3A_53] : memref<10000x256xf32, #tpu.memory_space<hbm>> -> memref<10000x256xf32, #tpu.memory_space<hbm>>
    tpu.enqueue_indirect_dma source(%dma_start3A_54 : memref<10000x256xf32, #tpu.memory_space<hbm>>) target(%dma_start3A_48 : memref<80x256xf32, #tpu.memory_space<vmem>>) offsets(%dma_start3A_51 : memref<80xi32, #tpu.memory_space<vmem>>) semaphore(%arg12 : memref<!tpu.dma_semaphore, #tpu.memory_space<semaphore_mem>>)
    %dma_start3A_55 = arith.constant 0 : i32
    %dma_start3A_56 = arith.constant 0 : i32
    %dma_start3A_57 = arith.constant 0 : i32
    %dma_start3A_58 = arith.constant 0 : i32
    %dma_start3A_59 = tpu.memref_slice %arg11[%dma_start3A_56, %dma_start3A_57, %dma_start3A_58] : memref<2x80x128xf32, #tpu.memory_space<vmem>> -> memref<1x80x128xf32, #tpu.memory_space<vmem>>
    %dma_start3A_60 = tpu.memref_squeeze %dma_start3A_59 : memref<1x80x128xf32, #tpu.memory_space<vmem>> -> memref<80x128xf32, #tpu.memory_space<vmem>>
    %dma_start3A_61 = arith.constant 0 : i32
    %dma_start3A_62 = tpu.memref_slice %arg10[%dma_start3A_55, %dma_start3A_61] : memref<2x80xi32, #tpu.memory_space<vmem>> -> memref<1x80xi32, #tpu.memory_space<vmem>>
    %dma_start3A_63 = tpu.memref_squeeze %dma_start3A_62 : memref<1x80xi32, #tpu.memory_space<vmem>> -> memref<80xi32, #tpu.memory_space<vmem>>
    %dma_start3A_64 = arith.constant 0 : i32
    %dma_start3A_65 = arith.constant 0 : i32
    %dma_start3A_66 = tpu.memref_slice %arg5[%dma_start3A_64, %dma_start3A_65] : memref<10000x128xf32, #tpu.memory_space<hbm>> -> memref<10000x128xf32, #tpu.memory_space<hbm>>
    tpu.enqueue_indirect_dma source(%dma_start3A_66 : memref<10000x128xf32, #tpu.memory_space<hbm>>) target(%dma_start3A_60 : memref<80x128xf32, #tpu.memory_space<vmem>>) offsets(%dma_start3A_63 : memref<80xi32, #tpu.memory_space<vmem>>) semaphore(%arg14 : memref<!tpu.dma_semaphore, #tpu.memory_space<semaphore_mem>>)
    %add3A_67 = arith.constant 9920 : i32
    %add3A_68 = arith.addi %mul3A_2, %add3A_67 : i32
    %dma_wait3A = arith.constant 0 : i32
    %dma_wait3A_69 = arith.constant 0 : i32
    %dma_wait3A_70 = arith.constant 0 : i32
    %dma_wait3A_71 = arith.constant 0 : i32
    %dma_wait3A_72 = tpu.memref_slice %arg9[%dma_wait3A_69, %dma_wait3A_70, %dma_wait3A_71] : memref<2x80x256xf32, #tpu.memory_space<vmem>> -> memref<1x80x256xf32, #tpu.memory_space<vmem>>
    %dma_wait3A_73 = tpu.memref_squeeze %dma_wait3A_72 : memref<1x80x256xf32, #tpu.memory_space<vmem>> -> memref<80x256xf32, #tpu.memory_space<vmem>>
    %dma_wait3A_74 = arith.constant 0 : i32
    %dma_wait3A_75 = tpu.memref_slice %arg8[%dma_wait3A, %dma_wait3A_74] : memref<2x80xi32, #tpu.memory_space<vmem>> -> memref<1x80xi32, #tpu.memory_space<vmem>>
    %dma_wait3A_76 = tpu.memref_squeeze %dma_wait3A_75 : memref<1x80xi32, #tpu.memory_space<vmem>> -> memref<80xi32, #tpu.memory_space<vmem>>
    %dma_wait3A_77 = arith.constant 0 : i32
    %dma_wait3A_78 = arith.constant 0 : i32
    %dma_wait3A_79 = tpu.memref_slice %arg4[%dma_wait3A_77, %dma_wait3A_78] : memref<10000x256xf32, #tpu.memory_space<hbm>> -> memref<10000x256xf32, #tpu.memory_space<hbm>>
    tpu.wait_indirect_dma semaphore(%arg12 : memref<!tpu.dma_semaphore, #tpu.memory_space<semaphore_mem>>) src(%dma_wait3A_79 : memref<10000x256xf32, #tpu.memory_space<hbm>>) dst(%dma_wait3A_73 : memref<80x256xf32, #tpu.memory_space<vmem>>)
    %dma_wait3A_80 = arith.constant 0 : i32
    %dma_wait3A_81 = arith.constant 0 : i32
    %dma_wait3A_82 = arith.constant 0 : i32
    %dma_wait3A_83 = arith.constant 0 : i32
    %dma_wait3A_84 = tpu.memref_slice %arg11[%dma_wait3A_81, %dma_wait3A_82, %dma_wait3A_83] : memref<2x80x128xf32, #tpu.memory_space<vmem>> -> memref<1x80x128xf32, #tpu.memory_space<vmem>>
    %dma_wait3A_85 = tpu.memref_squeeze %dma_wait3A_84 : memref<1x80x128xf32, #tpu.memory_space<vmem>> -> memref<80x128xf32, #tpu.memory_space<vmem>>
    %dma_wait3A_86 = arith.constant 0 : i32
    %dma_wait3A_87 = tpu.memref_slice %arg10[%dma_wait3A_80, %dma_wait3A_86] : memref<2x80xi32, #tpu.memory_space<vmem>> -> memref<1x80xi32, #tpu.memory_space<vmem>>
    %dma_wait3A_88 = tpu.memref_squeeze %dma_wait3A_87 : memref<1x80xi32, #tpu.memory_space<vmem>> -> memref<80xi32, #tpu.memory_space<vmem>>
    %dma_wait3A_89 = arith.constant 0 : i32
    %dma_wait3A_90 = arith.constant 0 : i32
    %dma_wait3A_91 = tpu.memref_slice %arg5[%dma_wait3A_89, %dma_wait3A_90] : memref<10000x128xf32, #tpu.memory_space<hbm>> -> memref<10000x128xf32, #tpu.memory_space<hbm>>
    tpu.wait_indirect_dma semaphore(%arg14 : memref<!tpu.dma_semaphore, #tpu.memory_space<semaphore_mem>>) src(%dma_wait3A_91 : memref<10000x128xf32, #tpu.memory_space<hbm>>) dst(%dma_wait3A_85 : memref<80x128xf32, #tpu.memory_space<vmem>>)
    %add3A_92 = arith.constant 9920 : i32
    %add3A_93 = arith.addi %mul3A_2, %add3A_92 : i32
    %dma_start3A_94 = arith.constant 0 : i32
    %dma_start3A_95 = arith.constant 0 : i32
    %dma_start3A_96 = arith.constant 0 : i32
    %dma_start3A_97 = tpu.memref_slice %arg9[%dma_start3A_94, %dma_start3A_95, %dma_start3A_96] : memref<2x80x256xf32, #tpu.memory_space<vmem>> -> memref<1x80x256xf32, #tpu.memory_space<vmem>>
    %dma_start3A_98 = tpu.memref_squeeze %dma_start3A_97 : memref<1x80x256xf32, #tpu.memory_space<vmem>> -> memref<80x256xf32, #tpu.memory_space<vmem>>
    %dma_start3A_99 = arith.constant 0 : i32
    %dma_start3A_100 = tpu.memref_slice %arg6[%add3A_93, %dma_start3A_99] : memref<320000x256xf32, #tpu.memory_space<hbm>> -> memref<80x256xf32, #tpu.memory_space<hbm>>
    %dma_start3A_101 = arith.constant 0 : i32
    %dma_start3A_102 = tpu.memref_slice %arg6[%add3A_93, %dma_start3A_101] : memref<320000x256xf32, #tpu.memory_space<hbm>> -> memref<80x256xf32, #tpu.memory_space<hbm>>
    %dma_start3A_103 = arith.constant 0 : i32
    %dma_start3A_104 = arith.constant 0 : i32
    %dma_start3A_105 = tpu.memref_slice %arg9[%dma_start3A_94, %dma_start3A_103, %dma_start3A_104] : memref<2x80x256xf32, #tpu.memory_space<vmem>> -> memref<1x80x256xf32, #tpu.memory_space<vmem>>
    %dma_start3A_106 = tpu.memref_squeeze %dma_start3A_105 : memref<1x80x256xf32, #tpu.memory_space<vmem>> -> memref<80x256xf32, #tpu.memory_space<vmem>>
    tpu.enqueue_dma source(%dma_start3A_106 : memref<80x256xf32, #tpu.memory_space<vmem>>) target(%dma_start3A_102 : memref<80x256xf32, #tpu.memory_space<hbm>>) target_semaphore(%arg16 : memref<!tpu.dma_semaphore, #tpu.memory_space<semaphore_mem>>)
    %dma_start3A_107 = arith.constant 0 : i32
    %dma_start3A_108 = arith.constant 0 : i32
    %dma_start3A_109 = arith.constant 0 : i32
    %dma_start3A_110 = tpu.memref_slice %arg11[%dma_start3A_107, %dma_start3A_108, %dma_start3A_109] : memref<2x80x128xf32, #tpu.memory_space<vmem>> -> memref<1x80x128xf32, #tpu.memory_space<vmem>>
    %dma_start3A_111 = tpu.memref_squeeze %dma_start3A_110 : memref<1x80x128xf32, #tpu.memory_space<vmem>> -> memref<80x128xf32, #tpu.memory_space<vmem>>
    %dma_start3A_112 = arith.constant 0 : i32
    %dma_start3A_113 = tpu.memref_slice %arg7[%add3A_93, %dma_start3A_112] : memref<320000x128xf32, #tpu.memory_space<hbm>> -> memref<80x128xf32, #tpu.memory_space<hbm>>
    %dma_start3A_114 = arith.constant 0 : i32
    %dma_start3A_115 = tpu.memref_slice %arg7[%add3A_93, %dma_start3A_114] : memref<320000x128xf32, #tpu.memory_space<hbm>> -> memref<80x128xf32, #tpu.memory_space<hbm>>
    %dma_start3A_116 = arith.constant 0 : i32
    %dma_start3A_117 = arith.constant 0 : i32
    %dma_start3A_118 = tpu.memref_slice %arg11[%dma_start3A_107, %dma_start3A_116, %dma_start3A_117] : memref<2x80x128xf32, #tpu.memory_space<vmem>> -> memref<1x80x128xf32, #tpu.memory_space<vmem>>
    %dma_start3A_119 = tpu.memref_squeeze %dma_start3A_118 : memref<1x80x128xf32, #tpu.memory_space<vmem>> -> memref<80x128xf32, #tpu.memory_space<vmem>>
    tpu.enqueue_dma source(%dma_start3A_119 : memref<80x128xf32, #tpu.memory_space<vmem>>) target(%dma_start3A_115 : memref<80x128xf32, #tpu.memory_space<hbm>>) target_semaphore(%arg18 : memref<!tpu.dma_semaphore, #tpu.memory_space<semaphore_mem>>)
    %add3A_120 = arith.constant 9920 : i32
    %add3A_121 = arith.addi %mul3A_2, %add3A_120 : i32
    %dma_wait3A_122 = arith.constant 0 : i32
    %dma_wait3A_123 = arith.constant 0 : i32
    %dma_wait3A_124 = arith.constant 0 : i32
    %dma_wait3A_125 = tpu.memref_slice %arg9[%dma_wait3A_122, %dma_wait3A_123, %dma_wait3A_124] : memref<2x80x256xf32, #tpu.memory_space<vmem>> -> memref<1x80x256xf32, #tpu.memory_space<vmem>>
    %dma_wait3A_126 = tpu.memref_squeeze %dma_wait3A_125 : memref<1x80x256xf32, #tpu.memory_space<vmem>> -> memref<80x256xf32, #tpu.memory_space<vmem>>
    %dma_wait3A_127 = arith.constant 0 : i32
    %dma_wait3A_128 = tpu.memref_slice %arg6[%add3A_121, %dma_wait3A_127] : memref<320000x256xf32, #tpu.memory_space<hbm>> -> memref<80x256xf32, #tpu.memory_space<hbm>>
    %dma_wait3A_129 = arith.constant 0 : i32
    %dma_wait3A_130 = tpu.memref_slice %arg6[%add3A_121, %dma_wait3A_129] : memref<320000x256xf32, #tpu.memory_space<hbm>> -> memref<80x256xf32, #tpu.memory_space<hbm>>
    %dma_wait3A_131 = arith.constant 0 : i32
    %dma_wait3A_132 = arith.constant 0 : i32
    %dma_wait3A_133 = tpu.memref_slice %arg9[%dma_wait3A_122, %dma_wait3A_131, %dma_wait3A_132] : memref<2x80x256xf32, #tpu.memory_space<vmem>> -> memref<1x80x256xf32, #tpu.memory_space<vmem>>
    %dma_wait3A_134 = tpu.memref_squeeze %dma_wait3A_133 : memref<1x80x256xf32, #tpu.memory_space<vmem>> -> memref<80x256xf32, #tpu.memory_space<vmem>>
    tpu.wait_dma2 semaphore(%arg16 : memref<!tpu.dma_semaphore, #tpu.memory_space<semaphore_mem>>) src(%dma_wait3A_134 : memref<80x256xf32, #tpu.memory_space<vmem>>) dst(%dma_wait3A_130 : memref<80x256xf32, #tpu.memory_space<hbm>>)
    %dma_wait3A_135 = arith.constant 0 : i32
    %dma_wait3A_136 = arith.constant 0 : i32
    %dma_wait3A_137 = arith.constant 0 : i32
    %dma_wait3A_138 = tpu.memref_slice %arg11[%dma_wait3A_135, %dma_wait3A_136, %dma_wait3A_137] : memref<2x80x128xf32, #tpu.memory_space<vmem>> -> memref<1x80x128xf32, #tpu.memory_space<vmem>>
    %dma_wait3A_139 = tpu.memref_squeeze %dma_wait3A_138 : memref<1x80x128xf32, #tpu.memory_space<vmem>> -> memref<80x128xf32, #tpu.memory_space<vmem>>
    %dma_wait3A_140 = arith.constant 0 : i32
    %dma_wait3A_141 = tpu.memref_slice %arg7[%add3A_121, %dma_wait3A_140] : memref<320000x128xf32, #tpu.memory_space<hbm>> -> memref<80x128xf32, #tpu.memory_space<hbm>>
    %dma_wait3A_142 = arith.constant 0 : i32
    %dma_wait3A_143 = tpu.memref_slice %arg7[%add3A_121, %dma_wait3A_142] : memref<320000x128xf32, #tpu.memory_space<hbm>> -> memref<80x128xf32, #tpu.memory_space<hbm>>
    %dma_wait3A_144 = arith.constant 0 : i32
    %dma_wait3A_145 = arith.constant 0 : i32
    %dma_wait3A_146 = tpu.memref_slice %arg11[%dma_wait3A_135, %dma_wait3A_144, %dma_wait3A_145] : memref<2x80x128xf32, #tpu.memory_space<vmem>> -> memref<1x80x128xf32, #tpu.memory_space<vmem>>
    %dma_wait3A_147 = tpu.memref_squeeze %dma_wait3A_146 : memref<1x80x128xf32, #tpu.memory_space<vmem>> -> memref<80x128xf32, #tpu.memory_space<vmem>>
    tpu.wait_dma2 semaphore(%arg18 : memref<!tpu.dma_semaphore, #tpu.memory_space<semaphore_mem>>) src(%dma_wait3A_147 : memref<80x128xf32, #tpu.memory_space<vmem>>) dst(%dma_wait3A_143 : memref<80x128xf32, #tpu.memory_space<hbm>>)
    return
  }
}

#map = affine_map<(d0, d1) -> (0)>
#map1 = affine_map<(d0, d1) -> (0, 0)>
#map2 = affine_map<(d0, d1) -> (0, 0, 0)>
module attributes {stable_mosaic.version = 14 : i64} {
  func.func @_sc_scatter_body(%arg0: i32, %arg1: i32, %arg2: memref<320000xi32, #tpu.memory_space<hbm>>, %arg3: memref<320000x128xf32, #tpu.memory_space<hbm>>, %arg4: memref<80x128xf32, #tpu.memory_space<hbm>>, %arg5: memref<2x10000x128xf32, #tpu.memory_space<hbm>>, %arg6: memref<2x80xi32, #tpu.memory_space<vmem>>, %arg7: memref<2x80x128xf32, #tpu.memory_space<vmem>>, %arg8: memref<10240x128xf32, #tpu.memory_space<vmem_shared>>, %arg9: memref<!tpu.dma_semaphore, #tpu.memory_space<semaphore_mem>>, %arg10: memref<!tpu.dma_semaphore, #tpu.memory_space<semaphore_mem>>) attributes {dimension_semantics = [#tpu.dimension_semantics<core_parallel>, #tpu.dimension_semantics<subcore_parallel>], iteration_bounds = array<i64: 2, 16>, scalar_prefetch = 0 : i64, scratch_operands = 5 : i64, tpu.core_type = #tpu.core_type<sc_vector_subcore>, window_params = [{transform_indices = #map}, {transform_indices = #map1}, {transform_indices = #map1}, {transform_indices = #map2}]} {
    %mul3A = arith.constant 16 : i32
    %mul3A_0 = arith.muli %arg0, %mul3A : i32
    %add3A = arith.addi %mul3A_0, %arg1 : i32
    %mul3A_1 = arith.constant 640 : i32
    %mul3A_2 = arith.muli %arg1, %mul3A_1 : i32
    %run_scoped3A = arith.constant 0 : i32
    "tpu.region"() ({
      %run_scoped3A_100 = tpu.sem_alloc : memref<!tpu.dma_semaphore, #tpu.memory_space<semaphore_mem>>
      %dma_start3A_101 = arith.constant 0 : i32
      %dma_start3A_102 = arith.constant 0 : i32
      %dma_start3A_103 = tpu.memref_slice %arg7[%run_scoped3A, %dma_start3A_101, %dma_start3A_102] : memref<2x80x128xf32, #tpu.memory_space<vmem>> -> memref<1x80x128xf32, #tpu.memory_space<vmem>>
      %dma_start3A_104 = tpu.memref_squeeze %dma_start3A_103 : memref<1x80x128xf32, #tpu.memory_space<vmem>> -> memref<80x128xf32, #tpu.memory_space<vmem>>
      %dma_start3A_105 = arith.constant 0 : i32
      %dma_start3A_106 = arith.constant 0 : i32
      %dma_start3A_107 = tpu.memref_slice %arg7[%run_scoped3A, %dma_start3A_105, %dma_start3A_106] : memref<2x80x128xf32, #tpu.memory_space<vmem>> -> memref<1x80x128xf32, #tpu.memory_space<vmem>>
      %dma_start3A_108 = tpu.memref_squeeze %dma_start3A_107 : memref<1x80x128xf32, #tpu.memory_space<vmem>> -> memref<80x128xf32, #tpu.memory_space<vmem>>
      tpu.enqueue_dma source(%arg4 : memref<80x128xf32, #tpu.memory_space<hbm>>) target(%dma_start3A_108 : memref<80x128xf32, #tpu.memory_space<vmem>>) target_semaphore(%run_scoped3A_100 : memref<!tpu.dma_semaphore, #tpu.memory_space<semaphore_mem>>)
      %dma_wait3A_109 = arith.constant 0 : i32
      %dma_wait3A_110 = arith.constant 0 : i32
      %dma_wait3A_111 = tpu.memref_slice %arg7[%run_scoped3A, %dma_wait3A_109, %dma_wait3A_110] : memref<2x80x128xf32, #tpu.memory_space<vmem>> -> memref<1x80x128xf32, #tpu.memory_space<vmem>>
      %dma_wait3A_112 = tpu.memref_squeeze %dma_wait3A_111 : memref<1x80x128xf32, #tpu.memory_space<vmem>> -> memref<80x128xf32, #tpu.memory_space<vmem>>
      %dma_wait3A_113 = arith.constant 0 : i32
      %dma_wait3A_114 = arith.constant 0 : i32
      %dma_wait3A_115 = tpu.memref_slice %arg7[%run_scoped3A, %dma_wait3A_113, %dma_wait3A_114] : memref<2x80x128xf32, #tpu.memory_space<vmem>> -> memref<1x80x128xf32, #tpu.memory_space<vmem>>
      %dma_wait3A_116 = tpu.memref_squeeze %dma_wait3A_115 : memref<1x80x128xf32, #tpu.memory_space<vmem>> -> memref<80x128xf32, #tpu.memory_space<vmem>>
      tpu.wait_dma2 semaphore(%run_scoped3A_100 : memref<!tpu.dma_semaphore, #tpu.memory_space<semaphore_mem>>) src(%arg4 : memref<80x128xf32, #tpu.memory_space<hbm>>) dst(%dma_wait3A_116 : memref<80x128xf32, #tpu.memory_space<vmem>>)
      tpu.yield
    }) : () -> ()
    %scan3A = arith.constant 0 : i32
    %scan3A_3 = arith.constant 0 : i32
    %scan3A_4 = arith.constant 8 : i32
    %scan3A_5 = arith.addi %scan3A_3, %scan3A_4 : i32
    %scan3A_6 = arith.constant 1 : i32
    %scan3A_7 = scf.for %scan3A_100 = %scan3A_3 to %scan3A_5 step %scan3A_6 iter_args(%scan3A_101 = %scan3A) -> (i32)  : i32 {
      %mul3A_102 = arith.constant 80 : i32
      %mul3A_103 = arith.muli %scan3A_100, %mul3A_102 : i32
      %add3A_104 = arith.addi %mul3A_2, %mul3A_103 : i32
      %run_scoped3A_105 = arith.constant 0 : i32
      "tpu.region"() ({
        %run_scoped3A_107 = tpu.sem_alloc : memref<!tpu.dma_semaphore, #tpu.memory_space<semaphore_mem>>
        %dma_start3A_108 = arith.constant 0 : i32
        %dma_start3A_109 = arith.constant 0 : i32
        %dma_start3A_110 = tpu.memref_slice %arg7[%run_scoped3A_105, %dma_start3A_108, %dma_start3A_109] : memref<2x80x128xf32, #tpu.memory_space<vmem>> -> memref<1x80x128xf32, #tpu.memory_space<vmem>>
        %dma_start3A_111 = tpu.memref_squeeze %dma_start3A_110 : memref<1x80x128xf32, #tpu.memory_space<vmem>> -> memref<80x128xf32, #tpu.memory_space<vmem>>
        %dma_start3A_112 = arith.constant 0 : i32
        %dma_start3A_113 = tpu.memref_slice %arg8[%add3A_104, %dma_start3A_112] : memref<10240x128xf32, #tpu.memory_space<vmem_shared>> -> memref<80x128xf32, #tpu.memory_space<vmem_shared>>
        %dma_start3A_114 = arith.constant 0 : i32
        %dma_start3A_115 = tpu.memref_slice %arg8[%add3A_104, %dma_start3A_114] : memref<10240x128xf32, #tpu.memory_space<vmem_shared>> -> memref<80x128xf32, #tpu.memory_space<vmem_shared>>
        %dma_start3A_116 = arith.constant 0 : i32
        %dma_start3A_117 = arith.constant 0 : i32
        %dma_start3A_118 = tpu.memref_slice %arg7[%run_scoped3A_105, %dma_start3A_116, %dma_start3A_117] : memref<2x80x128xf32, #tpu.memory_space<vmem>> -> memref<1x80x128xf32, #tpu.memory_space<vmem>>
        %dma_start3A_119 = tpu.memref_squeeze %dma_start3A_118 : memref<1x80x128xf32, #tpu.memory_space<vmem>> -> memref<80x128xf32, #tpu.memory_space<vmem>>
        tpu.enqueue_dma source(%dma_start3A_119 : memref<80x128xf32, #tpu.memory_space<vmem>>) target(%dma_start3A_115 : memref<80x128xf32, #tpu.memory_space<vmem_shared>>) target_semaphore(%run_scoped3A_107 : memref<!tpu.dma_semaphore, #tpu.memory_space<semaphore_mem>>)
        %dma_wait3A_120 = arith.constant 0 : i32
        %dma_wait3A_121 = arith.constant 0 : i32
        %dma_wait3A_122 = tpu.memref_slice %arg7[%run_scoped3A_105, %dma_wait3A_120, %dma_wait3A_121] : memref<2x80x128xf32, #tpu.memory_space<vmem>> -> memref<1x80x128xf32, #tpu.memory_space<vmem>>
        %dma_wait3A_123 = tpu.memref_squeeze %dma_wait3A_122 : memref<1x80x128xf32, #tpu.memory_space<vmem>> -> memref<80x128xf32, #tpu.memory_space<vmem>>
        %dma_wait3A_124 = arith.constant 0 : i32
        %dma_wait3A_125 = tpu.memref_slice %arg8[%add3A_104, %dma_wait3A_124] : memref<10240x128xf32, #tpu.memory_space<vmem_shared>> -> memref<80x128xf32, #tpu.memory_space<vmem_shared>>
        %dma_wait3A_126 = arith.constant 0 : i32
        %dma_wait3A_127 = tpu.memref_slice %arg8[%add3A_104, %dma_wait3A_126] : memref<10240x128xf32, #tpu.memory_space<vmem_shared>> -> memref<80x128xf32, #tpu.memory_space<vmem_shared>>
        %dma_wait3A_128 = arith.constant 0 : i32
        %dma_wait3A_129 = arith.constant 0 : i32
        %dma_wait3A_130 = tpu.memref_slice %arg7[%run_scoped3A_105, %dma_wait3A_128, %dma_wait3A_129] : memref<2x80x128xf32, #tpu.memory_space<vmem>> -> memref<1x80x128xf32, #tpu.memory_space<vmem>>
        %dma_wait3A_131 = tpu.memref_squeeze %dma_wait3A_130 : memref<1x80x128xf32, #tpu.memory_space<vmem>> -> memref<80x128xf32, #tpu.memory_space<vmem>>
        tpu.wait_dma2 semaphore(%run_scoped3A_107 : memref<!tpu.dma_semaphore, #tpu.memory_space<semaphore_mem>>) src(%dma_wait3A_131 : memref<80x128xf32, #tpu.memory_space<vmem>>) dst(%dma_wait3A_127 : memref<80x128xf32, #tpu.memory_space<vmem_shared>>)
        tpu.yield
      }) : () -> ()
      %scan3A_106 = arith.constant 0 : i32
      scf.yield %scan3A_106 : i32
    }
    %scan3A_8 = arith.constant 8 : i32
    %barrier3A = arith.constant 0 : index
    tpu.barrier barrier_id(%barrier3A)
    %mul3A_9 = arith.constant 10000 : i32
    %mul3A_10 = arith.muli %add3A, %mul3A_9 : i32
    %add3A_11 = arith.constant 0 : i32
    %add3A_12 = arith.addi %mul3A_10, %add3A_11 : i32
    %run_scoped3A_13 = arith.constant 0 : i32
    "tpu.region"() ({
      %run_scoped3A_100 = tpu.sem_alloc : memref<!tpu.dma_semaphore, #tpu.memory_space<semaphore_mem>>
      %dma_start3A_101 = arith.constant 0 : i32
      %dma_start3A_102 = tpu.memref_slice %arg6[%run_scoped3A_13, %dma_start3A_101] : memref<2x80xi32, #tpu.memory_space<vmem>> -> memref<1x80xi32, #tpu.memory_space<vmem>>
      %dma_start3A_103 = tpu.memref_squeeze %dma_start3A_102 : memref<1x80xi32, #tpu.memory_space<vmem>> -> memref<80xi32, #tpu.memory_space<vmem>>
      %dma_start3A_104 = tpu.memref_slice %arg2[%add3A_12] : memref<320000xi32, #tpu.memory_space<hbm>> -> memref<80xi32, #tpu.memory_space<hbm>>
      %dma_start3A_105 = arith.constant 0 : i32
      %dma_start3A_106 = tpu.memref_slice %arg6[%run_scoped3A_13, %dma_start3A_105] : memref<2x80xi32, #tpu.memory_space<vmem>> -> memref<1x80xi32, #tpu.memory_space<vmem>>
      %dma_start3A_107 = tpu.memref_squeeze %dma_start3A_106 : memref<1x80xi32, #tpu.memory_space<vmem>> -> memref<80xi32, #tpu.memory_space<vmem>>
      %dma_start3A_108 = tpu.memref_slice %arg2[%add3A_12] : memref<320000xi32, #tpu.memory_space<hbm>> -> memref<80xi32, #tpu.memory_space<hbm>>
      tpu.enqueue_dma source(%dma_start3A_108 : memref<80xi32, #tpu.memory_space<hbm>>) target(%dma_start3A_107 : memref<80xi32, #tpu.memory_space<vmem>>) target_semaphore(%run_scoped3A_100 : memref<!tpu.dma_semaphore, #tpu.memory_space<semaphore_mem>>)
      %dma_wait3A_109 = arith.constant 0 : i32
      %dma_wait3A_110 = tpu.memref_slice %arg6[%run_scoped3A_13, %dma_wait3A_109] : memref<2x80xi32, #tpu.memory_space<vmem>> -> memref<1x80xi32, #tpu.memory_space<vmem>>
      %dma_wait3A_111 = tpu.memref_squeeze %dma_wait3A_110 : memref<1x80xi32, #tpu.memory_space<vmem>> -> memref<80xi32, #tpu.memory_space<vmem>>
      %dma_wait3A_112 = tpu.memref_slice %arg2[%add3A_12] : memref<320000xi32, #tpu.memory_space<hbm>> -> memref<80xi32, #tpu.memory_space<hbm>>
      %dma_wait3A_113 = arith.constant 0 : i32
      %dma_wait3A_114 = tpu.memref_slice %arg6[%run_scoped3A_13, %dma_wait3A_113] : memref<2x80xi32, #tpu.memory_space<vmem>> -> memref<1x80xi32, #tpu.memory_space<vmem>>
      %dma_wait3A_115 = tpu.memref_squeeze %dma_wait3A_114 : memref<1x80xi32, #tpu.memory_space<vmem>> -> memref<80xi32, #tpu.memory_space<vmem>>
      %dma_wait3A_116 = tpu.memref_slice %arg2[%add3A_12] : memref<320000xi32, #tpu.memory_space<hbm>> -> memref<80xi32, #tpu.memory_space<hbm>>
      tpu.wait_dma2 semaphore(%run_scoped3A_100 : memref<!tpu.dma_semaphore, #tpu.memory_space<semaphore_mem>>) src(%dma_wait3A_116 : memref<80xi32, #tpu.memory_space<hbm>>) dst(%dma_wait3A_115 : memref<80xi32, #tpu.memory_space<vmem>>)
      tpu.yield
    }) : () -> ()
    %add3A_14 = arith.constant 0 : i32
    %add3A_15 = arith.addi %mul3A_10, %add3A_14 : i32
    %dma_start3A = arith.constant 0 : i32
    %dma_start3A_16 = arith.constant 0 : i32
    %dma_start3A_17 = arith.constant 0 : i32
    %dma_start3A_18 = tpu.memref_slice %arg7[%dma_start3A, %dma_start3A_16, %dma_start3A_17] : memref<2x80x128xf32, #tpu.memory_space<vmem>> -> memref<1x80x128xf32, #tpu.memory_space<vmem>>
    %dma_start3A_19 = tpu.memref_squeeze %dma_start3A_18 : memref<1x80x128xf32, #tpu.memory_space<vmem>> -> memref<80x128xf32, #tpu.memory_space<vmem>>
    %dma_start3A_20 = arith.constant 0 : i32
    %dma_start3A_21 = tpu.memref_slice %arg3[%add3A_15, %dma_start3A_20] : memref<320000x128xf32, #tpu.memory_space<hbm>> -> memref<80x128xf32, #tpu.memory_space<hbm>>
    %dma_start3A_22 = arith.constant 0 : i32
    %dma_start3A_23 = arith.constant 0 : i32
    %dma_start3A_24 = tpu.memref_slice %arg7[%dma_start3A, %dma_start3A_22, %dma_start3A_23] : memref<2x80x128xf32, #tpu.memory_space<vmem>> -> memref<1x80x128xf32, #tpu.memory_space<vmem>>
    %dma_start3A_25 = tpu.memref_squeeze %dma_start3A_24 : memref<1x80x128xf32, #tpu.memory_space<vmem>> -> memref<80x128xf32, #tpu.memory_space<vmem>>
    %dma_start3A_26 = arith.constant 0 : i32
    %dma_start3A_27 = tpu.memref_slice %arg3[%add3A_15, %dma_start3A_26] : memref<320000x128xf32, #tpu.memory_space<hbm>> -> memref<80x128xf32, #tpu.memory_space<hbm>>
    tpu.enqueue_dma source(%dma_start3A_27 : memref<80x128xf32, #tpu.memory_space<hbm>>) target(%dma_start3A_25 : memref<80x128xf32, #tpu.memory_space<vmem>>) target_semaphore(%arg9 : memref<!tpu.dma_semaphore, #tpu.memory_space<semaphore_mem>>)
    %scan3A_28 = arith.constant 0 : i32
    %scan3A_29 = arith.constant 0 : i32
    %scan3A_30 = arith.constant 62 : i32
    %scan3A_31 = arith.addi %scan3A_29, %scan3A_30 : i32
    %scan3A_32 = arith.constant 1 : i32
    %scan3A_33 = scf.for %scan3A_100 = %scan3A_29 to %scan3A_31 step %scan3A_32 iter_args(%scan3A_101 = %scan3A_28) -> (i32)  : i32 {
      %mul3A_102 = arith.constant 2 : i32
      %mul3A_103 = arith.muli %mul3A_102, %scan3A_100 : i32
      %add3A_104 = arith.constant 1 : i32
      %add3A_105 = arith.addi %mul3A_103, %add3A_104 : i32
      %mul3A_106 = arith.constant 80 : i32
      %mul3A_107 = arith.muli %add3A_105, %mul3A_106 : i32
      %add3A_108 = arith.addi %mul3A_10, %mul3A_107 : i32
      %run_scoped3A_109 = arith.constant 1 : i32
      "tpu.region"() ({
        %run_scoped3A_171 = tpu.sem_alloc : memref<!tpu.dma_semaphore, #tpu.memory_space<semaphore_mem>>
        %dma_start3A_172 = arith.constant 0 : i32
        %dma_start3A_173 = tpu.memref_slice %arg6[%run_scoped3A_109, %dma_start3A_172] : memref<2x80xi32, #tpu.memory_space<vmem>> -> memref<1x80xi32, #tpu.memory_space<vmem>>
        %dma_start3A_174 = tpu.memref_squeeze %dma_start3A_173 : memref<1x80xi32, #tpu.memory_space<vmem>> -> memref<80xi32, #tpu.memory_space<vmem>>
        %dma_start3A_175 = tpu.memref_slice %arg2[%add3A_108] : memref<320000xi32, #tpu.memory_space<hbm>> -> memref<80xi32, #tpu.memory_space<hbm>>
        %dma_start3A_176 = arith.constant 0 : i32
        %dma_start3A_177 = tpu.memref_slice %arg6[%run_scoped3A_109, %dma_start3A_176] : memref<2x80xi32, #tpu.memory_space<vmem>> -> memref<1x80xi32, #tpu.memory_space<vmem>>
        %dma_start3A_178 = tpu.memref_squeeze %dma_start3A_177 : memref<1x80xi32, #tpu.memory_space<vmem>> -> memref<80xi32, #tpu.memory_space<vmem>>
        %dma_start3A_179 = tpu.memref_slice %arg2[%add3A_108] : memref<320000xi32, #tpu.memory_space<hbm>> -> memref<80xi32, #tpu.memory_space<hbm>>
        tpu.enqueue_dma source(%dma_start3A_179 : memref<80xi32, #tpu.memory_space<hbm>>) target(%dma_start3A_178 : memref<80xi32, #tpu.memory_space<vmem>>) target_semaphore(%run_scoped3A_171 : memref<!tpu.dma_semaphore, #tpu.memory_space<semaphore_mem>>)
        %dma_wait3A_180 = arith.constant 0 : i32
        %dma_wait3A_181 = tpu.memref_slice %arg6[%run_scoped3A_109, %dma_wait3A_180] : memref<2x80xi32, #tpu.memory_space<vmem>> -> memref<1x80xi32, #tpu.memory_space<vmem>>
        %dma_wait3A_182 = tpu.memref_squeeze %dma_wait3A_181 : memref<1x80xi32, #tpu.memory_space<vmem>> -> memref<80xi32, #tpu.memory_space<vmem>>
        %dma_wait3A_183 = tpu.memref_slice %arg2[%add3A_108] : memref<320000xi32, #tpu.memory_space<hbm>> -> memref<80xi32, #tpu.memory_space<hbm>>
        %dma_wait3A_184 = arith.constant 0 : i32
        %dma_wait3A_185 = tpu.memref_slice %arg6[%run_scoped3A_109, %dma_wait3A_184] : memref<2x80xi32, #tpu.memory_space<vmem>> -> memref<1x80xi32, #tpu.memory_space<vmem>>
        %dma_wait3A_186 = tpu.memref_squeeze %dma_wait3A_185 : memref<1x80xi32, #tpu.memory_space<vmem>> -> memref<80xi32, #tpu.memory_space<vmem>>
        %dma_wait3A_187 = tpu.memref_slice %arg2[%add3A_108] : memref<320000xi32, #tpu.memory_space<hbm>> -> memref<80xi32, #tpu.memory_space<hbm>>
        tpu.wait_dma2 semaphore(%run_scoped3A_171 : memref<!tpu.dma_semaphore, #tpu.memory_space<semaphore_mem>>) src(%dma_wait3A_187 : memref<80xi32, #tpu.memory_space<hbm>>) dst(%dma_wait3A_186 : memref<80xi32, #tpu.memory_space<vmem>>)
        tpu.yield
      }) : () -> ()
      %mul3A_110 = arith.constant 80 : i32
      %mul3A_111 = arith.muli %add3A_105, %mul3A_110 : i32
      %add3A_112 = arith.addi %mul3A_10, %mul3A_111 : i32
      %dma_start3A_113 = arith.constant 1 : i32
      %dma_start3A_114 = arith.constant 0 : i32
      %dma_start3A_115 = arith.constant 0 : i32
      %dma_start3A_116 = tpu.memref_slice %arg7[%dma_start3A_113, %dma_start3A_114, %dma_start3A_115] : memref<2x80x128xf32, #tpu.memory_space<vmem>> -> memref<1x80x128xf32, #tpu.memory_space<vmem>>
      %dma_start3A_117 = tpu.memref_squeeze %dma_start3A_116 : memref<1x80x128xf32, #tpu.memory_space<vmem>> -> memref<80x128xf32, #tpu.memory_space<vmem>>
      %dma_start3A_118 = arith.constant 0 : i32
      %dma_start3A_119 = tpu.memref_slice %arg3[%add3A_112, %dma_start3A_118] : memref<320000x128xf32, #tpu.memory_space<hbm>> -> memref<80x128xf32, #tpu.memory_space<hbm>>
      %dma_start3A_120 = arith.constant 0 : i32
      %dma_start3A_121 = arith.constant 0 : i32
      %dma_start3A_122 = tpu.memref_slice %arg7[%dma_start3A_113, %dma_start3A_120, %dma_start3A_121] : memref<2x80x128xf32, #tpu.memory_space<vmem>> -> memref<1x80x128xf32, #tpu.memory_space<vmem>>
      %dma_start3A_123 = tpu.memref_squeeze %dma_start3A_122 : memref<1x80x128xf32, #tpu.memory_space<vmem>> -> memref<80x128xf32, #tpu.memory_space<vmem>>
      %dma_start3A_124 = arith.constant 0 : i32
      %dma_start3A_125 = tpu.memref_slice %arg3[%add3A_112, %dma_start3A_124] : memref<320000x128xf32, #tpu.memory_space<hbm>> -> memref<80x128xf32, #tpu.memory_space<hbm>>
      tpu.enqueue_dma source(%dma_start3A_125 : memref<80x128xf32, #tpu.memory_space<hbm>>) target(%dma_start3A_123 : memref<80x128xf32, #tpu.memory_space<vmem>>) target_semaphore(%arg10 : memref<!tpu.dma_semaphore, #tpu.memory_space<semaphore_mem>>)
      %mul3A_126 = arith.constant 2 : i32
      %mul3A_127 = arith.muli %mul3A_126, %scan3A_100 : i32
      %mul3A_128 = arith.constant 80 : i32
      %mul3A_129 = arith.muli %mul3A_127, %mul3A_128 : i32
      %add3A_130 = arith.addi %mul3A_10, %mul3A_129 : i32
      %dma_wait3A_131 = arith.constant 0 : i32
      %dma_wait3A_132 = arith.constant 0 : i32
      %dma_wait3A_133 = arith.constant 0 : i32
      %dma_wait3A_134 = tpu.memref_slice %arg7[%dma_wait3A_131, %dma_wait3A_132, %dma_wait3A_133] : memref<2x80x128xf32, #tpu.memory_space<vmem>> -> memref<1x80x128xf32, #tpu.memory_space<vmem>>
      %dma_wait3A_135 = tpu.memref_squeeze %dma_wait3A_134 : memref<1x80x128xf32, #tpu.memory_space<vmem>> -> memref<80x128xf32, #tpu.memory_space<vmem>>
      %dma_wait3A_136 = arith.constant 0 : i32
      %dma_wait3A_137 = tpu.memref_slice %arg3[%add3A_130, %dma_wait3A_136] : memref<320000x128xf32, #tpu.memory_space<hbm>> -> memref<80x128xf32, #tpu.memory_space<hbm>>
      %dma_wait3A_138 = arith.constant 0 : i32
      %dma_wait3A_139 = arith.constant 0 : i32
      %dma_wait3A_140 = tpu.memref_slice %arg7[%dma_wait3A_131, %dma_wait3A_138, %dma_wait3A_139] : memref<2x80x128xf32, #tpu.memory_space<vmem>> -> memref<1x80x128xf32, #tpu.memory_space<vmem>>
      %dma_wait3A_141 = tpu.memref_squeeze %dma_wait3A_140 : memref<1x80x128xf32, #tpu.memory_space<vmem>> -> memref<80x128xf32, #tpu.memory_space<vmem>>
      %dma_wait3A_142 = arith.constant 0 : i32
      %dma_wait3A_143 = tpu.memref_slice %arg3[%add3A_130, %dma_wait3A_142] : memref<320000x128xf32, #tpu.memory_space<hbm>> -> memref<80x128xf32, #tpu.memory_space<hbm>>
      tpu.wait_dma2 semaphore(%arg9 : memref<!tpu.dma_semaphore, #tpu.memory_space<semaphore_mem>>) src(%dma_wait3A_143 : memref<80x128xf32, #tpu.memory_space<hbm>>) dst(%dma_wait3A_141 : memref<80x128xf32, #tpu.memory_space<vmem>>)
      %run_scoped3A_144 = arith.constant 0 : i32
      %run_scoped3A_145 = arith.constant 0 : i32
      "tpu.region"() ({
        %run_scoped3A_171 = tpu.sem_alloc : memref<!tpu.dma_semaphore, #tpu.memory_space<semaphore_mem>>
        %dma_start3A_172 = arith.constant 0 : i32
        %dma_start3A_173 = arith.constant 0 : i32
        %dma_start3A_174 = tpu.memref_slice %arg7[%run_scoped3A_144, %dma_start3A_172, %dma_start3A_173] : memref<2x80x128xf32, #tpu.memory_space<vmem>> -> memref<1x80x128xf32, #tpu.memory_space<vmem>>
        %dma_start3A_175 = tpu.memref_squeeze %dma_start3A_174 : memref<1x80x128xf32, #tpu.memory_space<vmem>> -> memref<80x128xf32, #tpu.memory_space<vmem>>
        %dma_start3A_176 = arith.constant 0 : i32
        %dma_start3A_177 = tpu.memref_slice %arg6[%run_scoped3A_145, %dma_start3A_176] : memref<2x80xi32, #tpu.memory_space<vmem>> -> memref<1x80xi32, #tpu.memory_space<vmem>>
        %dma_start3A_178 = tpu.memref_squeeze %dma_start3A_177 : memref<1x80xi32, #tpu.memory_space<vmem>> -> memref<80xi32, #tpu.memory_space<vmem>>
        %dma_start3A_179 = arith.constant 0 : i32
        %dma_start3A_180 = arith.constant 0 : i32
        %dma_start3A_181 = tpu.memref_slice %arg8[%dma_start3A_179, %dma_start3A_180] : memref<10240x128xf32, #tpu.memory_space<vmem_shared>> -> memref<10240x128xf32, #tpu.memory_space<vmem_shared>>
        tpu.enqueue_indirect_dma source(%dma_start3A_175 : memref<80x128xf32, #tpu.memory_space<vmem>>) target(%dma_start3A_181 : memref<10240x128xf32, #tpu.memory_space<vmem_shared>>) offsets(%dma_start3A_178 : memref<80xi32, #tpu.memory_space<vmem>>) semaphore(%run_scoped3A_171 : memref<!tpu.dma_semaphore, #tpu.memory_space<semaphore_mem>>) {add = true}
        %dma_wait3A_182 = arith.constant 0 : i32
        %dma_wait3A_183 = arith.constant 0 : i32
        %dma_wait3A_184 = tpu.memref_slice %arg7[%run_scoped3A_144, %dma_wait3A_182, %dma_wait3A_183] : memref<2x80x128xf32, #tpu.memory_space<vmem>> -> memref<1x80x128xf32, #tpu.memory_space<vmem>>
        %dma_wait3A_185 = tpu.memref_squeeze %dma_wait3A_184 : memref<1x80x128xf32, #tpu.memory_space<vmem>> -> memref<80x128xf32, #tpu.memory_space<vmem>>
        %dma_wait3A_186 = arith.constant 0 : i32
        %dma_wait3A_187 = tpu.memref_slice %arg6[%run_scoped3A_145, %dma_wait3A_186] : memref<2x80xi32, #tpu.memory_space<vmem>> -> memref<1x80xi32, #tpu.memory_space<vmem>>
        %dma_wait3A_188 = tpu.memref_squeeze %dma_wait3A_187 : memref<1x80xi32, #tpu.memory_space<vmem>> -> memref<80xi32, #tpu.memory_space<vmem>>
        %dma_wait3A_189 = arith.constant 0 : i32
        %dma_wait3A_190 = arith.constant 0 : i32
        %dma_wait3A_191 = tpu.memref_slice %arg8[%dma_wait3A_189, %dma_wait3A_190] : memref<10240x128xf32, #tpu.memory_space<vmem_shared>> -> memref<10240x128xf32, #tpu.memory_space<vmem_shared>>
        tpu.wait_indirect_dma semaphore(%run_scoped3A_171 : memref<!tpu.dma_semaphore, #tpu.memory_space<semaphore_mem>>) src(%dma_wait3A_185 : memref<80x128xf32, #tpu.memory_space<vmem>>) dst(%dma_wait3A_191 : memref<10240x128xf32, #tpu.memory_space<vmem_shared>>)
        tpu.yield
      }) : () -> ()
      %lt3A = arith.constant 61 : i32
      %lt3A_146 = arith.cmpi slt, %scan3A_100, %lt3A : i32
      %convert_element_type3A = arith.extui %lt3A_146 : i1 to i32
      %cond3A = arith.constant 0 : i32
      %cond3A_147 = arith.cmpi ne, %convert_element_type3A, %cond3A : i32
      scf.if %cond3A_147 {
        %mul3A_171 = arith.constant 2 : i32
        %mul3A_172 = arith.muli %mul3A_171, %scan3A_100 : i32
        %add3A_173 = arith.constant 2 : i32
        %add3A_174 = arith.addi %mul3A_172, %add3A_173 : i32
        %mul3A_175 = arith.constant 80 : i32
        %mul3A_176 = arith.muli %add3A_174, %mul3A_175 : i32
        %add3A_177 = arith.addi %mul3A_10, %mul3A_176 : i32
        %run_scoped3A_178 = arith.constant 0 : i32
        "tpu.region"() ({
          %run_scoped3A_195 = tpu.sem_alloc : memref<!tpu.dma_semaphore, #tpu.memory_space<semaphore_mem>>
          %dma_start3A_196 = arith.constant 0 : i32
          %dma_start3A_197 = tpu.memref_slice %arg6[%run_scoped3A_178, %dma_start3A_196] : memref<2x80xi32, #tpu.memory_space<vmem>> -> memref<1x80xi32, #tpu.memory_space<vmem>>
          %dma_start3A_198 = tpu.memref_squeeze %dma_start3A_197 : memref<1x80xi32, #tpu.memory_space<vmem>> -> memref<80xi32, #tpu.memory_space<vmem>>
          %dma_start3A_199 = tpu.memref_slice %arg2[%add3A_177] : memref<320000xi32, #tpu.memory_space<hbm>> -> memref<80xi32, #tpu.memory_space<hbm>>
          %dma_start3A_200 = arith.constant 0 : i32
          %dma_start3A_201 = tpu.memref_slice %arg6[%run_scoped3A_178, %dma_start3A_200] : memref<2x80xi32, #tpu.memory_space<vmem>> -> memref<1x80xi32, #tpu.memory_space<vmem>>
          %dma_start3A_202 = tpu.memref_squeeze %dma_start3A_201 : memref<1x80xi32, #tpu.memory_space<vmem>> -> memref<80xi32, #tpu.memory_space<vmem>>
          %dma_start3A_203 = tpu.memref_slice %arg2[%add3A_177] : memref<320000xi32, #tpu.memory_space<hbm>> -> memref<80xi32, #tpu.memory_space<hbm>>
          tpu.enqueue_dma source(%dma_start3A_203 : memref<80xi32, #tpu.memory_space<hbm>>) target(%dma_start3A_202 : memref<80xi32, #tpu.memory_space<vmem>>) target_semaphore(%run_scoped3A_195 : memref<!tpu.dma_semaphore, #tpu.memory_space<semaphore_mem>>)
          %dma_wait3A_204 = arith.constant 0 : i32
          %dma_wait3A_205 = tpu.memref_slice %arg6[%run_scoped3A_178, %dma_wait3A_204] : memref<2x80xi32, #tpu.memory_space<vmem>> -> memref<1x80xi32, #tpu.memory_space<vmem>>
          %dma_wait3A_206 = tpu.memref_squeeze %dma_wait3A_205 : memref<1x80xi32, #tpu.memory_space<vmem>> -> memref<80xi32, #tpu.memory_space<vmem>>
          %dma_wait3A_207 = tpu.memref_slice %arg2[%add3A_177] : memref<320000xi32, #tpu.memory_space<hbm>> -> memref<80xi32, #tpu.memory_space<hbm>>
          %dma_wait3A_208 = arith.constant 0 : i32
          %dma_wait3A_209 = tpu.memref_slice %arg6[%run_scoped3A_178, %dma_wait3A_208] : memref<2x80xi32, #tpu.memory_space<vmem>> -> memref<1x80xi32, #tpu.memory_space<vmem>>
          %dma_wait3A_210 = tpu.memref_squeeze %dma_wait3A_209 : memref<1x80xi32, #tpu.memory_space<vmem>> -> memref<80xi32, #tpu.memory_space<vmem>>
          %dma_wait3A_211 = tpu.memref_slice %arg2[%add3A_177] : memref<320000xi32, #tpu.memory_space<hbm>> -> memref<80xi32, #tpu.memory_space<hbm>>
          tpu.wait_dma2 semaphore(%run_scoped3A_195 : memref<!tpu.dma_semaphore, #tpu.memory_space<semaphore_mem>>) src(%dma_wait3A_211 : memref<80xi32, #tpu.memory_space<hbm>>) dst(%dma_wait3A_210 : memref<80xi32, #tpu.memory_space<vmem>>)
          tpu.yield
        }) : () -> ()
        %mul3A_179 = arith.constant 80 : i32
        %mul3A_180 = arith.muli %add3A_174, %mul3A_179 : i32
        %add3A_181 = arith.addi %mul3A_10, %mul3A_180 : i32
        %dma_start3A_182 = arith.constant 0 : i32
        %dma_start3A_183 = arith.constant 0 : i32
        %dma_start3A_184 = arith.constant 0 : i32
        %dma_start3A_185 = tpu.memref_slice %arg7[%dma_start3A_182, %dma_start3A_183, %dma_start3A_184] : memref<2x80x128xf32, #tpu.memory_space<vmem>> -> memref<1x80x128xf32, #tpu.memory_space<vmem>>
        %dma_start3A_186 = tpu.memref_squeeze %dma_start3A_185 : memref<1x80x128xf32, #tpu.memory_space<vmem>> -> memref<80x128xf32, #tpu.memory_space<vmem>>
        %dma_start3A_187 = arith.constant 0 : i32
        %dma_start3A_188 = tpu.memref_slice %arg3[%add3A_181, %dma_start3A_187] : memref<320000x128xf32, #tpu.memory_space<hbm>> -> memref<80x128xf32, #tpu.memory_space<hbm>>
        %dma_start3A_189 = arith.constant 0 : i32
        %dma_start3A_190 = arith.constant 0 : i32
        %dma_start3A_191 = tpu.memref_slice %arg7[%dma_start3A_182, %dma_start3A_189, %dma_start3A_190] : memref<2x80x128xf32, #tpu.memory_space<vmem>> -> memref<1x80x128xf32, #tpu.memory_space<vmem>>
        %dma_start3A_192 = tpu.memref_squeeze %dma_start3A_191 : memref<1x80x128xf32, #tpu.memory_space<vmem>> -> memref<80x128xf32, #tpu.memory_space<vmem>>
        %dma_start3A_193 = arith.constant 0 : i32
        %dma_start3A_194 = tpu.memref_slice %arg3[%add3A_181, %dma_start3A_193] : memref<320000x128xf32, #tpu.memory_space<hbm>> -> memref<80x128xf32, #tpu.memory_space<hbm>>
        tpu.enqueue_dma source(%dma_start3A_194 : memref<80x128xf32, #tpu.memory_space<hbm>>) target(%dma_start3A_192 : memref<80x128xf32, #tpu.memory_space<vmem>>) target_semaphore(%arg9 : memref<!tpu.dma_semaphore, #tpu.memory_space<semaphore_mem>>)
      } else {
      }
      %mul3A_148 = arith.constant 2 : i32
      %mul3A_149 = arith.muli %mul3A_148, %scan3A_100 : i32
      %add3A_150 = arith.constant 1 : i32
      %add3A_151 = arith.addi %mul3A_149, %add3A_150 : i32
      %mul3A_152 = arith.constant 80 : i32
      %mul3A_153 = arith.muli %add3A_151, %mul3A_152 : i32
      %add3A_154 = arith.addi %mul3A_10, %mul3A_153 : i32
      %dma_wait3A_155 = arith.constant 1 : i32
      %dma_wait3A_156 = arith.constant 0 : i32
      %dma_wait3A_157 = arith.constant 0 : i32
      %dma_wait3A_158 = tpu.memref_slice %arg7[%dma_wait3A_155, %dma_wait3A_156, %dma_wait3A_157] : memref<2x80x128xf32, #tpu.memory_space<vmem>> -> memref<1x80x128xf32, #tpu.memory_space<vmem>>
      %dma_wait3A_159 = tpu.memref_squeeze %dma_wait3A_158 : memref<1x80x128xf32, #tpu.memory_space<vmem>> -> memref<80x128xf32, #tpu.memory_space<vmem>>
      %dma_wait3A_160 = arith.constant 0 : i32
      %dma_wait3A_161 = tpu.memref_slice %arg3[%add3A_154, %dma_wait3A_160] : memref<320000x128xf32, #tpu.memory_space<hbm>> -> memref<80x128xf32, #tpu.memory_space<hbm>>
      %dma_wait3A_162 = arith.constant 0 : i32
      %dma_wait3A_163 = arith.constant 0 : i32
      %dma_wait3A_164 = tpu.memref_slice %arg7[%dma_wait3A_155, %dma_wait3A_162, %dma_wait3A_163] : memref<2x80x128xf32, #tpu.memory_space<vmem>> -> memref<1x80x128xf32, #tpu.memory_space<vmem>>
      %dma_wait3A_165 = tpu.memref_squeeze %dma_wait3A_164 : memref<1x80x128xf32, #tpu.memory_space<vmem>> -> memref<80x128xf32, #tpu.memory_space<vmem>>
      %dma_wait3A_166 = arith.constant 0 : i32
      %dma_wait3A_167 = tpu.memref_slice %arg3[%add3A_154, %dma_wait3A_166] : memref<320000x128xf32, #tpu.memory_space<hbm>> -> memref<80x128xf32, #tpu.memory_space<hbm>>
      tpu.wait_dma2 semaphore(%arg10 : memref<!tpu.dma_semaphore, #tpu.memory_space<semaphore_mem>>) src(%dma_wait3A_167 : memref<80x128xf32, #tpu.memory_space<hbm>>) dst(%dma_wait3A_165 : memref<80x128xf32, #tpu.memory_space<vmem>>)
      %run_scoped3A_168 = arith.constant 1 : i32
      %run_scoped3A_169 = arith.constant 1 : i32
      "tpu.region"() ({
        %run_scoped3A_171 = tpu.sem_alloc : memref<!tpu.dma_semaphore, #tpu.memory_space<semaphore_mem>>
        %dma_start3A_172 = arith.constant 0 : i32
        %dma_start3A_173 = arith.constant 0 : i32
        %dma_start3A_174 = tpu.memref_slice %arg7[%run_scoped3A_168, %dma_start3A_172, %dma_start3A_173] : memref<2x80x128xf32, #tpu.memory_space<vmem>> -> memref<1x80x128xf32, #tpu.memory_space<vmem>>
        %dma_start3A_175 = tpu.memref_squeeze %dma_start3A_174 : memref<1x80x128xf32, #tpu.memory_space<vmem>> -> memref<80x128xf32, #tpu.memory_space<vmem>>
        %dma_start3A_176 = arith.constant 0 : i32
        %dma_start3A_177 = tpu.memref_slice %arg6[%run_scoped3A_169, %dma_start3A_176] : memref<2x80xi32, #tpu.memory_space<vmem>> -> memref<1x80xi32, #tpu.memory_space<vmem>>
        %dma_start3A_178 = tpu.memref_squeeze %dma_start3A_177 : memref<1x80xi32, #tpu.memory_space<vmem>> -> memref<80xi32, #tpu.memory_space<vmem>>
        %dma_start3A_179 = arith.constant 0 : i32
        %dma_start3A_180 = arith.constant 0 : i32
        %dma_start3A_181 = tpu.memref_slice %arg8[%dma_start3A_179, %dma_start3A_180] : memref<10240x128xf32, #tpu.memory_space<vmem_shared>> -> memref<10240x128xf32, #tpu.memory_space<vmem_shared>>
        tpu.enqueue_indirect_dma source(%dma_start3A_175 : memref<80x128xf32, #tpu.memory_space<vmem>>) target(%dma_start3A_181 : memref<10240x128xf32, #tpu.memory_space<vmem_shared>>) offsets(%dma_start3A_178 : memref<80xi32, #tpu.memory_space<vmem>>) semaphore(%run_scoped3A_171 : memref<!tpu.dma_semaphore, #tpu.memory_space<semaphore_mem>>) {add = true}
        %dma_wait3A_182 = arith.constant 0 : i32
        %dma_wait3A_183 = arith.constant 0 : i32
        %dma_wait3A_184 = tpu.memref_slice %arg7[%run_scoped3A_168, %dma_wait3A_182, %dma_wait3A_183] : memref<2x80x128xf32, #tpu.memory_space<vmem>> -> memref<1x80x128xf32, #tpu.memory_space<vmem>>
        %dma_wait3A_185 = tpu.memref_squeeze %dma_wait3A_184 : memref<1x80x128xf32, #tpu.memory_space<vmem>> -> memref<80x128xf32, #tpu.memory_space<vmem>>
        %dma_wait3A_186 = arith.constant 0 : i32
        %dma_wait3A_187 = tpu.memref_slice %arg6[%run_scoped3A_169, %dma_wait3A_186] : memref<2x80xi32, #tpu.memory_space<vmem>> -> memref<1x80xi32, #tpu.memory_space<vmem>>
        %dma_wait3A_188 = tpu.memref_squeeze %dma_wait3A_187 : memref<1x80xi32, #tpu.memory_space<vmem>> -> memref<80xi32, #tpu.memory_space<vmem>>
        %dma_wait3A_189 = arith.constant 0 : i32
        %dma_wait3A_190 = arith.constant 0 : i32
        %dma_wait3A_191 = tpu.memref_slice %arg8[%dma_wait3A_189, %dma_wait3A_190] : memref<10240x128xf32, #tpu.memory_space<vmem_shared>> -> memref<10240x128xf32, #tpu.memory_space<vmem_shared>>
        tpu.wait_indirect_dma semaphore(%run_scoped3A_171 : memref<!tpu.dma_semaphore, #tpu.memory_space<semaphore_mem>>) src(%dma_wait3A_185 : memref<80x128xf32, #tpu.memory_space<vmem>>) dst(%dma_wait3A_191 : memref<10240x128xf32, #tpu.memory_space<vmem_shared>>)
        tpu.yield
      }) : () -> ()
      %scan3A_170 = arith.constant 0 : i32
      scf.yield %scan3A_170 : i32
    }
    %scan3A_34 = arith.constant 62 : i32
    %add3A_35 = arith.constant 9920 : i32
    %add3A_36 = arith.addi %mul3A_10, %add3A_35 : i32
    %run_scoped3A_37 = arith.constant 0 : i32
    "tpu.region"() ({
      %run_scoped3A_100 = tpu.sem_alloc : memref<!tpu.dma_semaphore, #tpu.memory_space<semaphore_mem>>
      %dma_start3A_101 = arith.constant 0 : i32
      %dma_start3A_102 = tpu.memref_slice %arg6[%run_scoped3A_37, %dma_start3A_101] : memref<2x80xi32, #tpu.memory_space<vmem>> -> memref<1x80xi32, #tpu.memory_space<vmem>>
      %dma_start3A_103 = tpu.memref_squeeze %dma_start3A_102 : memref<1x80xi32, #tpu.memory_space<vmem>> -> memref<80xi32, #tpu.memory_space<vmem>>
      %dma_start3A_104 = tpu.memref_slice %arg2[%add3A_36] : memref<320000xi32, #tpu.memory_space<hbm>> -> memref<80xi32, #tpu.memory_space<hbm>>
      %dma_start3A_105 = arith.constant 0 : i32
      %dma_start3A_106 = tpu.memref_slice %arg6[%run_scoped3A_37, %dma_start3A_105] : memref<2x80xi32, #tpu.memory_space<vmem>> -> memref<1x80xi32, #tpu.memory_space<vmem>>
      %dma_start3A_107 = tpu.memref_squeeze %dma_start3A_106 : memref<1x80xi32, #tpu.memory_space<vmem>> -> memref<80xi32, #tpu.memory_space<vmem>>
      %dma_start3A_108 = tpu.memref_slice %arg2[%add3A_36] : memref<320000xi32, #tpu.memory_space<hbm>> -> memref<80xi32, #tpu.memory_space<hbm>>
      tpu.enqueue_dma source(%dma_start3A_108 : memref<80xi32, #tpu.memory_space<hbm>>) target(%dma_start3A_107 : memref<80xi32, #tpu.memory_space<vmem>>) target_semaphore(%run_scoped3A_100 : memref<!tpu.dma_semaphore, #tpu.memory_space<semaphore_mem>>)
      %dma_wait3A_109 = arith.constant 0 : i32
      %dma_wait3A_110 = tpu.memref_slice %arg6[%run_scoped3A_37, %dma_wait3A_109] : memref<2x80xi32, #tpu.memory_space<vmem>> -> memref<1x80xi32, #tpu.memory_space<vmem>>
      %dma_wait3A_111 = tpu.memref_squeeze %dma_wait3A_110 : memref<1x80xi32, #tpu.memory_space<vmem>> -> memref<80xi32, #tpu.memory_space<vmem>>
      %dma_wait3A_112 = tpu.memref_slice %arg2[%add3A_36] : memref<320000xi32, #tpu.memory_space<hbm>> -> memref<80xi32, #tpu.memory_space<hbm>>
      %dma_wait3A_113 = arith.constant 0 : i32
      %dma_wait3A_114 = tpu.memref_slice %arg6[%run_scoped3A_37, %dma_wait3A_113] : memref<2x80xi32, #tpu.memory_space<vmem>> -> memref<1x80xi32, #tpu.memory_space<vmem>>
      %dma_wait3A_115 = tpu.memref_squeeze %dma_wait3A_114 : memref<1x80xi32, #tpu.memory_space<vmem>> -> memref<80xi32, #tpu.memory_space<vmem>>
      %dma_wait3A_116 = tpu.memref_slice %arg2[%add3A_36] : memref<320000xi32, #tpu.memory_space<hbm>> -> memref<80xi32, #tpu.memory_space<hbm>>
      tpu.wait_dma2 semaphore(%run_scoped3A_100 : memref<!tpu.dma_semaphore, #tpu.memory_space<semaphore_mem>>) src(%dma_wait3A_116 : memref<80xi32, #tpu.memory_space<hbm>>) dst(%dma_wait3A_115 : memref<80xi32, #tpu.memory_space<vmem>>)
      tpu.yield
    }) : () -> ()
    %add3A_38 = arith.constant 9920 : i32
    %add3A_39 = arith.addi %mul3A_10, %add3A_38 : i32
    %dma_start3A_40 = arith.constant 0 : i32
    %dma_start3A_41 = arith.constant 0 : i32
    %dma_start3A_42 = arith.constant 0 : i32
    %dma_start3A_43 = tpu.memref_slice %arg7[%dma_start3A_40, %dma_start3A_41, %dma_start3A_42] : memref<2x80x128xf32, #tpu.memory_space<vmem>> -> memref<1x80x128xf32, #tpu.memory_space<vmem>>
    %dma_start3A_44 = tpu.memref_squeeze %dma_start3A_43 : memref<1x80x128xf32, #tpu.memory_space<vmem>> -> memref<80x128xf32, #tpu.memory_space<vmem>>
    %dma_start3A_45 = arith.constant 0 : i32
    %dma_start3A_46 = tpu.memref_slice %arg3[%add3A_39, %dma_start3A_45] : memref<320000x128xf32, #tpu.memory_space<hbm>> -> memref<80x128xf32, #tpu.memory_space<hbm>>
    %dma_start3A_47 = arith.constant 0 : i32
    %dma_start3A_48 = arith.constant 0 : i32
    %dma_start3A_49 = tpu.memref_slice %arg7[%dma_start3A_40, %dma_start3A_47, %dma_start3A_48] : memref<2x80x128xf32, #tpu.memory_space<vmem>> -> memref<1x80x128xf32, #tpu.memory_space<vmem>>
    %dma_start3A_50 = tpu.memref_squeeze %dma_start3A_49 : memref<1x80x128xf32, #tpu.memory_space<vmem>> -> memref<80x128xf32, #tpu.memory_space<vmem>>
    %dma_start3A_51 = arith.constant 0 : i32
    %dma_start3A_52 = tpu.memref_slice %arg3[%add3A_39, %dma_start3A_51] : memref<320000x128xf32, #tpu.memory_space<hbm>> -> memref<80x128xf32, #tpu.memory_space<hbm>>
    tpu.enqueue_dma source(%dma_start3A_52 : memref<80x128xf32, #tpu.memory_space<hbm>>) target(%dma_start3A_50 : memref<80x128xf32, #tpu.memory_space<vmem>>) target_semaphore(%arg9 : memref<!tpu.dma_semaphore, #tpu.memory_space<semaphore_mem>>)
    %add3A_53 = arith.constant 9920 : i32
    %add3A_54 = arith.addi %mul3A_10, %add3A_53 : i32
    %dma_wait3A = arith.constant 0 : i32
    %dma_wait3A_55 = arith.constant 0 : i32
    %dma_wait3A_56 = arith.constant 0 : i32
    %dma_wait3A_57 = tpu.memref_slice %arg7[%dma_wait3A, %dma_wait3A_55, %dma_wait3A_56] : memref<2x80x128xf32, #tpu.memory_space<vmem>> -> memref<1x80x128xf32, #tpu.memory_space<vmem>>
    %dma_wait3A_58 = tpu.memref_squeeze %dma_wait3A_57 : memref<1x80x128xf32, #tpu.memory_space<vmem>> -> memref<80x128xf32, #tpu.memory_space<vmem>>
    %dma_wait3A_59 = arith.constant 0 : i32
    %dma_wait3A_60 = tpu.memref_slice %arg3[%add3A_54, %dma_wait3A_59] : memref<320000x128xf32, #tpu.memory_space<hbm>> -> memref<80x128xf32, #tpu.memory_space<hbm>>
    %dma_wait3A_61 = arith.constant 0 : i32
    %dma_wait3A_62 = arith.constant 0 : i32
    %dma_wait3A_63 = tpu.memref_slice %arg7[%dma_wait3A, %dma_wait3A_61, %dma_wait3A_62] : memref<2x80x128xf32, #tpu.memory_space<vmem>> -> memref<1x80x128xf32, #tpu.memory_space<vmem>>
    %dma_wait3A_64 = tpu.memref_squeeze %dma_wait3A_63 : memref<1x80x128xf32, #tpu.memory_space<vmem>> -> memref<80x128xf32, #tpu.memory_space<vmem>>
    %dma_wait3A_65 = arith.constant 0 : i32
    %dma_wait3A_66 = tpu.memref_slice %arg3[%add3A_54, %dma_wait3A_65] : memref<320000x128xf32, #tpu.memory_space<hbm>> -> memref<80x128xf32, #tpu.memory_space<hbm>>
    tpu.wait_dma2 semaphore(%arg9 : memref<!tpu.dma_semaphore, #tpu.memory_space<semaphore_mem>>) src(%dma_wait3A_66 : memref<80x128xf32, #tpu.memory_space<hbm>>) dst(%dma_wait3A_64 : memref<80x128xf32, #tpu.memory_space<vmem>>)
    %run_scoped3A_67 = arith.constant 0 : i32
    %run_scoped3A_68 = arith.constant 0 : i32
    "tpu.region"() ({
      %run_scoped3A_100 = tpu.sem_alloc : memref<!tpu.dma_semaphore, #tpu.memory_space<semaphore_mem>>
      %dma_start3A_101 = arith.constant 0 : i32
      %dma_start3A_102 = arith.constant 0 : i32
      %dma_start3A_103 = tpu.memref_slice %arg7[%run_scoped3A_67, %dma_start3A_101, %dma_start3A_102] : memref<2x80x128xf32, #tpu.memory_space<vmem>> -> memref<1x80x128xf32, #tpu.memory_space<vmem>>
      %dma_start3A_104 = tpu.memref_squeeze %dma_start3A_103 : memref<1x80x128xf32, #tpu.memory_space<vmem>> -> memref<80x128xf32, #tpu.memory_space<vmem>>
      %dma_start3A_105 = arith.constant 0 : i32
      %dma_start3A_106 = tpu.memref_slice %arg6[%run_scoped3A_68, %dma_start3A_105] : memref<2x80xi32, #tpu.memory_space<vmem>> -> memref<1x80xi32, #tpu.memory_space<vmem>>
      %dma_start3A_107 = tpu.memref_squeeze %dma_start3A_106 : memref<1x80xi32, #tpu.memory_space<vmem>> -> memref<80xi32, #tpu.memory_space<vmem>>
      %dma_start3A_108 = arith.constant 0 : i32
      %dma_start3A_109 = arith.constant 0 : i32
      %dma_start3A_110 = tpu.memref_slice %arg8[%dma_start3A_108, %dma_start3A_109] : memref<10240x128xf32, #tpu.memory_space<vmem_shared>> -> memref<10240x128xf32, #tpu.memory_space<vmem_shared>>
      tpu.enqueue_indirect_dma source(%dma_start3A_104 : memref<80x128xf32, #tpu.memory_space<vmem>>) target(%dma_start3A_110 : memref<10240x128xf32, #tpu.memory_space<vmem_shared>>) offsets(%dma_start3A_107 : memref<80xi32, #tpu.memory_space<vmem>>) semaphore(%run_scoped3A_100 : memref<!tpu.dma_semaphore, #tpu.memory_space<semaphore_mem>>) {add = true}
      %dma_wait3A_111 = arith.constant 0 : i32
      %dma_wait3A_112 = arith.constant 0 : i32
      %dma_wait3A_113 = tpu.memref_slice %arg7[%run_scoped3A_67, %dma_wait3A_111, %dma_wait3A_112] : memref<2x80x128xf32, #tpu.memory_space<vmem>> -> memref<1x80x128xf32, #tpu.memory_space<vmem>>
      %dma_wait3A_114 = tpu.memref_squeeze %dma_wait3A_113 : memref<1x80x128xf32, #tpu.memory_space<vmem>> -> memref<80x128xf32, #tpu.memory_space<vmem>>
      %dma_wait3A_115 = arith.constant 0 : i32
      %dma_wait3A_116 = tpu.memref_slice %arg6[%run_scoped3A_68, %dma_wait3A_115] : memref<2x80xi32, #tpu.memory_space<vmem>> -> memref<1x80xi32, #tpu.memory_space<vmem>>
      %dma_wait3A_117 = tpu.memref_squeeze %dma_wait3A_116 : memref<1x80xi32, #tpu.memory_space<vmem>> -> memref<80xi32, #tpu.memory_space<vmem>>
      %dma_wait3A_118 = arith.constant 0 : i32
      %dma_wait3A_119 = arith.constant 0 : i32
      %dma_wait3A_120 = tpu.memref_slice %arg8[%dma_wait3A_118, %dma_wait3A_119] : memref<10240x128xf32, #tpu.memory_space<vmem_shared>> -> memref<10240x128xf32, #tpu.memory_space<vmem_shared>>
      tpu.wait_indirect_dma semaphore(%run_scoped3A_100 : memref<!tpu.dma_semaphore, #tpu.memory_space<semaphore_mem>>) src(%dma_wait3A_114 : memref<80x128xf32, #tpu.memory_space<vmem>>) dst(%dma_wait3A_120 : memref<10240x128xf32, #tpu.memory_space<vmem_shared>>)
      tpu.yield
    }) : () -> ()
    %barrier3A_69 = arith.constant 0 : index
    tpu.barrier barrier_id(%barrier3A_69)
    %sub3A = arith.constant 10000 : i32
    %sub3A_70 = arith.subi %sub3A, %mul3A_2 : i32
    %min3A = arith.constant 640 : i32
    %min3A_71 = arith.minsi %sub3A_70, %min3A : i32
    %jit3A = arith.constant 80 : i32
    %div3A = arith.divsi %min3A_71, %jit3A : i32
    %sign3A = arith.constant 0 : i32
    %sign3A_72 = arith.cmpi sgt, %min3A_71, %sign3A : i32
    %sign3A_73 = arith.extui %sign3A_72 : i1 to i32
    %sign3A_74 = arith.constant 0 : i32
    %sign3A_75 = arith.cmpi slt, %min3A_71, %sign3A_74 : i32
    %sign3A_76 = arith.extui %sign3A_75 : i1 to i32
    %sign3A_77 = arith.subi %sign3A_73, %sign3A_76 : i32
    %sign3A_78 = arith.constant 0 : i32
    %sign3A_79 = arith.cmpi sgt, %jit3A, %sign3A_78 : i32
    %sign3A_80 = arith.extui %sign3A_79 : i1 to i32
    %sign3A_81 = arith.constant 0 : i32
    %sign3A_82 = arith.cmpi slt, %jit3A, %sign3A_81 : i32
    %sign3A_83 = arith.extui %sign3A_82 : i1 to i32
    %sign3A_84 = arith.subi %sign3A_80, %sign3A_83 : i32
    %ne3A = arith.cmpi ne, %sign3A_77, %sign3A_84 : i32
    %rem3A = arith.remsi %min3A_71, %jit3A : i32
    %ne3A_85 = arith.constant 0 : i32
    %ne3A_86 = arith.cmpi ne, %rem3A, %ne3A_85 : i32
    %and3A = arith.andi %ne3A, %ne3A_86 : i1
    %sub3A_87 = arith.constant 1 : i32
    %sub3A_88 = arith.subi %div3A, %sub3A_87 : i32
    %select_n3A = arith.select %and3A, %sub3A_88, %div3A : i32
    %while3A = arith.constant 0 : i32
    %while3A_89 = arith.constant 0 : i32
    %while3A_90 = arith.subi %select_n3A, %while3A : i32
    %while3A_91 = arith.addi %while3A, %while3A_90 : i32
    %while3A_92 = arith.constant 1 : i32
    %while3A_93 = arith.divsi %while3A_90, %while3A_92 : i32
    %while3A_94 = arith.muli %while3A_93, %while3A_92 : i32
    %while3A_95 = arith.addi %while3A, %while3A_94 : i32
    %while3A_96 = arith.constant 1 : i32
    %while3A_97 = scf.for %while3A_100 = %while3A to %while3A_95 step %while3A_96 iter_args(%while3A_101 = %while3A_89) -> (i32)  : i32 {
      %mul3A_102 = arith.constant 80 : i32
      %mul3A_103 = arith.muli %while3A_100, %mul3A_102 : i32
      %add3A_104 = arith.addi %mul3A_2, %mul3A_103 : i32
      %run_scoped3A_105 = arith.constant 0 : i32
      "tpu.region"() ({
        %run_scoped3A_108 = tpu.sem_alloc : memref<!tpu.dma_semaphore, #tpu.memory_space<semaphore_mem>>
        %dma_start3A_109 = arith.constant 0 : i32
        %dma_start3A_110 = arith.constant 0 : i32
        %dma_start3A_111 = tpu.memref_slice %arg7[%run_scoped3A_105, %dma_start3A_109, %dma_start3A_110] : memref<2x80x128xf32, #tpu.memory_space<vmem>> -> memref<1x80x128xf32, #tpu.memory_space<vmem>>
        %dma_start3A_112 = tpu.memref_squeeze %dma_start3A_111 : memref<1x80x128xf32, #tpu.memory_space<vmem>> -> memref<80x128xf32, #tpu.memory_space<vmem>>
        %dma_start3A_113 = arith.constant 0 : i32
        %dma_start3A_114 = tpu.memref_slice %arg8[%add3A_104, %dma_start3A_113] : memref<10240x128xf32, #tpu.memory_space<vmem_shared>> -> memref<80x128xf32, #tpu.memory_space<vmem_shared>>
        %dma_start3A_115 = arith.constant 0 : i32
        %dma_start3A_116 = arith.constant 0 : i32
        %dma_start3A_117 = tpu.memref_slice %arg7[%run_scoped3A_105, %dma_start3A_115, %dma_start3A_116] : memref<2x80x128xf32, #tpu.memory_space<vmem>> -> memref<1x80x128xf32, #tpu.memory_space<vmem>>
        %dma_start3A_118 = tpu.memref_squeeze %dma_start3A_117 : memref<1x80x128xf32, #tpu.memory_space<vmem>> -> memref<80x128xf32, #tpu.memory_space<vmem>>
        %dma_start3A_119 = arith.constant 0 : i32
        %dma_start3A_120 = tpu.memref_slice %arg8[%add3A_104, %dma_start3A_119] : memref<10240x128xf32, #tpu.memory_space<vmem_shared>> -> memref<80x128xf32, #tpu.memory_space<vmem_shared>>
        tpu.enqueue_dma source(%dma_start3A_120 : memref<80x128xf32, #tpu.memory_space<vmem_shared>>) target(%dma_start3A_118 : memref<80x128xf32, #tpu.memory_space<vmem>>) target_semaphore(%run_scoped3A_108 : memref<!tpu.dma_semaphore, #tpu.memory_space<semaphore_mem>>)
        %dma_wait3A_121 = arith.constant 0 : i32
        %dma_wait3A_122 = arith.constant 0 : i32
        %dma_wait3A_123 = tpu.memref_slice %arg7[%run_scoped3A_105, %dma_wait3A_121, %dma_wait3A_122] : memref<2x80x128xf32, #tpu.memory_space<vmem>> -> memref<1x80x128xf32, #tpu.memory_space<vmem>>
        %dma_wait3A_124 = tpu.memref_squeeze %dma_wait3A_123 : memref<1x80x128xf32, #tpu.memory_space<vmem>> -> memref<80x128xf32, #tpu.memory_space<vmem>>
        %dma_wait3A_125 = arith.constant 0 : i32
        %dma_wait3A_126 = tpu.memref_slice %arg8[%add3A_104, %dma_wait3A_125] : memref<10240x128xf32, #tpu.memory_space<vmem_shared>> -> memref<80x128xf32, #tpu.memory_space<vmem_shared>>
        %dma_wait3A_127 = arith.constant 0 : i32
        %dma_wait3A_128 = arith.constant 0 : i32
        %dma_wait3A_129 = tpu.memref_slice %arg7[%run_scoped3A_105, %dma_wait3A_127, %dma_wait3A_128] : memref<2x80x128xf32, #tpu.memory_space<vmem>> -> memref<1x80x128xf32, #tpu.memory_space<vmem>>
        %dma_wait3A_130 = tpu.memref_squeeze %dma_wait3A_129 : memref<1x80x128xf32, #tpu.memory_space<vmem>> -> memref<80x128xf32, #tpu.memory_space<vmem>>
        %dma_wait3A_131 = arith.constant 0 : i32
        %dma_wait3A_132 = tpu.memref_slice %arg8[%add3A_104, %dma_wait3A_131] : memref<10240x128xf32, #tpu.memory_space<vmem_shared>> -> memref<80x128xf32, #tpu.memory_space<vmem_shared>>
        tpu.wait_dma2 semaphore(%run_scoped3A_108 : memref<!tpu.dma_semaphore, #tpu.memory_space<semaphore_mem>>) src(%dma_wait3A_132 : memref<80x128xf32, #tpu.memory_space<vmem_shared>>) dst(%dma_wait3A_130 : memref<80x128xf32, #tpu.memory_space<vmem>>)
        tpu.yield
      }) : () -> ()
      %run_scoped3A_106 = arith.constant 0 : i32
      "tpu.region"() ({
        %run_scoped3A_108 = tpu.sem_alloc : memref<!tpu.dma_semaphore, #tpu.memory_space<semaphore_mem>>
        %dma_start3A_109 = arith.constant 0 : i32
        %dma_start3A_110 = arith.constant 0 : i32
        %dma_start3A_111 = tpu.memref_slice %arg7[%run_scoped3A_106, %dma_start3A_109, %dma_start3A_110] : memref<2x80x128xf32, #tpu.memory_space<vmem>> -> memref<1x80x128xf32, #tpu.memory_space<vmem>>
        %dma_start3A_112 = tpu.memref_squeeze %dma_start3A_111 : memref<1x80x128xf32, #tpu.memory_space<vmem>> -> memref<80x128xf32, #tpu.memory_space<vmem>>
        %dma_start3A_113 = arith.constant 0 : i32
        %dma_start3A_114 = tpu.memref_slice %arg5[%arg0, %add3A_104, %dma_start3A_113] : memref<2x10000x128xf32, #tpu.memory_space<hbm>> -> memref<1x80x128xf32, #tpu.memory_space<hbm>>
        %dma_start3A_115 = tpu.memref_squeeze %dma_start3A_114 : memref<1x80x128xf32, #tpu.memory_space<hbm>> -> memref<80x128xf32, #tpu.memory_space<hbm>>
        %dma_start3A_116 = arith.constant 0 : i32
        %dma_start3A_117 = tpu.memref_slice %arg5[%arg0, %add3A_104, %dma_start3A_116] : memref<2x10000x128xf32, #tpu.memory_space<hbm>> -> memref<1x80x128xf32, #tpu.memory_space<hbm>>
        %dma_start3A_118 = tpu.memref_squeeze %dma_start3A_117 : memref<1x80x128xf32, #tpu.memory_space<hbm>> -> memref<80x128xf32, #tpu.memory_space<hbm>>
        %dma_start3A_119 = arith.constant 0 : i32
        %dma_start3A_120 = arith.constant 0 : i32
        %dma_start3A_121 = tpu.memref_slice %arg7[%run_scoped3A_106, %dma_start3A_119, %dma_start3A_120] : memref<2x80x128xf32, #tpu.memory_space<vmem>> -> memref<1x80x128xf32, #tpu.memory_space<vmem>>
        %dma_start3A_122 = tpu.memref_squeeze %dma_start3A_121 : memref<1x80x128xf32, #tpu.memory_space<vmem>> -> memref<80x128xf32, #tpu.memory_space<vmem>>
        tpu.enqueue_dma source(%dma_start3A_122 : memref<80x128xf32, #tpu.memory_space<vmem>>) target(%dma_start3A_118 : memref<80x128xf32, #tpu.memory_space<hbm>>) target_semaphore(%run_scoped3A_108 : memref<!tpu.dma_semaphore, #tpu.memory_space<semaphore_mem>>)
        %dma_wait3A_123 = arith.constant 0 : i32
        %dma_wait3A_124 = arith.constant 0 : i32
        %dma_wait3A_125 = tpu.memref_slice %arg7[%run_scoped3A_106, %dma_wait3A_123, %dma_wait3A_124] : memref<2x80x128xf32, #tpu.memory_space<vmem>> -> memref<1x80x128xf32, #tpu.memory_space<vmem>>
        %dma_wait3A_126 = tpu.memref_squeeze %dma_wait3A_125 : memref<1x80x128xf32, #tpu.memory_space<vmem>> -> memref<80x128xf32, #tpu.memory_space<vmem>>
        %dma_wait3A_127 = arith.constant 0 : i32
        %dma_wait3A_128 = tpu.memref_slice %arg5[%arg0, %add3A_104, %dma_wait3A_127] : memref<2x10000x128xf32, #tpu.memory_space<hbm>> -> memref<1x80x128xf32, #tpu.memory_space<hbm>>
        %dma_wait3A_129 = tpu.memref_squeeze %dma_wait3A_128 : memref<1x80x128xf32, #tpu.memory_space<hbm>> -> memref<80x128xf32, #tpu.memory_space<hbm>>
        %dma_wait3A_130 = arith.constant 0 : i32
        %dma_wait3A_131 = tpu.memref_slice %arg5[%arg0, %add3A_104, %dma_wait3A_130] : memref<2x10000x128xf32, #tpu.memory_space<hbm>> -> memref<1x80x128xf32, #tpu.memory_space<hbm>>
        %dma_wait3A_132 = tpu.memref_squeeze %dma_wait3A_131 : memref<1x80x128xf32, #tpu.memory_space<hbm>> -> memref<80x128xf32, #tpu.memory_space<hbm>>
        %dma_wait3A_133 = arith.constant 0 : i32
        %dma_wait3A_134 = arith.constant 0 : i32
        %dma_wait3A_135 = tpu.memref_slice %arg7[%run_scoped3A_106, %dma_wait3A_133, %dma_wait3A_134] : memref<2x80x128xf32, #tpu.memory_space<vmem>> -> memref<1x80x128xf32, #tpu.memory_space<vmem>>
        %dma_wait3A_136 = tpu.memref_squeeze %dma_wait3A_135 : memref<1x80x128xf32, #tpu.memory_space<vmem>> -> memref<80x128xf32, #tpu.memory_space<vmem>>
        tpu.wait_dma2 semaphore(%run_scoped3A_108 : memref<!tpu.dma_semaphore, #tpu.memory_space<semaphore_mem>>) src(%dma_wait3A_136 : memref<80x128xf32, #tpu.memory_space<vmem>>) dst(%dma_wait3A_132 : memref<80x128xf32, #tpu.memory_space<hbm>>)
        tpu.yield
      }) : () -> ()
      %while3A_107 = arith.constant 0 : i32
      scf.yield %while3A_107 : i32
    }
    %while3A_98 = arith.constant 1 : i32
    %while3A_99 = scf.for %while3A_100 = %while3A_95 to %while3A_91 step %while3A_98 iter_args(%while3A_101 = %while3A_97) -> (i32)  : i32 {
      %mul3A_102 = arith.constant 80 : i32
      %mul3A_103 = arith.muli %while3A_100, %mul3A_102 : i32
      %add3A_104 = arith.addi %mul3A_2, %mul3A_103 : i32
      %run_scoped3A_105 = arith.constant 0 : i32
      "tpu.region"() ({
        %run_scoped3A_108 = tpu.sem_alloc : memref<!tpu.dma_semaphore, #tpu.memory_space<semaphore_mem>>
        %dma_start3A_109 = arith.constant 0 : i32
        %dma_start3A_110 = arith.constant 0 : i32
        %dma_start3A_111 = tpu.memref_slice %arg7[%run_scoped3A_105, %dma_start3A_109, %dma_start3A_110] : memref<2x80x128xf32, #tpu.memory_space<vmem>> -> memref<1x80x128xf32, #tpu.memory_space<vmem>>
        %dma_start3A_112 = tpu.memref_squeeze %dma_start3A_111 : memref<1x80x128xf32, #tpu.memory_space<vmem>> -> memref<80x128xf32, #tpu.memory_space<vmem>>
        %dma_start3A_113 = arith.constant 0 : i32
        %dma_start3A_114 = tpu.memref_slice %arg8[%add3A_104, %dma_start3A_113] : memref<10240x128xf32, #tpu.memory_space<vmem_shared>> -> memref<80x128xf32, #tpu.memory_space<vmem_shared>>
        %dma_start3A_115 = arith.constant 0 : i32
        %dma_start3A_116 = arith.constant 0 : i32
        %dma_start3A_117 = tpu.memref_slice %arg7[%run_scoped3A_105, %dma_start3A_115, %dma_start3A_116] : memref<2x80x128xf32, #tpu.memory_space<vmem>> -> memref<1x80x128xf32, #tpu.memory_space<vmem>>
        %dma_start3A_118 = tpu.memref_squeeze %dma_start3A_117 : memref<1x80x128xf32, #tpu.memory_space<vmem>> -> memref<80x128xf32, #tpu.memory_space<vmem>>
        %dma_start3A_119 = arith.constant 0 : i32
        %dma_start3A_120 = tpu.memref_slice %arg8[%add3A_104, %dma_start3A_119] : memref<10240x128xf32, #tpu.memory_space<vmem_shared>> -> memref<80x128xf32, #tpu.memory_space<vmem_shared>>
        tpu.enqueue_dma source(%dma_start3A_120 : memref<80x128xf32, #tpu.memory_space<vmem_shared>>) target(%dma_start3A_118 : memref<80x128xf32, #tpu.memory_space<vmem>>) target_semaphore(%run_scoped3A_108 : memref<!tpu.dma_semaphore, #tpu.memory_space<semaphore_mem>>)
        %dma_wait3A_121 = arith.constant 0 : i32
        %dma_wait3A_122 = arith.constant 0 : i32
        %dma_wait3A_123 = tpu.memref_slice %arg7[%run_scoped3A_105, %dma_wait3A_121, %dma_wait3A_122] : memref<2x80x128xf32, #tpu.memory_space<vmem>> -> memref<1x80x128xf32, #tpu.memory_space<vmem>>
        %dma_wait3A_124 = tpu.memref_squeeze %dma_wait3A_123 : memref<1x80x128xf32, #tpu.memory_space<vmem>> -> memref<80x128xf32, #tpu.memory_space<vmem>>
        %dma_wait3A_125 = arith.constant 0 : i32
        %dma_wait3A_126 = tpu.memref_slice %arg8[%add3A_104, %dma_wait3A_125] : memref<10240x128xf32, #tpu.memory_space<vmem_shared>> -> memref<80x128xf32, #tpu.memory_space<vmem_shared>>
        %dma_wait3A_127 = arith.constant 0 : i32
        %dma_wait3A_128 = arith.constant 0 : i32
        %dma_wait3A_129 = tpu.memref_slice %arg7[%run_scoped3A_105, %dma_wait3A_127, %dma_wait3A_128] : memref<2x80x128xf32, #tpu.memory_space<vmem>> -> memref<1x80x128xf32, #tpu.memory_space<vmem>>
        %dma_wait3A_130 = tpu.memref_squeeze %dma_wait3A_129 : memref<1x80x128xf32, #tpu.memory_space<vmem>> -> memref<80x128xf32, #tpu.memory_space<vmem>>
        %dma_wait3A_131 = arith.constant 0 : i32
        %dma_wait3A_132 = tpu.memref_slice %arg8[%add3A_104, %dma_wait3A_131] : memref<10240x128xf32, #tpu.memory_space<vmem_shared>> -> memref<80x128xf32, #tpu.memory_space<vmem_shared>>
        tpu.wait_dma2 semaphore(%run_scoped3A_108 : memref<!tpu.dma_semaphore, #tpu.memory_space<semaphore_mem>>) src(%dma_wait3A_132 : memref<80x128xf32, #tpu.memory_space<vmem_shared>>) dst(%dma_wait3A_130 : memref<80x128xf32, #tpu.memory_space<vmem>>)
        tpu.yield
      }) : () -> ()
      %run_scoped3A_106 = arith.constant 0 : i32
      "tpu.region"() ({
        %run_scoped3A_108 = tpu.sem_alloc : memref<!tpu.dma_semaphore, #tpu.memory_space<semaphore_mem>>
        %dma_start3A_109 = arith.constant 0 : i32
        %dma_start3A_110 = arith.constant 0 : i32
        %dma_start3A_111 = tpu.memref_slice %arg7[%run_scoped3A_106, %dma_start3A_109, %dma_start3A_110] : memref<2x80x128xf32, #tpu.memory_space<vmem>> -> memref<1x80x128xf32, #tpu.memory_space<vmem>>
        %dma_start3A_112 = tpu.memref_squeeze %dma_start3A_111 : memref<1x80x128xf32, #tpu.memory_space<vmem>> -> memref<80x128xf32, #tpu.memory_space<vmem>>
        %dma_start3A_113 = arith.constant 0 : i32
        %dma_start3A_114 = tpu.memref_slice %arg5[%arg0, %add3A_104, %dma_start3A_113] : memref<2x10000x128xf32, #tpu.memory_space<hbm>> -> memref<1x80x128xf32, #tpu.memory_space<hbm>>
        %dma_start3A_115 = tpu.memref_squeeze %dma_start3A_114 : memref<1x80x128xf32, #tpu.memory_space<hbm>> -> memref<80x128xf32, #tpu.memory_space<hbm>>
        %dma_start3A_116 = arith.constant 0 : i32
        %dma_start3A_117 = tpu.memref_slice %arg5[%arg0, %add3A_104, %dma_start3A_116] : memref<2x10000x128xf32, #tpu.memory_space<hbm>> -> memref<1x80x128xf32, #tpu.memory_space<hbm>>
        %dma_start3A_118 = tpu.memref_squeeze %dma_start3A_117 : memref<1x80x128xf32, #tpu.memory_space<hbm>> -> memref<80x128xf32, #tpu.memory_space<hbm>>
        %dma_start3A_119 = arith.constant 0 : i32
        %dma_start3A_120 = arith.constant 0 : i32
        %dma_start3A_121 = tpu.memref_slice %arg7[%run_scoped3A_106, %dma_start3A_119, %dma_start3A_120] : memref<2x80x128xf32, #tpu.memory_space<vmem>> -> memref<1x80x128xf32, #tpu.memory_space<vmem>>
        %dma_start3A_122 = tpu.memref_squeeze %dma_start3A_121 : memref<1x80x128xf32, #tpu.memory_space<vmem>> -> memref<80x128xf32, #tpu.memory_space<vmem>>
        tpu.enqueue_dma source(%dma_start3A_122 : memref<80x128xf32, #tpu.memory_space<vmem>>) target(%dma_start3A_118 : memref<80x128xf32, #tpu.memory_space<hbm>>) target_semaphore(%run_scoped3A_108 : memref<!tpu.dma_semaphore, #tpu.memory_space<semaphore_mem>>)
        %dma_wait3A_123 = arith.constant 0 : i32
        %dma_wait3A_124 = arith.constant 0 : i32
        %dma_wait3A_125 = tpu.memref_slice %arg7[%run_scoped3A_106, %dma_wait3A_123, %dma_wait3A_124] : memref<2x80x128xf32, #tpu.memory_space<vmem>> -> memref<1x80x128xf32, #tpu.memory_space<vmem>>
        %dma_wait3A_126 = tpu.memref_squeeze %dma_wait3A_125 : memref<1x80x128xf32, #tpu.memory_space<vmem>> -> memref<80x128xf32, #tpu.memory_space<vmem>>
        %dma_wait3A_127 = arith.constant 0 : i32
        %dma_wait3A_128 = tpu.memref_slice %arg5[%arg0, %add3A_104, %dma_wait3A_127] : memref<2x10000x128xf32, #tpu.memory_space<hbm>> -> memref<1x80x128xf32, #tpu.memory_space<hbm>>
        %dma_wait3A_129 = tpu.memref_squeeze %dma_wait3A_128 : memref<1x80x128xf32, #tpu.memory_space<hbm>> -> memref<80x128xf32, #tpu.memory_space<hbm>>
        %dma_wait3A_130 = arith.constant 0 : i32
        %dma_wait3A_131 = tpu.memref_slice %arg5[%arg0, %add3A_104, %dma_wait3A_130] : memref<2x10000x128xf32, #tpu.memory_space<hbm>> -> memref<1x80x128xf32, #tpu.memory_space<hbm>>
        %dma_wait3A_132 = tpu.memref_squeeze %dma_wait3A_131 : memref<1x80x128xf32, #tpu.memory_space<hbm>> -> memref<80x128xf32, #tpu.memory_space<hbm>>
        %dma_wait3A_133 = arith.constant 0 : i32
        %dma_wait3A_134 = arith.constant 0 : i32
        %dma_wait3A_135 = tpu.memref_slice %arg7[%run_scoped3A_106, %dma_wait3A_133, %dma_wait3A_134] : memref<2x80x128xf32, #tpu.memory_space<vmem>> -> memref<1x80x128xf32, #tpu.memory_space<vmem>>
        %dma_wait3A_136 = tpu.memref_squeeze %dma_wait3A_135 : memref<1x80x128xf32, #tpu.memory_space<vmem>> -> memref<80x128xf32, #tpu.memory_space<vmem>>
        tpu.wait_dma2 semaphore(%run_scoped3A_108 : memref<!tpu.dma_semaphore, #tpu.memory_space<semaphore_mem>>) src(%dma_wait3A_136 : memref<80x128xf32, #tpu.memory_space<vmem>>) dst(%dma_wait3A_132 : memref<80x128xf32, #tpu.memory_space<hbm>>)
        tpu.yield
      }) : () -> ()
      %while3A_107 = arith.constant 0 : i32
      scf.yield %while3A_107 : i32
    }
    return
  }
}

module attributes {stable_mosaic.version = 14 : i64} {
  func.func @_node_tables_body(%arg0: i32, %arg1: memref<1000x128xf32, #tpu.memory_space<vmem>>, %arg2: memref<128x128xf32, #tpu.memory_space<vmem>>, %arg3: memref<128x128xf32, #tpu.memory_space<vmem>>, %arg4: memref<1000x256xf32, #tpu.memory_space<vmem>>, %arg5: memref<1000x128xf32, #tpu.memory_space<vmem>>) attributes {dimension_semantics = [#tpu.dimension_semantics<arbitrary>], iteration_bounds = array<i64: 10>, scalar_prefetch = 0 : i64, scratch_operands = 0 : i64, tpu.core_type = #tpu.core_type<tc>, window_params = [{transform_indices = @transform_0, window_bounds = array<i64: 1000, 128>}, {pipeline_mode = #tpu.pipeline_mode<synchronous>, transform_indices = @transform_1, window_bounds = array<i64: 128, 128>}, {pipeline_mode = #tpu.pipeline_mode<synchronous>, transform_indices = @transform_2, window_bounds = array<i64: 128, 128>}, {transform_indices = @transform_3, window_bounds = array<i64: 1000, 256>}, {transform_indices = @transform_4, window_bounds = array<i64: 1000, 128>}]} {
    %get3A = arith.constant 0 : index
    %get3A_0 = arith.constant 0 : index
    %get3A_1 = vector.load %arg1[%get3A, %get3A_0] : memref<1000x128xf32, #tpu.memory_space<vmem>>, vector<1000x128xf32>
    %get3A_2 = arith.constant 0 : index
    %get3A_3 = arith.constant 0 : index
    %get3A_4 = vector.load %arg2[%get3A_2, %get3A_3] : memref<128x128xf32, #tpu.memory_space<vmem>>, vector<128x128xf32>
    %dot_general3A = arith.constant dense<0.000000e+00> : vector<1000x128xf32>
    %dot_general3A_5 = tpu.matmul %get3A_1, %get3A_4, %dot_general3A {dimension_numbers = #tpu.dot_dimension_numbers<[1], [0], [0], [1], [0, 0, 1, 1], [], []>, transpose_lhs_hint = false} : vector<1000x128xf32>, vector<128x128xf32>, vector<1000x128xf32> -> vector<1000x128xf32>
    %get3A_6 = arith.constant 0 : index
    %get3A_7 = arith.constant 0 : index
    %get3A_8 = vector.load %arg3[%get3A_6, %get3A_7] : memref<128x128xf32, #tpu.memory_space<vmem>>, vector<128x128xf32>
    %dot_general3A_9 = arith.constant dense<0.000000e+00> : vector<1000x128xf32>
    %dot_general3A_10 = tpu.matmul %get3A_1, %get3A_8, %dot_general3A_9 {dimension_numbers = #tpu.dot_dimension_numbers<[1], [0], [0], [1], [0, 0, 1, 1], [], []>, transpose_lhs_hint = false} : vector<1000x128xf32>, vector<128x128xf32>, vector<1000x128xf32> -> vector<1000x128xf32>
    %swap3A = arith.constant 0 : index
    %swap3A_11 = arith.constant 0 : index
    %swap3A_12 = vector.load %arg4[%swap3A, %swap3A_11] : memref<1000x256xf32, #tpu.memory_space<vmem>>, vector<1000x128xf32>
    tpu.vector_store %arg4[%swap3A, %swap3A_11], %dot_general3A_5 {strides = array<i32>} : memref<1000x256xf32, #tpu.memory_space<vmem>>, vector<1000x128xf32>,
    %swap3A_13 = arith.constant 0 : index
    %swap3A_14 = arith.constant 128 : index
    %swap3A_15 = vector.load %arg4[%swap3A_13, %swap3A_14] : memref<1000x256xf32, #tpu.memory_space<vmem>>, vector<1000x128xf32>
    tpu.vector_store %arg4[%swap3A_13, %swap3A_14], %dot_general3A_10 {strides = array<i32>} : memref<1000x256xf32, #tpu.memory_space<vmem>>, vector<1000x128xf32>,
    %swap3A_16 = arith.constant 0 : index
    %swap3A_17 = arith.constant 0 : index
    %swap3A_18 = vector.load %arg5[%swap3A_16, %swap3A_17] : memref<1000x128xf32, #tpu.memory_space<vmem>>, vector<1000x128xf32>
    tpu.vector_store %arg5[%swap3A_16, %swap3A_17], %dot_general3A_5 {strides = array<i32>} : memref<1000x128xf32, #tpu.memory_space<vmem>>, vector<1000x128xf32>,
    return
  }
  func.func @transform_0(%arg0: i32) -> (i32, i32) {
    %c0_i32 = arith.constant 0 : i32
    %c0_i32_0 = arith.constant 0 : i32
    return %arg0, %c0_i32 : i32, i32
  }
  func.func @transform_1(%arg0: i32) -> (i32, i32) {
    %c0_i32 = arith.constant 0 : i32
    %c0_i32_0 = arith.constant 0 : i32
    %c0_i32_1 = arith.constant 0 : i32
    return %c0_i32, %c0_i32_0 : i32, i32
  }
  func.func @transform_2(%arg0: i32) -> (i32, i32) {
    %c0_i32 = arith.constant 0 : i32
    %c0_i32_0 = arith.constant 0 : i32
    %c0_i32_1 = arith.constant 0 : i32
    return %c0_i32, %c0_i32_0 : i32, i32
  }
  func.func @transform_3(%arg0: i32) -> (i32, i32) {
    %c0_i32 = arith.constant 0 : i32
    %c0_i32_0 = arith.constant 0 : i32
    return %arg0, %c0_i32 : i32, i32
  }
  func.func @transform_4(%arg0: i32) -> (i32, i32) {
    %c0_i32 = arith.constant 0 : i32
    %c0_i32_0 = arith.constant 0 : i32
    return %arg0, %c0_i32 : i32, i32
  }
}

module attributes {stable_mosaic.version = 14 : i64} {
  func.func @_edge_mlp_body(%arg0: i32, %arg1: memref<2xf32, #tpu.memory_space<smem>>, %arg2: memref<1280x256xf32, #tpu.memory_space<vmem>>, %arg3: memref<1280x128xf32, #tpu.memory_space<vmem>>, %arg4: memref<8x1280xf32, #tpu.memory_space<vmem>>, %arg5: memref<256x65xf32, #tpu.memory_space<vmem>>, %arg6: memref<8x65xf32, #tpu.memory_space<vmem>>, %arg7: memref<256x1xf32, #tpu.memory_space<vmem>>, %arg8: memref<8x1xf32, #tpu.memory_space<vmem>>, %arg9: memref<8x8xf32, #tpu.memory_space<vmem>>, %arg10: memref<1x64xf32, #tpu.memory_space<vmem>>, %arg11: memref<1x64xf32, #tpu.memory_space<vmem>>, %arg12: memref<1x64xf32, #tpu.memory_space<vmem>>, %arg13: memref<64x64xf32, #tpu.memory_space<vmem>>, %arg14: memref<64x64xf32, #tpu.memory_space<vmem>>, %arg15: memref<64x128xf32, #tpu.memory_space<vmem>>, %arg16: memref<1280x128xf32, #tpu.memory_space<vmem>>) attributes {dimension_semantics = [#tpu.dimension_semantics<arbitrary>], iteration_bounds = array<i64: 250>, scalar_prefetch = 0 : i64, scratch_operands = 0 : i64, tpu.core_type = #tpu.core_type<tc>, window_params = [{transform_indices = @transform_0, window_bounds = array<i64: 2>}, {transform_indices = @transform_1, window_bounds = array<i64: 1280, 256>}, {transform_indices = @transform_2, window_bounds = array<i64: 1280, 128>}, {transform_indices = @transform_3, window_bounds = array<i64: 8, 1280>}, {pipeline_mode = #tpu.pipeline_mode<synchronous>, transform_indices = @transform_4, window_bounds = array<i64: 256, 65>}, {pipeline_mode = #tpu.pipeline_mode<synchronous>, transform_indices = @transform_5, window_bounds = array<i64: 8, 65>}, {pipeline_mode = #tpu.pipeline_mode<synchronous>, transform_indices = @transform_6, window_bounds = array<i64: 256, 1>}, {pipeline_mode = #tpu.pipeline_mode<synchronous>, transform_indices = @transform_7, window_bounds = array<i64: 8, 1>}, {pipeline_mode = #tpu.pipeline_mode<synchronous>, transform_indices = @transform_8, window_bounds = array<i64: 8, 8>}, {pipeline_mode = #tpu.pipeline_mode<synchronous>, transform_indices = @transform_9, window_bounds = array<i64: 1, 64>}, {pipeline_mode = #tpu.pipeline_mode<synchronous>, transform_indices = @transform_10, window_bounds = array<i64: 1, 64>}, {pipeline_mode = #tpu.pipeline_mode<synchronous>, transform_indices = @transform_11, window_bounds = array<i64: 1, 64>}, {pipeline_mode = #tpu.pipeline_mode<synchronous>, transform_indices = @transform_12, window_bounds = array<i64: 64, 64>}, {pipeline_mode = #tpu.pipeline_mode<synchronous>, transform_indices = @transform_13, window_bounds = array<i64: 64, 64>}, {pipeline_mode = #tpu.pipeline_mode<synchronous>, transform_indices = @transform_14, window_bounds = array<i64: 64, 128>}, {transform_indices = @transform_15, window_bounds = array<i64: 1280, 128>}]} {
    %get3A = arith.constant 0 : index
    %get3A_0 = memref.load %arg1[%get3A] : memref<2xf32, #tpu.memory_space<smem>>
    %get3A_1 = arith.constant 1 : index
    %get3A_2 = memref.load %arg1[%get3A_1] : memref<2xf32, #tpu.memory_space<smem>>
    %get3A_3 = arith.constant 0 : index
    %get3A_4 = arith.constant 0 : index
    %get3A_5 = vector.load %arg4[%get3A_3, %get3A_4] : memref<8x1280xf32, #tpu.memory_space<vmem>>, vector<1x1280xf32>
    %get3A_6 = arith.constant 1 : index
    %get3A_7 = arith.constant 0 : index
    %get3A_8 = vector.load %arg4[%get3A_6, %get3A_7] : memref<8x1280xf32, #tpu.memory_space<vmem>>, vector<1x1280xf32>
    %mul3A = arith.constant 2.000000e-01 : f32
    %mul3A_9 = vector.broadcast %mul3A : f32 to vector<1x1280xf32>
    %mul3A_10 = arith.mulf %get3A_5, %mul3A_9 : vector<1x1280xf32>
    %mul3A_11 = arith.mulf %mul3A_10, %mul3A_10 : vector<1x1280xf32>
    %mul3A_12 = arith.mulf %mul3A_11, %mul3A_11 : vector<1x1280xf32>
    %mul3A_13 = arith.mulf %mul3A_12, %mul3A_10 : vector<1x1280xf32>
    %mul3A_14 = arith.constant 2.100000e+01 : f32
    %mul3A_15 = vector.broadcast %mul3A_14 : f32 to vector<1x1280xf32>
    %mul3A_16 = arith.mulf %mul3A_15, %mul3A_13 : vector<1x1280xf32>
    %sub3A = arith.constant 1.000000e+00 : f32
    %sub3A_17 = vector.broadcast %sub3A : f32 to vector<1x1280xf32>
    %sub3A_18 = arith.subf %sub3A_17, %mul3A_16 : vector<1x1280xf32>
    %mul3A_19 = arith.constant 3.500000e+01 : f32
    %mul3A_20 = vector.broadcast %mul3A_19 : f32 to vector<1x1280xf32>
    %mul3A_21 = arith.mulf %mul3A_20, %mul3A_13 : vector<1x1280xf32>
    %mul3A_22 = arith.mulf %mul3A_21, %mul3A_10 : vector<1x1280xf32>
    %add3A = arith.addf %sub3A_18, %mul3A_22 : vector<1x1280xf32>
    %mul3A_23 = arith.constant 1.500000e+01 : f32
    %mul3A_24 = vector.broadcast %mul3A_23 : f32 to vector<1x1280xf32>
    %mul3A_25 = arith.mulf %mul3A_24, %mul3A_13 : vector<1x1280xf32>
    %mul3A_26 = arith.mulf %mul3A_25, %mul3A_11 : vector<1x1280xf32>
    %sub3A_27 = arith.subf %add3A, %mul3A_26 : vector<1x1280xf32>
    %lt3A = arith.constant 5.000000e+00 : f32
    %lt3A_28 = vector.broadcast %lt3A : f32 to vector<1x1280xf32>
    %lt3A_29 = arith.cmpf olt, %get3A_5, %lt3A_28 : vector<1x1280xf32>
    %jit3A = arith.constant 0.000000e+00 : f32
    %broadcast_in_dim3A = vector.broadcast %jit3A : f32 to vector<1x1280xf32>
    %select_n3A = arith.select %lt3A_29, %sub3A_27, %broadcast_in_dim3A : vector<1x1280xi1>, vector<1x1280xf32>
    %iota3A = tpu.iota {dimensions = array<i32: 0>} : vector<8x1xi32>
    %convert_element_type3A = arith.sitofp %iota3A : vector<8x1xi32> to vector<8x1xf32>
    %add3A_30 = arith.constant 1.000000e+00 : f32
    %add3A_31 = vector.broadcast %add3A_30 : f32 to vector<8x1xf32>
    %add3A_32 = arith.addf %convert_element_type3A, %add3A_31 : vector<8x1xf32>
    %mul3A_33 = arith.constant 0.628318548 : f32
    %mul3A_34 = vector.broadcast %mul3A_33 : f32 to vector<8x1xf32>
    %mul3A_35 = arith.mulf %add3A_32, %mul3A_34 : vector<8x1xf32>
    %sqrt3A = arith.constant 4.000000e-01 : f32
    %sqrt3A_36 = math.sqrt %sqrt3A : f32
    %mul3A_37 = vector.broadcast %mul3A_35 : vector<8x1xf32> to vector<8x1280xf32>
    %mul3A_38 = vector.broadcast %get3A_5 : vector<1x1280xf32> to vector<8x1280xf32>
    %mul3A_39 = arith.mulf %mul3A_37, %mul3A_38 : vector<8x1280xf32>
    %sin3A = math.sin %mul3A_39 : vector<8x1280xf32>
    %mul3A_40 = vector.broadcast %sqrt3A_36 : f32 to vector<8x1280xf32>
    %mul3A_41 = arith.mulf %mul3A_40, %sin3A : vector<8x1280xf32>
    %div3A = vector.broadcast %get3A_5 : vector<1x1280xf32> to vector<8x1280xf32>
    %div3A_42 = arith.divf %mul3A_41, %div3A : vector<8x1280xf32>
    %mul3A_43 = arith.mulf %mul3A_35, %mul3A_35 : vector<8x1xf32>
    %neg3A = arith.constant 0.000000e+00 : f32
    %neg3A_44 = vector.broadcast %neg3A : f32 to vector<8x1xf32>
    %neg3A_45 = arith.subf %neg3A_44, %mul3A_43 : vector<8x1xf32>
    %mul3A_46 = vector.broadcast %neg3A_45 : vector<8x1xf32> to vector<8x1280xf32>
    %mul3A_47 = vector.broadcast %get3A_8 : vector<1x1280xf32> to vector<8x1280xf32>
    %mul3A_48 = arith.mulf %mul3A_46, %mul3A_47 : vector<8x1280xf32>
    %exp3A = math.exp %mul3A_48 : vector<8x1280xf32>
    %mul3A_49 = arith.mulf %div3A_42, %exp3A : vector<8x1280xf32>
    %get3A_50 = arith.constant 1 : index
    %get3A_51 = arith.constant 0 : index
    %get3A_52 = vector.load %arg4[%get3A_50, %get3A_51] : memref<8x1280xf32, #tpu.memory_space<vmem>>, vector<7x1280xf32>
    %concatenate3A = tpu.concatenate %select_n3A, %get3A_52 in 0 : vector<1x1280xf32>, vector<7x1280xf32> -> vector<8x1280xf32>
    %get3A_53 = arith.constant 0 : index
    %get3A_54 = arith.constant 0 : index
    %get3A_55 = vector.load %arg9[%get3A_53, %get3A_54] : memref<8x8xf32, #tpu.memory_space<vmem>>, vector<8x8xf32>
    %dot_general3A = arith.constant dense<0.000000e+00> : vector<1280x8xf32>
    %dot_general3A_56 = tpu.matmul %concatenate3A, %get3A_55, %dot_general3A {dimension_numbers = #tpu.dot_dimension_numbers<[0], [0], [1], [1], [0, 1, 1, 1], [], []>, transpose_lhs_hint = false} : vector<8x1280xf32>, vector<8x8xf32>, vector<1280x8xf32> -> vector<1280x8xf32>
    %slice3A = vector.extract_strided_slice %dot_general3A_56 {offsets = [0, 0], sizes = [1280, 1], strides = [1, 1]} : vector<1280x8xf32> to vector<1280x1xf32>
    %slice3A_57 = vector.extract_strided_slice %dot_general3A_56 {offsets = [0, 2], sizes = [1280, 1], strides = [1, 1]} : vector<1280x8xf32> to vector<1280x1xf32>
    %slice3A_58 = vector.extract_strided_slice %dot_general3A_56 {offsets = [0, 3], sizes = [1280, 1], strides = [1, 1]} : vector<1280x8xf32> to vector<1280x1xf32>
    %get3A_59 = arith.constant 0 : index
    %get3A_60 = arith.constant 0 : index
    %get3A_61 = vector.load %arg2[%get3A_59, %get3A_60] : memref<1280x256xf32, #tpu.memory_space<vmem>>, vector<1280x256xf32>
    %slice3A_62 = vector.extract_strided_slice %get3A_61 {offsets = [0, 128], sizes = [1280, 128], strides = [1, 1]} : vector<1280x256xf32> to vector<1280x128xf32>
    %get3A_63 = arith.constant 0 : index
    %get3A_64 = arith.constant 0 : index
    %get3A_65 = vector.load %arg3[%get3A_63, %get3A_64] : memref<1280x128xf32, #tpu.memory_space<vmem>>, vector<1280x128xf32>
    %slice3A_66 = vector.extract_strided_slice %get3A_61 {offsets = [0, 0], sizes = [1280, 128], strides = [1, 1]} : vector<1280x256xf32> to vector<1280x128xf32>
    %concatenate3A_67 = tpu.concatenate %slice3A_66, %get3A_65 in 1 : vector<1280x128xf32>, vector<1280x128xf32> -> vector<1280x256xf32>
    %get3A_68 = arith.constant 0 : index
    %get3A_69 = arith.constant 0 : index
    %get3A_70 = vector.load %arg5[%get3A_68, %get3A_69] : memref<256x65xf32, #tpu.memory_space<vmem>>, vector<256x65xf32>
    %dot_general3A_71 = arith.constant dense<0.000000e+00> : vector<1280x65xf32>
    %dot_general3A_72 = tpu.matmul %concatenate3A_67, %get3A_70, %dot_general3A_71 {dimension_numbers = #tpu.dot_dimension_numbers<[1], [0], [0], [1], [0, 0, 1, 1], [], []>, transpose_lhs_hint = false} : vector<1280x256xf32>, vector<256x65xf32>, vector<1280x65xf32> -> vector<1280x65xf32>
    %get3A_73 = arith.constant 0 : index
    %get3A_74 = arith.constant 0 : index
    %get3A_75 = vector.load %arg6[%get3A_73, %get3A_74] : memref<8x65xf32, #tpu.memory_space<vmem>>, vector<8x65xf32>
    %dot_general3A_76 = arith.constant dense<0.000000e+00> : vector<1280x65xf32>
    %dot_general3A_77 = tpu.matmul %mul3A_49, %get3A_75, %dot_general3A_76 {dimension_numbers = #tpu.dot_dimension_numbers<[0], [0], [1], [1], [0, 1, 1, 1], [], []>, transpose_lhs_hint = false} : vector<8x1280xf32>, vector<8x65xf32>, vector<1280x65xf32> -> vector<1280x65xf32>
    %mul3A_78 = arith.mulf %concatenate3A_67, %concatenate3A_67 : vector<1280x256xf32>
    %get3A_79 = arith.constant 0 : index
    %get3A_80 = arith.constant 0 : index
    %get3A_81 = vector.load %arg7[%get3A_79, %get3A_80] : memref<256x1xf32, #tpu.memory_space<vmem>>, vector<256x1xf32>
    %dot_general3A_82 = arith.constant dense<0.000000e+00> : vector<1280x1xf32>
    %dot_general3A_83 = tpu.matmul %mul3A_78, %get3A_81, %dot_general3A_82 {dimension_numbers = #tpu.dot_dimension_numbers<[1], [0], [0], [1], [0, 0, 1, 1], [], []>, transpose_lhs_hint = false} : vector<1280x256xf32>, vector<256x1xf32>, vector<1280x1xf32> -> vector<1280x1xf32>
    %mul3A_84 = arith.mulf %mul3A_49, %mul3A_49 : vector<8x1280xf32>
    %get3A_85 = arith.constant 0 : index
    %get3A_86 = arith.constant 0 : index
    %get3A_87 = vector.load %arg8[%get3A_85, %get3A_86] : memref<8x1xf32, #tpu.memory_space<vmem>>, vector<8x1xf32>
    %dot_general3A_88 = arith.constant dense<0.000000e+00> : vector<1280x1xf32>
    %dot_general3A_89 = tpu.matmul %mul3A_84, %get3A_87, %dot_general3A_88 {dimension_numbers = #tpu.dot_dimension_numbers<[0], [0], [1], [1], [0, 1, 1, 1], [], []>, transpose_lhs_hint = false} : vector<8x1280xf32>, vector<8x1xf32>, vector<1280x1xf32> -> vector<1280x1xf32>
    %slice3A_90 = vector.extract_strided_slice %dot_general3A_72 {offsets = [0, 64], sizes = [1280, 1], strides = [1, 1]} : vector<1280x65xf32> to vector<1280x1xf32>
    %slice3A_91 = vector.extract_strided_slice %dot_general3A_77 {offsets = [0, 64], sizes = [1280, 1], strides = [1, 1]} : vector<1280x65xf32> to vector<1280x1xf32>
    %add3A_92 = arith.addf %slice3A_90, %slice3A_91 : vector<1280x1xf32>
    %add3A_93 = arith.addf %add3A_92, %slice3A_57 : vector<1280x1xf32>
    %mul3A_94 = arith.mulf %add3A_93, %slice3A : vector<1280x1xf32>
    %add3A_95 = arith.addf %dot_general3A_83, %dot_general3A_89 : vector<1280x1xf32>
    %mul3A_96 = arith.mulf %slice3A_57, %slice3A_57 : vector<1280x1xf32>
    %add3A_97 = arith.addf %add3A_95, %mul3A_96 : vector<1280x1xf32>
    %mul3A_98 = arith.mulf %slice3A, %slice3A : vector<1280x1xf32>
    %mul3A_99 = arith.mulf %add3A_97, %mul3A_98 : vector<1280x1xf32>
    %mul3A_100 = arith.constant 0.00377358496 : f32
    %mul3A_101 = vector.broadcast %mul3A_100 : f32 to vector<1280x1xf32>
    %mul3A_102 = arith.mulf %mul3A_94, %mul3A_101 : vector<1280x1xf32>
    %mul3A_103 = arith.mulf %mul3A_94, %mul3A_102 : vector<1280x1xf32>
    %sub3A_104 = arith.subf %mul3A_99, %mul3A_103 : vector<1280x1xf32>
    %mul3A_105 = arith.constant 0.0037878789 : f32
    %mul3A_106 = vector.broadcast %mul3A_105 : f32 to vector<1280x1xf32>
    %mul3A_107 = arith.mulf %sub3A_104, %mul3A_106 : vector<1280x1xf32>
    %mul3A_108 = vector.broadcast %get3A_2 : f32 to vector<1280x1xf32>
    %mul3A_109 = arith.mulf %mul3A_108, %mul3A_107 : vector<1280x1xf32>
    %add3A_110 = arith.constant 9.99999974E-6 : f32
    %add3A_111 = vector.broadcast %add3A_110 : f32 to vector<1280x1xf32>
    %add3A_112 = arith.addf %mul3A_109, %add3A_111 : vector<1280x1xf32>
    %rsqrt3A = math.rsqrt %add3A_112 : vector<1280x1xf32>
    %slice3A_113 = vector.extract_strided_slice %dot_general3A_72 {offsets = [0, 0], sizes = [1280, 64], strides = [1, 1]} : vector<1280x65xf32> to vector<1280x64xf32>
    %slice3A_114 = vector.extract_strided_slice %dot_general3A_77 {offsets = [0, 0], sizes = [1280, 64], strides = [1, 1]} : vector<1280x65xf32> to vector<1280x64xf32>
    %add3A_115 = arith.addf %slice3A_113, %slice3A_114 : vector<1280x64xf32>
    %get3A_116 = arith.constant 0 : index
    %get3A_117 = arith.constant 0 : index
    %get3A_118 = vector.load %arg10[%get3A_116, %get3A_117] : memref<1x64xf32, #tpu.memory_space<vmem>>, vector<1x64xf32>
    %mul3A_119 = vector.broadcast %slice3A_57 : vector<1280x1xf32> to vector<1280x64xf32>
    %mul3A_120 = vector.broadcast %get3A_118 : vector<1x64xf32> to vector<1280x64xf32>
    %mul3A_121 = arith.mulf %mul3A_119, %mul3A_120 : vector<1280x64xf32>
    %add3A_122 = arith.addf %add3A_115, %mul3A_121 : vector<1280x64xf32>
    %mul3A_123 = vector.broadcast %slice3A : vector<1280x1xf32> to vector<1280x64xf32>
    %mul3A_124 = arith.mulf %mul3A_123, %add3A_122 : vector<1280x64xf32>
    %mul3A_125 = vector.broadcast %get3A_0 : f32 to vector<1280x1xf32>
    %mul3A_126 = arith.mulf %mul3A_125, %mul3A_102 : vector<1280x1xf32>
    %get3A_127 = arith.constant 0 : index
    %get3A_128 = arith.constant 0 : index
    %get3A_129 = vector.load %arg11[%get3A_127, %get3A_128] : memref<1x64xf32, #tpu.memory_space<vmem>>, vector<1x64xf32>
    %mul3A_130 = vector.broadcast %mul3A_126 : vector<1280x1xf32> to vector<1280x64xf32>
    %mul3A_131 = vector.broadcast %get3A_129 : vector<1x64xf32> to vector<1280x64xf32>
    %mul3A_132 = arith.mulf %mul3A_130, %mul3A_131 : vector<1280x64xf32>
    %sub3A_133 = arith.subf %mul3A_124, %mul3A_132 : vector<1280x64xf32>
    %mul3A_134 = vector.broadcast %rsqrt3A : vector<1280x1xf32> to vector<1280x64xf32>
    %mul3A_135 = arith.mulf %sub3A_133, %mul3A_134 : vector<1280x64xf32>
    %get3A_136 = arith.constant 0 : index
    %get3A_137 = arith.constant 0 : index
    %get3A_138 = vector.load %arg12[%get3A_136, %get3A_137] : memref<1x64xf32, #tpu.memory_space<vmem>>, vector<1x64xf32>
    %add3A_139 = vector.broadcast %get3A_138 : vector<1x64xf32> to vector<1280x64xf32>
    %add3A_140 = arith.addf %mul3A_135, %add3A_139 : vector<1280x64xf32>
    %logistic3A = arith.negf %add3A_140 : vector<1280x64xf32>
    %logistic3A_141 = math.exp %logistic3A : vector<1280x64xf32>
    %logistic3A_142 = arith.constant 1.000000e+00 : f32
    %logistic3A_143 = vector.broadcast %logistic3A_142 : f32 to vector<1280x64xf32>
    %logistic3A_144 = arith.addf %logistic3A_143, %logistic3A_141 : vector<1280x64xf32>
    %logistic3A_145 = arith.divf %logistic3A_143, %logistic3A_144 : vector<1280x64xf32>
    %mul3A_146 = arith.mulf %add3A_140, %logistic3A_145 : vector<1280x64xf32>
    %get3A_147 = arith.constant 0 : index
    %get3A_148 = arith.constant 0 : index
    %get3A_149 = vector.load %arg13[%get3A_147, %get3A_148] : memref<64x64xf32, #tpu.memory_space<vmem>>, vector<64x64xf32>
    %dot_general3A_150 = arith.constant dense<0.000000e+00> : vector<1280x64xf32>
    %dot_general3A_151 = tpu.matmul %mul3A_146, %get3A_149, %dot_general3A_150 {dimension_numbers = #tpu.dot_dimension_numbers<[1], [0], [0], [1], [0, 0, 1, 1], [], []>, transpose_lhs_hint = false} : vector<1280x64xf32>, vector<64x64xf32>, vector<1280x64xf32> -> vector<1280x64xf32>
    %logistic3A_152 = arith.negf %dot_general3A_151 : vector<1280x64xf32>
    %logistic3A_153 = math.exp %logistic3A_152 : vector<1280x64xf32>
    %logistic3A_154 = arith.constant 1.000000e+00 : f32
    %logistic3A_155 = vector.broadcast %logistic3A_154 : f32 to vector<1280x64xf32>
    %logistic3A_156 = arith.addf %logistic3A_155, %logistic3A_153 : vector<1280x64xf32>
    %logistic3A_157 = arith.divf %logistic3A_155, %logistic3A_156 : vector<1280x64xf32>
    %mul3A_158 = arith.mulf %dot_general3A_151, %logistic3A_157 : vector<1280x64xf32>
    %get3A_159 = arith.constant 0 : index
    %get3A_160 = arith.constant 0 : index
    %get3A_161 = vector.load %arg14[%get3A_159, %get3A_160] : memref<64x64xf32, #tpu.memory_space<vmem>>, vector<64x64xf32>
    %dot_general3A_162 = arith.constant dense<0.000000e+00> : vector<1280x64xf32>
    %dot_general3A_163 = tpu.matmul %mul3A_158, %get3A_161, %dot_general3A_162 {dimension_numbers = #tpu.dot_dimension_numbers<[1], [0], [0], [1], [0, 0, 1, 1], [], []>, transpose_lhs_hint = false} : vector<1280x64xf32>, vector<64x64xf32>, vector<1280x64xf32> -> vector<1280x64xf32>
    %logistic3A_164 = arith.negf %dot_general3A_163 : vector<1280x64xf32>
    %logistic3A_165 = math.exp %logistic3A_164 : vector<1280x64xf32>
    %logistic3A_166 = arith.constant 1.000000e+00 : f32
    %logistic3A_167 = vector.broadcast %logistic3A_166 : f32 to vector<1280x64xf32>
    %logistic3A_168 = arith.addf %logistic3A_167, %logistic3A_165 : vector<1280x64xf32>
    %logistic3A_169 = arith.divf %logistic3A_167, %logistic3A_168 : vector<1280x64xf32>
    %mul3A_170 = arith.mulf %dot_general3A_163, %logistic3A_169 : vector<1280x64xf32>
    %get3A_171 = arith.constant 0 : index
    %get3A_172 = arith.constant 0 : index
    %get3A_173 = vector.load %arg15[%get3A_171, %get3A_172] : memref<64x128xf32, #tpu.memory_space<vmem>>, vector<64x128xf32>
    %dot_general3A_174 = arith.constant dense<0.000000e+00> : vector<1280x128xf32>
    %dot_general3A_175 = tpu.matmul %mul3A_170, %get3A_173, %dot_general3A_174 {dimension_numbers = #tpu.dot_dimension_numbers<[1], [0], [0], [1], [0, 0, 1, 1], [], []>, transpose_lhs_hint = false} : vector<1280x64xf32>, vector<64x128xf32>, vector<1280x128xf32> -> vector<1280x128xf32>
    %mul3A_176 = vector.broadcast %slice3A_58 : vector<1280x1xf32> to vector<1280x128xf32>
    %mul3A_177 = arith.mulf %slice3A_62, %mul3A_176 : vector<1280x128xf32>
    %mul3A_178 = arith.mulf %mul3A_177, %dot_general3A_175 : vector<1280x128xf32>
    %swap3A = arith.constant 0 : index
    %swap3A_179 = arith.constant 0 : index
    %swap3A_180 = vector.load %arg16[%swap3A, %swap3A_179] : memref<1280x128xf32, #tpu.memory_space<vmem>>, vector<1280x128xf32>
    tpu.vector_store %arg16[%swap3A, %swap3A_179], %mul3A_178 {strides = array<i32>} : memref<1280x128xf32, #tpu.memory_space<vmem>>, vector<1280x128xf32>,
    return
  }
  func.func @transform_0(%arg0: i32) -> i32 {
    %c0_i32 = arith.constant 0 : i32
    %c0_i32_0 = arith.constant 0 : i32
    return %c0_i32 : i32
  }
  func.func @transform_1(%arg0: i32) -> (i32, i32) {
    %c0_i32 = arith.constant 0 : i32
    %c0_i32_0 = arith.constant 0 : i32
    return %arg0, %c0_i32 : i32, i32
  }
  func.func @transform_2(%arg0: i32) -> (i32, i32) {
    %c0_i32 = arith.constant 0 : i32
    %c0_i32_0 = arith.constant 0 : i32
    return %arg0, %c0_i32 : i32, i32
  }
  func.func @transform_3(%arg0: i32) -> (i32, i32) {
    %c0_i32 = arith.constant 0 : i32
    %c0_i32_0 = arith.constant 0 : i32
    return %c0_i32, %arg0 : i32, i32
  }
  func.func @transform_4(%arg0: i32) -> (i32, i32) {
    %c0_i32 = arith.constant 0 : i32
    %c0_i32_0 = arith.constant 0 : i32
    %c0_i32_1 = arith.constant 0 : i32
    return %c0_i32, %c0_i32_0 : i32, i32
  }
  func.func @transform_5(%arg0: i32) -> (i32, i32) {
    %c0_i32 = arith.constant 0 : i32
    %c0_i32_0 = arith.constant 0 : i32
    %c0_i32_1 = arith.constant 0 : i32
    return %c0_i32, %c0_i32_0 : i32, i32
  }
  func.func @transform_6(%arg0: i32) -> (i32, i32) {
    %c0_i32 = arith.constant 0 : i32
    %c0_i32_0 = arith.constant 0 : i32
    %c0_i32_1 = arith.constant 0 : i32
    return %c0_i32, %c0_i32_0 : i32, i32
  }
  func.func @transform_7(%arg0: i32) -> (i32, i32) {
    %c0_i32 = arith.constant 0 : i32
    %c0_i32_0 = arith.constant 0 : i32
    %c0_i32_1 = arith.constant 0 : i32
    return %c0_i32, %c0_i32_0 : i32, i32
  }
  func.func @transform_8(%arg0: i32) -> (i32, i32) {
    %c0_i32 = arith.constant 0 : i32
    %c0_i32_0 = arith.constant 0 : i32
    %c0_i32_1 = arith.constant 0 : i32
    return %c0_i32, %c0_i32_0 : i32, i32
  }
  func.func @transform_9(%arg0: i32) -> (i32, i32) {
    %c0_i32 = arith.constant 0 : i32
    %c0_i32_0 = arith.constant 0 : i32
    %c0_i32_1 = arith.constant 0 : i32
    return %c0_i32, %c0_i32_0 : i32, i32
  }
  func.func @transform_10(%arg0: i32) -> (i32, i32) {
    %c0_i32 = arith.constant 0 : i32
    %c0_i32_0 = arith.constant 0 : i32
    %c0_i32_1 = arith.constant 0 : i32
    return %c0_i32, %c0_i32_0 : i32, i32
  }
  func.func @transform_11(%arg0: i32) -> (i32, i32) {
    %c0_i32 = arith.constant 0 : i32
    %c0_i32_0 = arith.constant 0 : i32
    %c0_i32_1 = arith.constant 0 : i32
    return %c0_i32, %c0_i32_0 : i32, i32
  }
  func.func @transform_12(%arg0: i32) -> (i32, i32) {
    %c0_i32 = arith.constant 0 : i32
    %c0_i32_0 = arith.constant 0 : i32
    %c0_i32_1 = arith.constant 0 : i32
    return %c0_i32, %c0_i32_0 : i32, i32
  }
  func.func @transform_13(%arg0: i32) -> (i32, i32) {
    %c0_i32 = arith.constant 0 : i32
    %c0_i32_0 = arith.constant 0 : i32
    %c0_i32_1 = arith.constant 0 : i32
    return %c0_i32, %c0_i32_0 : i32, i32
  }
  func.func @transform_14(%arg0: i32) -> (i32, i32) {
    %c0_i32 = arith.constant 0 : i32
    %c0_i32_0 = arith.constant 0 : i32
    %c0_i32_1 = arith.constant 0 : i32
    return %c0_i32, %c0_i32_0 : i32, i32
  }
  func.func @transform_15(%arg0: i32) -> (i32, i32) {
    %c0_i32 = arith.constant 0 : i32
    %c0_i32_0 = arith.constant 0 : i32
    return %arg0, %c0_i32 : i32, i32
  }
}

module attributes {stable_mosaic.version = 14 : i64} {
  func.func @_out_linear_body(%arg0: i32, %arg1: memref<1000x128xf32, #tpu.memory_space<vmem>>, %arg2: memref<1000x128xf32, #tpu.memory_space<vmem>>, %arg3: memref<128x128xf32, #tpu.memory_space<vmem>>, %arg4: memref<1000x128xf32, #tpu.memory_space<vmem>>) attributes {dimension_semantics = [#tpu.dimension_semantics<arbitrary>], iteration_bounds = array<i64: 10>, scalar_prefetch = 0 : i64, scratch_operands = 0 : i64, tpu.core_type = #tpu.core_type<tc>, window_params = [{transform_indices = @transform_0, window_bounds = array<i64: 1000, 128>}, {transform_indices = @transform_1, window_bounds = array<i64: 1000, 128>}, {pipeline_mode = #tpu.pipeline_mode<synchronous>, transform_indices = @transform_2, window_bounds = array<i64: 128, 128>}, {transform_indices = @transform_3, window_bounds = array<i64: 1000, 128>}]} {
    %get3A = arith.constant 0 : index
    %get3A_0 = arith.constant 0 : index
    %get3A_1 = vector.load %arg1[%get3A, %get3A_0] : memref<1000x128xf32, #tpu.memory_space<vmem>>, vector<1000x128xf32>
    %get3A_2 = arith.constant 0 : index
    %get3A_3 = arith.constant 0 : index
    %get3A_4 = vector.load %arg2[%get3A_2, %get3A_3] : memref<1000x128xf32, #tpu.memory_space<vmem>>, vector<1000x128xf32>
    %add3A = arith.addf %get3A_1, %get3A_4 : vector<1000x128xf32>
    %get3A_5 = arith.constant 0 : index
    %get3A_6 = arith.constant 0 : index
    %get3A_7 = vector.load %arg3[%get3A_5, %get3A_6] : memref<128x128xf32, #tpu.memory_space<vmem>>, vector<128x128xf32>
    %dot_general3A = arith.constant dense<0.000000e+00> : vector<1000x128xf32>
    %dot_general3A_8 = tpu.matmul %add3A, %get3A_7, %dot_general3A {dimension_numbers = #tpu.dot_dimension_numbers<[1], [0], [0], [1], [0, 0, 1, 1], [], []>, transpose_lhs_hint = false} : vector<1000x128xf32>, vector<128x128xf32>, vector<1000x128xf32> -> vector<1000x128xf32>
    %swap3A = arith.constant 0 : index
    %swap3A_9 = arith.constant 0 : index
    %swap3A_10 = vector.load %arg4[%swap3A, %swap3A_9] : memref<1000x128xf32, #tpu.memory_space<vmem>>, vector<1000x128xf32>
    tpu.vector_store %arg4[%swap3A, %swap3A_9], %dot_general3A_8 {strides = array<i32>} : memref<1000x128xf32, #tpu.memory_space<vmem>>, vector<1000x128xf32>,
    return
  }
  func.func @transform_0(%arg0: i32) -> (i32, i32) {
    %c0_i32 = arith.constant 0 : i32
    %c0_i32_0 = arith.constant 0 : i32
    return %arg0, %c0_i32 : i32, i32
  }
  func.func @transform_1(%arg0: i32) -> (i32, i32) {
    %c0_i32 = arith.constant 0 : i32
    %c0_i32_0 = arith.constant 0 : i32
    return %arg0, %c0_i32 : i32, i32
  }
  func.func @transform_2(%arg0: i32) -> (i32, i32) {
    %c0_i32 = arith.constant 0 : i32
    %c0_i32_0 = arith.constant 0 : i32
    %c0_i32_1 = arith.constant 0 : i32
    return %c0_i32, %c0_i32_0 : i32, i32
  }
  func.func @transform_3(%arg0: i32) -> (i32, i32) {
    %c0_i32 = arith.constant 0 : i32
    %c0_i32_0 = arith.constant 0 : i32
    return %arg0, %c0_i32 : i32, i32
  }
}

</mosaic_0001>

<sc_bundles>
// kernel: kernel.10.cloned.1.call-start
scs
__scs_entry_jumppad:
0x0: {  	(pc) =	sbr.rel $0x88, $3  }
0x1: {  	(tag) =	ssettag $0x0;
	lr =	simm.s32 $0x1  }
0x2: {  	[smem:$0x3F91] =	sst lr;
	_ =	strace $0xD0000000  }
0x3: {  	_ = 	snop  }
0x4: {  	_ = 	snop  }
0x5: {  	_ = 	snop  }
0x6: {  	_ = 	snop  }
0x7: {  	_ = 	snop  }
__scs_overlays_trampoline_lowered:
0x8: {  	[smem:$0x3FA0] =	sst s0  }
0x9: {  	[smem:$0x3FA1] =	sst s1  }
0xa: {  	[smem:$0x3FA2] =	sst s2  }
0xb: {  	[smem:$0x3FA3] =	sst s3  }
0xc: {  	[smem:$0x3FA4] =	sst s4  }
0xd: {  	[smem:$0x3FA5] =	sst s5  }
0xe: {  	[smem:$0x3FA6] =	sst s6  }
0xf: {  	[smem:$0x3FA7] =	sst s7  }
0x10: {  	[smem:$0x3FA8] =	sst s8  }
0x11: {  	[smem:$0x3FA9] =	sst s9;
	s0 =	simm.s32 @!p0 $0x0  }
0x12: {  	s1 =	sld [smem:$0x3F8F];
	s0 =	simm.s32 @p0 $0x1  }
0x13: {  	[smem:$0x3FAA] =	sst s0;
	s0 =	simm.s32 @!p1 $0x0  }
0x14: {  	s2 =	sld [smem:$0x3F8E];
	s0 =	simm.s32 @p1 $0x1  }
0x15: {  	[smem:$0x3FAB] =	sst s0;
	s0 =	simm.s32 @!p2 $0x0  }
0x16: {  	s3 =	sld [smem:$0x3FDB];
	s0 =	simm.s32 @p2 $0x1  }
0x17: {  	s4 =	simm.s32 $0x1BF5;
	[smem:$0x3FAD] =	sst s0  }
0x18: {  	s0 =	sld [smem:$0x3F90];
	_ =	swait.ge [sflag:s4], $0x0  }
0x19: {  	s7 =	sld [smem:$0x3F91]  }
0x1a: {  	s8 =	sadd.s32 $0xFFFFE003, lr  }
0x1b: {  	s9 =	sadd.s32 $0xFFFFFEF7, lr;
	s5 =	simm.s32 $0xFFFFFFFF;
	p2 =	slt.u32 s8, $0xFFFFF086  }
0x1c: {  	p1 =	slt.u32 s9, $0xF7A;
	s5 =	simm.s32 @!p2 $0x0  }
0x1d: {  	s5 =	simm.s32 @p1 $0x1;
	p0 =	seq.s32 s7, s2  }
0x1e: {  	s7 =	smul.u32 @!p0 $0xF7A, s2;
	p2 =	seq.s32 @!p0 s5, $0x0  }
0x1f: {  	s9 =	smul.u32 $0xF7A, s1;
	s8 =	simm.s32 @!p0 $0x1BF5;
	p2 =	por !p2, p0  }
0x20: {  	[sflag:s8] =	ssyncset.s32 @!p0 $0xFFFFF086;
	s6 =	sadd.s32 @!p0 s3, s7;
	s7 =	simm.s32 @!p0 $0x108  }
0x21: {  	s3 =	sadd.s32 s3, s9;
	s6 =	sadd.s32 @!p0 $0x88, s6;
	s7 =	simm.s32 @p2 $0x1082  }
0x22: {  	[simem:s7], [sflag:s8] =	dma.local @!p0 [hbm:s6], $0xF7A  }
0x23: {  	s9 =	sor.u32 $0xD0000000, s2;
	s6 =	simm.s32 $0x108;
	_ =	swait.ge @!p0 [sflag:s8], $0x0  }
0x24: {  	s3 =	sadd.s32 $0x88, s3;
	s6 =	simm.s32 @!p1 $0x1082;
	[sflag:s4] =	ssyncset.s32 $0xFFFFF086  }
0x25: {  	[simem:s6], [sflag:s4] =	dma.local [hbm:s3], $0xF7A  }
0x26: {  	[smem:$0x3F91] =	sst s1;
	(tag) =	ssettag s2;
	_ =	strace s9  }
0x27: {  	s1 =	sld [smem:$0x3FA1]  }
0x28: {  	s2 =	sld [smem:$0x3FA2]  }
0x29: {  	s4 =	sld [smem:$0x3FA4]  }
0x2a: {  	p0 =	seq.s32 s5, $0x0;
	s5 =	sld [smem:$0x3FA5]  }
0x2b: {  	s6 =	sld [smem:$0x3FA6]  }
0x2c: {  	s7 =	sld [smem:$0x3FA7]  }
0x2d: {  	s3 =	simm.s32 $0x108;
	s8 =	sld [smem:$0x3FA8]  }
0x2e: {  	s3 =	simm.s32 @!p0 $0x1082;
	s9 =	sld [smem:$0x3FA9]  }
0x2f: {  	lr =	sadd.s32 s0, s3;
	s0 =	sld [smem:$0x3FA0]  }
0x30: {  	s3 =	sld [smem:$0x3FA3]  }
0x31: {  	[smem:$0x3FAC] =	sst s10  }
0x32: {  	s10 =	sld [smem:$0x3FAA];
	_ =	sdelay $0x3  }
0x33: {  	p0 =	seq.s32 s10, $0x1;
	s10 =	sld [smem:$0x3FAC];
	_ =	sdelay $0x3  }
0x34: {  	[smem:$0x3FAC] =	sst s10  }
0x35: {  	s10 =	sld [smem:$0x3FAB];
	_ =	sdelay $0x3  }
0x36: {  	p1 =	seq.s32 s10, $0x1;
	s10 =	sld [smem:$0x3FAC];
	_ =	sdelay $0x3  }
0x37: {  	[smem:$0x3FAC] =	sst s10  }
0x38: {  	s10 =	sld [smem:$0x3FAD]  }
0x39: {  	_ = 	snop;
	(pc) =	sbr.ind lr, $3  }
0x3a: {  	_ = 	snop  }
0x3b: {  	_ = 	snop  }
0x3c: {  	p2 =	seq.s32 s10, $0x1;
	s10 =	sld [smem:$0x3FAC]  }
0x3d: {  	_ =	shalt  }
0x3e: {  	_ =	shalt  }
0x3f: {  	_ =	shalt  }
0x40: {  	_ =	shalt  }
0x41: {  	_ =	shalt  }
0x42: {  	_ =	shalt  }
0x43: {  	_ =	shalt  }
0x44: {  	_ =	shalt  }
0x45: {  	_ =	shalt  }
0x46: {  	_ =	shalt  }
0x47: {  	_ =	shalt  }
0x48: {  	_ =	shalt  }
0x49: {  	_ =	shalt  }
0x4a: {  	_ =	shalt  }
0x4b: {  	_ =	shalt  }
0x4c: {  	_ =	shalt  }
0x4d: {  	_ =	shalt  }
0x4e: {  	_ =	shalt  }
0x4f: {  	_ =	shalt  }
0x50: {  	_ =	shalt  }
0x51: {  	_ =	shalt  }
0x52: {  	_ =	shalt  }
0x53: {  	_ =	shalt  }
0x54: {  	_ =	shalt  }
0x55: {  	_ =	shalt  }
0x56: {  	_ =	shalt  }
0x57: {  	_ =	shalt  }
0x58: {  	_ =	shalt  }
0x59: {  	_ =	shalt  }
0x5a: {  	_ =	shalt  }
0x5b: {  	_ =	shalt  }
0x5c: {  	_ =	shalt  }
0x5d: {  	_ =	shalt  }
0x5e: {  	_ =	shalt  }
0x5f: {  	_ =	shalt  }
0x60: {  	_ =	shalt  }
0x61: {  	_ =	shalt  }
0x62: {  	_ =	shalt  }
0x63: {  	_ =	shalt  }
0x64: {  	_ =	shalt  }
0x65: {  	_ =	shalt  }
0x66: {  	_ =	shalt  }
0x67: {  	_ =	shalt  }
0x68: {  	_ =	shalt  }
0x69: {  	_ =	shalt  }
0x6a: {  	_ =	shalt  }
0x6b: {  	_ =	shalt  }
0x6c: {  	_ =	shalt  }
0x6d: {  	_ =	shalt  }
0x6e: {  	_ =	shalt  }
0x6f: {  	_ =	shalt  }
0x70: {  	_ =	shalt  }
0x71: {  	_ =	shalt  }
0x72: {  	_ =	shalt  }
0x73: {  	_ =	shalt  }
0x74: {  	_ =	shalt  }
0x75: {  	_ =	shalt  }
0x76: {  	_ =	shalt  }
0x77: {  	_ =	shalt  }
0x78: {  	_ =	shalt  }
0x79: {  	_ =	shalt  }
0x7a: {  	_ =	shalt  }
0x7b: {  	_ =	shalt  }
0x7c: {  	_ =	shalt  }
0x7d: {  	_ =	shalt  }
0x7e: {  	_ =	shalt  }
0x7f: {  	_ =	shalt  }
0x80: {  	_ =	shalt  }
0x81: {  	_ =	shalt  }
0x82: {  	_ =	shalt  }
0x83: {  	_ =	shalt  }
0x84: {  	_ =	shalt  }
0x85: {  	_ =	shalt  }
0x86: {  	_ =	shalt  }
0x87: {  	_ =	shalt  }
.Lfunc_end0:
.L_simem_size_0:
called_computation.1_lowered:
.L_overlay_start_0:
0x88: {  	s2 =	sld [smem:$0x3FD9]  }
0x89: {  	s3 =	sld [smem:$0x3FFE];
	_ =	sdelay $0x1  }
0x8a: {  	s1 =	srdreg.scid  }
0x8b: {  	s0 =	sand.u32 $0x1, s1  }
0x8c: {  	s17 =	sshll.u32 s0, $0xA;
	s2 =	sadd.s32 s3, s2  }
0x8d: {  	s2 =	sadd.s32 s2, s17  }
0x8e: {  	[smem:$0x3FB8] =	sst s2  }
0x8f: {  	_ = 	snop  }
0x90: {  	s2 =	sld [smem:$0x3FD0];
	(tm) =	ssettm $0x1  }
0x91: {  	s18 =	sld [smem:$0x3FFB];
	_ =	sdelay $0x3  }
0x92: {  	_ =	strace s18  }
0x93: {  	s3 =	sld [smem:$0x3FFC];
	_ =	sdelay $0x3  }
0x94: {  	_ =	strace s3  }
0x95: {  	s3 =	sld [smem:$0x3FFD];
	_ =	sdelay $0x3  }
0x96: {  	_ =	strace s3  }
0x97: {  	_ =	strace $0x8FFFFFFF  }
0x98: {  	s19 =	sld [smem:$0x3FDB];
	_ =	sdelay $0x1  }
0x99: {  	s4 =	simm.s32 $_scs_section_size  }
0x9a: {  	s5 =	simm.s32 $_size__tile_overlayer_lowered;
	s6 =	simm.s32 $_tile_overlayer_lowered  }
0x9b: {  	s22 =	simm.s32 $0x1BFF;
	s21 =	sshll.u32 s6, $0x1;
	s3 =	sadd.s32 s4, s19  }
0x9c: {  	s7 =	simm.s32 $0x0;
	s20 =	sshll.u32 s5, $0x1;
	s5 =	sadd.s32 s21, s3  }
0x9d: {  	[timem:s7], [sflag:s22] =	dma.local [hbm:s5], s20  }
0x9e: {  	_ =	swait.ge [sflag:s22], s20  }
0x9f: {  	s4 =	ssub.s32 $0x0, s20;
	[sflag:s22] =	ssyncset.done $0x0  }
0xa0: {  	[sflag:s22] =	ssyncadd.s32 s4;
	_ =	sdelay $0x1  }
0xa1: {  	s23 =	simm.s32 $0x1B8B  }
0xa2: {  	_ =	swait.ge [sflag:s23], $0x1  }
0xa3: {  	[sflag:s23] =	ssyncset.done $0x0  }
0xa4: {  	s25 =	simm.s32 $0x1B8E;
	s24 =	sld [smem:$0x3FFE];
	[sflag:s23] =	ssyncadd.s32 $0xFFFFFFFF  }
0xa5: {  	s26 =	simm.s32 $execute0_lowered;
	[smem:$0x3FD2] =	sst s25  }
0xa6: {  	s5 =	sshll.u32 s26, $0x1;
	_ =	strace $0x80000049;
	[dreg:$0x1] =	wrdreg $0xFFFFFFFF  }
0xa7: {  	s28 =	simm.s32 $_size_execute0_lowered;
	s3 =	sadd.s32 s3, s5;
	[dreg:$0x0] =	wrdreg $0x0  }
0xa8: {  	s5 =	sshll.u32 s28, $0x1;
	[dreg:$0x2] =	wrdreg s3  }
0xa9: {  	[dreg:$0x3] =	wrdreg s5  }
0xaa: {  	[dreg:$0x4] =	wrdreg $0xC0  }
0xab: {  	_ =	task [dreg:s7], $0x5FFFF  }
0xac: {  	[dreg:$0x1] =	wrdreg $0xFFFFFFFF  }
0xad: {  	[dreg:$0x0] =	wrdreg $0x60  }
0xae: {  	[dreg:$0x2] =	wrdreg s24  }
0xaf: {  	[dreg:$0x3] =	wrdreg s2  }
0xb0: {  	[dreg:$0x4] =	wrdreg $0x51000  }
0xb1: {  	[dreg:$0x5] =	wrdreg $0x9  }
0xb2: {  	_ =	task.clear_ibuf [dreg:s7], $0x6FFFF;
	_ =	strace $0x90000049  }
0xb3: {  	s29 =	simm.s32 $0x9;
	_ =	strace $0x8000004B  }
0xb4: {  	_ =	swait.ge [sflag:s29], $0x1  }
0xb5: {  	[sflag:s29] =	ssyncadd.s32 $0xFFFFFFFF  }
0xb6: {  	_ =	strace $0x9000004B  }
0xb7: {  	_ =	sfence  }
0xb8: {  	s30 =	sld [smem:$0x0];
	_ =	sdelay $0x2  }
0xb9: {  	s31 =	sshll.u32 s1, $0xD;
	s1 =	sshrl.u32 s1, $0x2  }
0xba: {  	s3 =	sand.u32 $0x4000, s31;
	s1 =	sadd.s32 s1, s30  }
0xbb: {  	s0 =	sor.u32 s3, s0;
	s1 =	sshll.u32 s1, $0x11  }
0xbc: {  	s0 =	sor.u32 s1, s0  }
0xbd: {  	s0 =	sadd.s32 $0x8F2B, s0  }
0xbe: {  	[sflag:s0] =	ssyncadd.remote.s32 $0x1  }
0xbf: {  	_ =	sfence.sel $0xFFFF  }
0xc0: {  	[dreg:$0x0] =	wrdreg $0xFFFFFFFF;
	(pc) =	sbr.abs _section_cstart, $3  }
0xc1: {  	[dreg:$0x1] =	wrdreg $0xFFFFFFFF  }
0xc2: {  	_ =	task.clear_ibuf [dreg:s7], $0x2FFFF;
	_ =	strace $0x9FFFFFFF  }
0xc3: {  	(tm) =	ssettm $0x7FFFFFFF  }
tec
execute0_lowered:
.L_overlay_start_1:
0x0: {  	(tag) =	ssettag $0x1  }
0x1: {  	s11 =	stileid.u32  }
0x2: {  	s0 =	rddreg [dreg:$0x0];
	s6 =	smul.u32 $0x14000, s11  }
0x3: {  	s2 =	rddreg [dreg:$0x2];
	s3 =	simm.s32 $0x0;
	s9 =	smul.u32 $0x280, s11  }
0x4: {  	s1 =	srdreg.scid;
	s28 =	simm.s32 $0x3;
	s15 =	smul.u32 $0x50000, s11  }
0x5: {  	s29 =	simm.s32 $0x80;
	s30 =	simm.s32 $0x2900;
	s21 =	smul.u32 $0x2710, s11  }
0x6: {  	s31 =	simm.s32 $0x1;
	s1 =	sand.u32 $0x1, s1;
	s23 =	smul.u32 $0x27100, s11  }
0x7: {  	[smem:$0x7FF] =	sst s3;
	s5 =	sadd.s32 $0xB000, s0;
	s4 =	smul.u32 $0x138800, s1  }
0x8: {  	s8 =	sadd.s32 $0xF09000, s0;
	_ =	strace $0x8000004A;
	s20 =	smul.u32 $0x27100, s1  }
0x9: {  	s7 =	sshll.u32 s1, $0x4;
	s25 =	ssub.s32 $0x2, s1;
	s1 =	smul.u32 $0x271000, s1  }
0xa: {  	s7 =	sor.u32 s11, s7;
	s10 =	sshrl.u32 s25, $0x1;
	s13 =	ssub.s32 $0x2710, s9  }
0xb: {  	s17 =	sshrl.u32 s15, $0x2;
	s4 =	sadd.s32 s6, s4;
	s19 =	smul.u32 $0x2710, s7  }
0xc: {  	s7 =	smul.u32 $0x27100, s7;
	s1 =	sadd.s32 s1, s8;
	s4 =	sshrl.u32 s4, $0x3  }
0xd: {  	s26 =	ssub.s32 s25, s10;
	s1 =	sadd.s32 s23, s1;
	s0 =	sadd.s32 s4, s0  }
0xe: {  	s10 =	sshrl.u32 s19, $0x3;
	s12 =	sadd.s32 s8, s7;
	s14 =	sadd.s32 $0x26C0, s19  }
0xf: {  	s4 =	smax.u32 s26, $0x1;
	s22 =	sadd.s32 $0x2670, s19;
	s6 =	sadd.s32 s5, s10  }
0x10: {  	[dreg:$0x5] =	wrdreg s12;
	s16 =	sshrl.u32 s14, $0x3;
	s7 =	sshll.u32 s14, $0x4  }
0x11: {  	[dreg:$0x8] =	wrdreg s4;
	s12 =	sadd.s32 s17, s2;
	s4 =	sadd.s32 s21, s20  }
0x12: {  	s24 =	sshrl.u32 s22, $0x3;
	[dreg:$0x4] =	wrdreg s6;
	s6 =	smin.u32 s13, $0x280  }
0x13: {  	s10 =	sadd.s32 s5, s16;
	s7 =	sadd.s32 s8, s7;
	s18 =	sadd.s32 $0x2800, s12  }
0x14: {  	s14 =	sadd.s32 $0x5000, s12;
	s15 =	sadd.s32 $0x7800, s12;
	s16 =	sadd.s32 $0xA000, s12  }
0x15: {  	s17 =	sadd.s32 $0xC800, s12;
	s25 =	sadd.s32 $0x50, s4;
	s20 =	sadd.s32 $0x11800, s12  }
0x16: {  	s21 =	sadd.s32 s5, s24;
	s23 =	sadd.s32 $0xA0, s4;
	[dreg:$0x6] =	wrdreg s10  }
0x17: {  	s4 =	simm.s32 $0x2;
	s6 =	smul.u32 $0x334, s6;
	[dreg:$0x7] =	wrdreg s7  }
0x18: {  	[dreg:$0x9] =	wrdreg s18;
	s18 =	sadd.s32 $0xF000, s12;
	s7 =	sshll.u32 s22, $0x4  }
0x19: {  	s26 =	sshrl.u32 s25, $0x3;
	s22 =	sadd.s32 $0xA00, s1;
	s25 =	sadd.s32 $0x14E00, s0  }
0x1a: {  	s0 =	simm.s32 $0x50;
	s1 =	simm.s32 $0x0;
	s19 =	sadd.s32 s8, s7  }
0x1b: {  	s24 =	sadd.s32 s26, s5;
	s26 =	simm.s32 $0x100;
	s10 =	sshrl.u32 s6, $0x10  }
.LBB2_1:
0x1c: {  	s6 =	rddreg [dreg:$0x1]  }
0x1d: {  	[tilespmem:s26], [sflag:$0x3] =	stream.linear.gather [hbm4b:s6+s3], $0x2800, $0x38;
	[tilespmem:$0x19100] =	vst v63  }
0x1e: {  	_ =	swait.ge [sflag:s28], $0x2800  }
0x1f: {  	[sflag:s28] =	ssyncset.done $0x0  }
0x20: {  	[sflag:s28] =	ssyncadd.s32 $0xFFFFD800  }
0x21: {  	[spmem:s12] =	stream.linear.scatter [tilespmem:s26], [sflag:$0x3], $0x2800, $0x38;
	[tilespmem:$0x19100] =	vst v63  }
0x22: {  	_ =	swait.ge [sflag:s28], $0x2800  }
0x23: {  	[sflag:s28] =	ssyncset.done $0x0  }
0x24: {  	s13 =	rddreg [dreg:$0x9];
	[sflag:s28] =	ssyncadd.s32 $0xFFFFD800  }
0x25: {  	[spmem:s13] =	stream.linear.scatter [tilespmem:s26], [sflag:$0x3], $0x2800, $0x38;
	[tilespmem:$0x19100] =	vst v63  }
0x26: {  	_ =	swait.ge [sflag:s28], $0x2800  }
0x27: {  	[sflag:s28] =	ssyncset.done $0x0  }
0x28: {  	[sflag:s28] =	ssyncadd.s32 $0xFFFFD800  }
0x29: {  	[spmem:s14] =	stream.linear.scatter [tilespmem:s26], [sflag:$0x3], $0x2800, $0x38;
	[tilespmem:$0x19100] =	vst v63  }
0x2a: {  	_ =	swait.ge [sflag:s28], $0x2800  }
0x2b: {  	[sflag:s28] =	ssyncset.done $0x0  }
0x2c: {  	[sflag:s28] =	ssyncadd.s32 $0xFFFFD800  }
0x2d: {  	[spmem:s15] =	stream.linear.scatter [tilespmem:s26], [sflag:$0x3], $0x2800, $0x38;
	[tilespmem:$0x19100] =	vst v63  }
0x2e: {  	_ =	swait.ge [sflag:s28], $0x2800  }
0x2f: {  	[sflag:s28] =	ssyncset.done $0x0  }
0x30: {  	[sflag:s28] =	ssyncadd.s32 $0xFFFFD800  }
0x31: {  	[spmem:s16] =	stream.linear.scatter [tilespmem:s26], [sflag:$0x3], $0x2800, $0x38;
	[tilespmem:$0x19100] =	vst v63  }
0x32: {  	_ =	swait.ge [sflag:s28], $0x2800  }
0x33: {  	[sflag:s28] =	ssyncset.done $0x0  }
0x34: {  	[sflag:s28] =	ssyncadd.s32 $0xFFFFD800  }
0x35: {  	[spmem:s17] =	stream.linear.scatter [tilespmem:s26], [sflag:$0x3], $0x2800, $0x38;
	[tilespmem:$0x19100] =	vst v63  }
0x36: {  	_ =	swait.ge [sflag:s28], $0x2800  }
0x37: {  	[sflag:s28] =	ssyncset.done $0x0  }
0x38: {  	[sflag:s28] =	ssyncadd.s32 $0xFFFFD800  }
0x39: {  	[spmem:s18] =	stream.linear.scatter [tilespmem:s26], [sflag:$0x3], $0x2800, $0x38;
	[tilespmem:$0x19100] =	vst v63  }
0x3a: {  	_ =	swait.ge [sflag:s28], $0x2800  }
0x3b: {  	[sflag:s28] =	ssyncset.done $0x0  }
0x3c: {  	[sflag:s28] =	ssyncadd.s32 $0xFFFFD800  }
0x3d: {  	[spmem:s20] =	stream.linear.scatter [tilespmem:s26], [sflag:$0x3], $0x2800, $0x38;
	[tilespmem:$0x19100] =	vst v63  }
0x3e: {  	_ =	swait.ge [sflag:s28], $0x2800  }
0x3f: {  	[sflag:s28] =	ssyncset.done $0x0  }
0x40: {  	[sflag:s28] =	ssyncadd.s32 $0xFFFFD800  }
0x41: {  	[bflag:$0x0] =	sbarrier.arrive $0xFFFF  }
0x42: {  	s7 =	rddreg [dreg:$0x4]  }
0x43: {  	[tilespmem:s3], [sflag:$0x3] =	stream.linear.gather [hbm4b:s7+s3], $0x50, $0x38;
	[tilespmem:$0x19100] =	vst v63  }
0x44: {  	_ =	swait.ge [sflag:s28], $0x50  }
0x45: {  	[sflag:s28] =	ssyncset.done $0x0  }
0x46: {  	s8 =	rddreg [dreg:$0x5];
	[sflag:s28] =	ssyncadd.s32 $0xFFFFFFB0  }
0x47: {  	[tilespmem:s26], [sflag:$0x1] =	stream.linear.gather [hbm4b:s8+s3], $0x2800, $0x38;
	[tilespmem:$0x19100] =	vst v63  }
0x48: {  	s9 =	sadd.s32 $0x0, s24  }
0x49: {  	[tilespmem:s29], [sflag:$0x3] =	stream.linear.gather [hbm4b:s9+s3], $0x50, $0x38;
	[tilespmem:$0x19100] =	vst v63  }
0x4a: {  	_ =	swait.ge [sflag:s28], $0x50  }
0x4b: {  	[sflag:s28] =	ssyncset.done $0x0  }
0x4c: {  	s11 =	sadd.s32 $0xFFFFFB00, s22;
	[sflag:s28] =	ssyncadd.s32 $0xFFFFFFB0  }
0x4d: {  	[tilespmem:s30], [sflag:$0x2] =	stream.linear.gather [hbm4b:s11+s3], $0x2800, $0x38;
	[tilespmem:$0x19100] =	vst v63  }
0x4e: {  	_ =	swait.ge [sflag:s31], $0x2800  }
0x4f: {  	[sflag:s31] =	ssyncset.done $0x0  }
0x50: {  	[sflag:s31] =	ssyncadd.s32 $0xFFFFD800  }
0x51: {  	[spmem:s2] =	stream.indirect.scatter.add.f32 [tilespmem:s26], [sflag:$0x3], $0x80, s3, s0, $0xb8;
	[tilespmem:$0x19100] =	vst v63  }
0x52: {  	_ =	swait.ge [sflag:s28], $0x2800  }
0x53: {  	s13 =	sshrl.u32 s23, $0x3;
	[sflag:s28] =	ssyncset.done $0x0  }
0x54: {  	s6 =	sadd.s32 s5, s13;
	[sflag:s28] =	ssyncadd.s32 $0xFFFFD800  }
0x55: {  	[tilespmem:s3], [sflag:$0x3] =	stream.linear.gather [hbm4b:s6+s3], $0x50, $0x38;
	[tilespmem:$0x19100] =	vst v63  }
0x56: {  	_ =	swait.ge [sflag:s28], $0x50  }
0x57: {  	[sflag:s28] =	ssyncset.done $0x0  }
0x58: {  	[sflag:s28] =	ssyncadd.s32 $0xFFFFFFB0  }
0x59: {  	[tilespmem:s26], [sflag:$0x1] =	stream.linear.gather [hbm4b:s22+s3], $0x2800, $0x38;
	[tilespmem:$0x19100] =	vst v63  }
0x5a: {  	_ =	swait.ge [sflag:s4], $0x2800  }
0x5b: {  	[sflag:s4] =	ssyncset.done $0x0  }
0x5c: {  	[sflag:s4] =	ssyncadd.s32 $0xFFFFD800  }
0x5d: {  	[spmem:s2] =	stream.indirect.scatter.add.f32 [tilespmem:s30], [sflag:$0x3], $0x80, s29, s0, $0xb8;
	[tilespmem:$0x19100] =	vst v63  }
0x5e: {  	s7 =	sadd.s32 $0xA0, s23;
	s8 =	simm.s32 $0x14;
	_ =	swait.ge [sflag:s28], $0x2800  }
0x5f: {  	s9 =	simm.s32 $0x28;
	s6 =	sadd.s32 $0xA00, s22;
	[sflag:s28] =	ssyncset.done $0x0  }
.LBB2_2:
0x60: {  	s11 =	sadd.s32 s8, s24  }
0x61: {  	[sflag:s28] =	ssyncadd.s32 $0xFFFFD800;
	s8 =	smov.u32 s9;
	s13 =	sadd.s32 $0x14, s9  }
0x62: {  	[tilespmem:s29], [sflag:$0x3] =	stream.linear.gather [hbm4b:s11+s3], $0x50, $0x38;
	[tilespmem:$0x19100] =	vst v63  }
0x63: {  	p0 =	sne.s32 s9, $0x4B0;
	_ =	swait.ge [sflag:s28], $0x50  }
0x64: {  	[sflag:s28] =	ssyncset.done $0x0  }
0x65: {  	s9 =	sadd.s32 $0xFFFFFB00, s6;
	[sflag:s28] =	ssyncadd.s32 $0xFFFFFFB0  }
0x66: {  	[tilespmem:s30], [sflag:$0x2] =	stream.linear.gather [hbm4b:s9+s3], $0x2800, $0x38;
	[tilespmem:$0x19100] =	vst v63  }
0x67: {  	_ =	swait.ge [sflag:s31], $0x2800  }
0x68: {  	[sflag:s31] =	ssyncset.done $0x0  }
0x69: {  	[sflag:s31] =	ssyncadd.s32 $0xFFFFD800  }
0x6a: {  	[spmem:s2] =	stream.indirect.scatter.add.f32 [tilespmem:s26], [sflag:$0x3], $0x80, s3, s0, $0xb8;
	[tilespmem:$0x19100] =	vst v63  }
0x6b: {  	_ =	swait.ge [sflag:s28], $0x2800  }
0x6c: {  	s9 =	sshrl.u32 s7, $0x3;
	[sflag:s28] =	ssyncset.done $0x0  }
0x6d: {  	s9 =	sadd.s32 s5, s9;
	[sflag:s28] =	ssyncadd.s32 $0xFFFFD800  }
0x6e: {  	[tilespmem:s3], [sflag:$0x3] =	stream.linear.gather [hbm4b:s9+s3], $0x50, $0x38;
	[tilespmem:$0x19100] =	vst v63  }
0x6f: {  	_ =	swait.ge [sflag:s28], $0x50  }
0x70: {  	[sflag:s28] =	ssyncset.done $0x0  }
0x71: {  	[sflag:s28] =	ssyncadd.s32 $0xFFFFFFB0  }
0x72: {  	[tilespmem:s26], [sflag:$0x1] =	stream.linear.gather [hbm4b:s6+s3], $0x2800, $0x38;
	[tilespmem:$0x19100] =	vst v63  }
0x73: {  	_ =	swait.ge [sflag:s4], $0x2800  }
.Ltmp0:
0x74: {  	[sflag:s4] =	ssyncset.done $0x0;
	(pc) =	sbr.rel @p0 .LBB2_2-.Ltmp0, $4  }
0x75: {  	[sflag:s4] =	ssyncadd.s32 $0xFFFFD800  }
0x76: {  	[spmem:s2] =	stream.indirect.scatter.add.f32 [tilespmem:s30], [sflag:$0x3], $0x80, s29, s0, $0xb8;
	[tilespmem:$0x19100] =	vst v63  }
0x77: {  	s7 =	sadd.s32 $0xA0, s7;
	_ =	swait.ge [sflag:s28], $0x2800  }
0x78: {  	s9 =	smov.u32 s13;
	s6 =	sadd.s32 $0xA00, s6;
	[sflag:s28] =	ssyncset.done $0x0  }
0x79: {  	s8 =	sadd.s32 s8, s24;
	[sflag:s28] =	ssyncadd.s32 $0xFFFFD800  }
0x7a: {  	[tilespmem:s29], [sflag:$0x3] =	stream.linear.gather [hbm4b:s8+s3], $0x50, $0x38;
	[tilespmem:$0x19100] =	vst v63  }
0x7b: {  	_ =	swait.ge [sflag:s28], $0x50  }
0x7c: {  	[sflag:s28] =	ssyncset.done $0x0  }
0x7d: {  	s9 =	sadd.s32 $0xFFFFFB00, s6;
	[sflag:s28] =	ssyncadd.s32 $0xFFFFFFB0  }
0x7e: {  	[tilespmem:s30], [sflag:$0x2] =	stream.linear.gather [hbm4b:s9+s3], $0x2800, $0x38;
	[tilespmem:$0x19100] =	vst v63  }
0x7f: {  	_ =	swait.ge [sflag:s31], $0x2800  }
0x80: {  	[sflag:s31] =	ssyncset.done $0x0  }
0x81: {  	[sflag:s31] =	ssyncadd.s32 $0xFFFFD800  }
0x82: {  	[spmem:s2] =	stream.indirect.scatter.add.f32 [tilespmem:s26], [sflag:$0x3], $0x80, s3, s0, $0xb8;
	[tilespmem:$0x19100] =	vst v63  }
0x83: {  	_ =	swait.ge [sflag:s28], $0x2800  }
0x84: {  	s7 =	sshrl.u32 s7, $0x3;
	[sflag:s28] =	ssyncset.done $0x0  }
0x85: {  	s7 =	sadd.s32 s5, s7;
	[sflag:s28] =	ssyncadd.s32 $0xFFFFD800  }
0x86: {  	[tilespmem:s3], [sflag:$0x3] =	stream.linear.gather [hbm4b:s7+s3], $0x50, $0x38;
	[tilespmem:$0x19100] =	vst v63  }
0x87: {  	_ =	swait.ge [sflag:s28], $0x50  }
0x88: {  	[sflag:s28] =	ssyncset.done $0x0  }
0x89: {  	[sflag:s28] =	ssyncadd.s32 $0xFFFFFFB0  }
0x8a: {  	[tilespmem:s26], [sflag:$0x1] =	stream.linear.gather [hbm4b:s6+s3], $0x2800, $0x38;
	[tilespmem:$0x19100] =	vst v63  }
0x8b: {  	_ =	swait.ge [sflag:s4], $0x2800  }
0x8c: {  	[sflag:s4] =	ssyncset.done $0x0  }
0x8d: {  	[sflag:s4] =	ssyncadd.s32 $0xFFFFD800  }
0x8e: {  	[spmem:s2] =	stream.indirect.scatter.add.f32 [tilespmem:s30], [sflag:$0x3], $0x80, s29, s0, $0xb8;
	[tilespmem:$0x19100] =	vst v63  }
0x8f: {  	_ =	swait.ge [sflag:s28], $0x2800  }
0x90: {  	[sflag:s28] =	ssyncset.done $0x0  }
0x91: {  	[sflag:s28] =	ssyncadd.s32 $0xFFFFD800  }
0x92: {  	[tilespmem:s29], [sflag:$0x3] =	stream.linear.gather [hbm4b:s21+s3], $0x50, $0x38;
	[tilespmem:$0x19100] =	vst v63  }
0x93: {  	_ =	swait.ge [sflag:s28], $0x50  }
0x94: {  	[sflag:s28] =	ssyncset.done $0x0  }
0x95: {  	[sflag:s28] =	ssyncadd.s32 $0xFFFFFFB0  }
0x96: {  	[tilespmem:s30], [sflag:$0x2] =	stream.linear.gather [hbm4b:s19+s3], $0x2800, $0x38;
	[tilespmem:$0x19100] =	vst v63  }
0x97: {  	_ =	swait.ge [sflag:s31], $0x2800  }
0x98: {  	[sflag:s31] =	ssyncset.done $0x0  }
0x99: {  	[sflag:s31] =	ssyncadd.s32 $0xFFFFD800  }
0x9a: {  	[spmem:s2] =	stream.indirect.scatter.add.f32 [tilespmem:s26], [sflag:$0x3], $0x80, s3, s0, $0xb8;
	[tilespmem:$0x19100] =	vst v63  }
0x9b: {  	_ =	swait.ge [sflag:s28], $0x2800  }
0x9c: {  	[sflag:s28] =	ssyncset.done $0x0  }
0x9d: {  	[sflag:s28] =	ssyncadd.s32 $0xFFFFD800  }
0x9e: {  	_ =	swait.ge [sflag:s4], $0x2800  }
0x9f: {  	[sflag:s4] =	ssyncset.done $0x0  }
0xa0: {  	[sflag:s4] =	ssyncadd.s32 $0xFFFFD800  }
0xa1: {  	[spmem:s2] =	stream.indirect.scatter.add.f32 [tilespmem:s30], [sflag:$0x3], $0x80, s29, s0, $0xb8;
	[tilespmem:$0x19100] =	vst v63  }
0xa2: {  	_ =	swait.ge [sflag:s28], $0x2800  }
0xa3: {  	[sflag:s28] =	ssyncset.done $0x0  }
0xa4: {  	s11 =	rddreg [dreg:$0x6];
	[sflag:s28] =	ssyncadd.s32 $0xFFFFD800  }
0xa5: {  	[tilespmem:s3], [sflag:$0x3] =	stream.linear.gather [hbm4b:s11+s3], $0x50, $0x38;
	[tilespmem:$0x19100] =	vst v63  }
0xa6: {  	_ =	swait.ge [sflag:s28], $0x50  }
0xa7: {  	[sflag:s28] =	ssyncset.done $0x0  }
0xa8: {  	s13 =	rddreg [dreg:$0x7];
	[sflag:s28] =	ssyncadd.s32 $0xFFFFFFB0  }
0xa9: {  	[tilespmem:s26], [sflag:$0x1] =	stream.linear.gather [hbm4b:s13+s3], $0x2800, $0x38;
	[tilespmem:$0x19100] =	vst v63  }
0xaa: {  	_ =	swait.ge [sflag:s31], $0x2800  }
0xab: {  	[sflag:s31] =	ssyncset.done $0x0  }
0xac: {  	[sflag:s31] =	ssyncadd.s32 $0xFFFFD800  }
0xad: {  	[spmem:s2] =	stream.indirect.scatter.add.f32 [tilespmem:s26], [sflag:$0x3], $0x80, s3, s0, $0xb8;
	[tilespmem:$0x19100] =	vst v63  }
0xae: {  	_ =	swait.ge [sflag:s28], $0x2800  }
0xaf: {  	[sflag:s28] =	ssyncset.done $0x0  }
0xb0: {  	[sflag:s28] =	ssyncadd.s32 $0xFFFFD800  }
0xb1: {  	[bflag:$0x0] =	sbarrier.arrive $0xFFFF  }
0xb2: {  	[tilespmem:s26], [sflag:$0x3] =	stream.linear.gather [spmem:s12], $0x2800, $0x38;
	[tilespmem:$0x19100] =	vst v63  }
0xb3: {  	p0 =	sne.s32 s10, $0x1;
	_ =	swait.ge [sflag:s28], $0x2800  }
.Ltmp1:
0xb4: {  	[sflag:s28] =	ssyncset.done $0x0;
	(pc) =	sbr.rel @!p0 .LBB2_5-.Ltmp1, $4  }
0xb5: {  	[sflag:s28] =	ssyncadd.s32 $0xFFFFD800  }
0xb6: {  	[hbm4b:s25+s3] =	stream.linear.scatter [tilespmem:s26], [sflag:$0x3], $0x2800, $0x38;
	[tilespmem:$0x19100] =	vst v63  }
0xb7: {  	s8 =	smov.u32 s12;
	_ =	swait.ge [sflag:s28], $0x2800  }
0xb8: {  	s7 =	smov.u32 s25;
	s6 =	sadd.s32 $0xFFFFFFFF, s10;
	[sflag:s28] =	ssyncset.done $0x0  }
.LBB2_4:
0xb9: {  	[sflag:s28] =	ssyncadd.s32 $0xFFFFD800;
	s7 =	sadd.s32 $0x500, s7;
	s8 =	sadd.s32 $0x2800, s8  }
0xba: {  	[tilespmem:s26], [sflag:$0x3] =	stream.linear.gather [spmem:s8], $0x2800, $0x38;
	[tilespmem:$0x19100] =	vst v63  }
0xbb: {  	p0 =	sne.s32 s6, $0x1;
	s6 =	sadd.s32 $0xFFFFFFFF, s6;
	_ =	swait.ge [sflag:s28], $0x2800  }
.Ltmp2:
0xbc: {  	[sflag:s28] =	ssyncset.done $0x0;
	(pc) =	sbr.rel @p0 .LBB2_4-.Ltmp2, $4  }
0xbd: {  	[sflag:s28] =	ssyncadd.s32 $0xFFFFD800  }
0xbe: {  	[hbm4b:s7+s3] =	stream.linear.scatter [tilespmem:s26], [sflag:$0x3], $0x2800, $0x38;
	[tilespmem:$0x19100] =	vst v63  }
0xbf: {  	_ =	swait.ge [sflag:s28], $0x2800  }
0xc0: {  	[sflag:s28] =	ssyncset.done $0x0  }
.LBB2_5:
0xc1: {  	s1 =	sadd.s32 $0x1, s1;
	s6 =	rddreg [dreg:$0x8]  }
0xc2: {  	p0 =	sne.s32 s1, s6  }
.Ltmp3:
0xc3: {  	_ = 	snop;
	(pc) =	sbr.rel @p0 .LBB2_1-.Ltmp3, $2  }
0xc4: {  	_ =	sdelay $0x2  }
0xc5: {  	[sflag:s28] =	ssyncadd.s32 $0xFFFFD800  }
0xc6: {  	_ =	sfence.sel $0x180000  }
0xc7: {  	[bflag:$0x0] =	sbarrier.arrive $0xFFFF  }
0xc8: {  	_ =	strace $0x9000004A  }
0xc9: {  	s0 =	stileid.u32;
	[bflag:$0x2] =	sbarrier.arrive $0xFFFF  }
0xca: {  	p0 =	sne.s32 s0, $0x0;
	s0 =	rddreg [dreg:$0x3]  }
0xcb: {  	s0 =	sadd.s32 @!p0 $0x100000, s0  }
0xcc: {  	[sflag:s0] =	ssyncadd.tile.s32 @!p0 $0x1;
	_ =	shalt  }
.Lfunc_end2:
_tile_overlayer_lowered:
.L_overlay_start_2:
0xcd: {  	(tag) =	ssettag $0x2  }
0xce: {  	s0 =	rddreg [dreg:$0x0];
	s2 =	stileid.u32  }
0xcf: {  	s1 =	rddreg [dreg:$0x1];
	p0 =	sne.s32 s2, $0x0  }
0xd0: {  	s3 =	rddreg [dreg:$0x2];
	[bflag:$0x3] =	sbarrier.arrive $0xFFFF;
	s2 =	simm.s32 @!p0 $0x1C03  }
0xd1: {  	[timem:s3], [sflag:s2] =	dma.local @!p0 [hbm:s0], s1  }
0xd2: {  	s0 =	simm.s32 @!p0 $0x3  }
0xd3: {  	_ =	swait.ge @!p0 [sflag:s0], s1  }
0xd4: {  	s1 =	ssub.s32 @!p0 $0x0, s1;
	[sflag:s0] =	ssyncset.done @!p0 $0x0  }
0xd5: {  	[sflag:s0] =	ssyncadd.s32 @!p0 s1  }
0xd6: {  	[bflag:$0x3] =	sbarrier.arrive $0xFFFF  }
0xd7: {  	_ =	shalt  }

// kernel: kernel.7.cloned.1.call-start
scs
__scs_entry_jumppad:
0x0: {  	(pc) =	sbr.rel $0x88, $3  }
0x1: {  	(tag) =	ssettag $0x0;
	lr =	simm.s32 $0x1  }
0x2: {  	[smem:$0x3F91] =	sst lr;
	_ =	strace $0xD0000000  }
0x3: {  	_ = 	snop  }
0x4: {  	_ = 	snop  }
0x5: {  	_ = 	snop  }
0x6: {  	_ = 	snop  }
0x7: {  	_ = 	snop  }
__scs_overlays_trampoline_lowered:
0x8: {  	[smem:$0x3FA0] =	sst s0  }
0x9: {  	[smem:$0x3FA1] =	sst s1  }
0xa: {  	[smem:$0x3FA2] =	sst s2  }
0xb: {  	[smem:$0x3FA3] =	sst s3  }
0xc: {  	[smem:$0x3FA4] =	sst s4  }
0xd: {  	[smem:$0x3FA5] =	sst s5  }
0xe: {  	[smem:$0x3FA6] =	sst s6  }
0xf: {  	[smem:$0x3FA7] =	sst s7  }
0x10: {  	[smem:$0x3FA8] =	sst s8  }
0x11: {  	[smem:$0x3FA9] =	sst s9;
	s0 =	simm.s32 @!p0 $0x0  }
0x12: {  	s1 =	sld [smem:$0x3F8F];
	s0 =	simm.s32 @p0 $0x1  }
0x13: {  	[smem:$0x3FAA] =	sst s0;
	s0 =	simm.s32 @!p1 $0x0  }
0x14: {  	s2 =	sld [smem:$0x3F8E];
	s0 =	simm.s32 @p1 $0x1  }
0x15: {  	[smem:$0x3FAB] =	sst s0;
	s0 =	simm.s32 @!p2 $0x0  }
0x16: {  	s3 =	sld [smem:$0x3FDB];
	s0 =	simm.s32 @p2 $0x1  }
0x17: {  	s4 =	simm.s32 $0x1BF5;
	[smem:$0x3FAD] =	sst s0  }
0x18: {  	s0 =	sld [smem:$0x3F90];
	_ =	swait.ge [sflag:s4], $0x0  }
0x19: {  	s7 =	sld [smem:$0x3F91]  }
0x1a: {  	s8 =	sadd.s32 $0xFFFFE003, lr  }
0x1b: {  	s9 =	sadd.s32 $0xFFFFFEF7, lr;
	s5 =	simm.s32 $0xFFFFFFFF;
	p2 =	slt.u32 s8, $0xFFFFF086  }
0x1c: {  	p1 =	slt.u32 s9, $0xF7A;
	s5 =	simm.s32 @!p2 $0x0  }
0x1d: {  	s5 =	simm.s32 @p1 $0x1;
	p0 =	seq.s32 s7, s2  }
0x1e: {  	s7 =	smul.u32 @!p0 $0xF7A, s2;
	p2 =	seq.s32 @!p0 s5, $0x0  }
0x1f: {  	s9 =	smul.u32 $0xF7A, s1;
	s8 =	simm.s32 @!p0 $0x1BF5;
	p2 =	por !p2, p0  }
0x20: {  	[sflag:s8] =	ssyncset.s32 @!p0 $0xFFFFF086;
	s6 =	sadd.s32 @!p0 s3, s7;
	s7 =	simm.s32 @!p0 $0x108  }
0x21: {  	s3 =	sadd.s32 s3, s9;
	s6 =	sadd.s32 @!p0 $0x88, s6;
	s7 =	simm.s32 @p2 $0x1082  }
0x22: {  	[simem:s7], [sflag:s8] =	dma.local @!p0 [hbm:s6], $0xF7A  }
0x23: {  	s9 =	sor.u32 $0xD0000000, s2;
	s6 =	simm.s32 $0x108;
	_ =	swait.ge @!p0 [sflag:s8], $0x0  }
0x24: {  	s3 =	sadd.s32 $0x88, s3;
	s6 =	simm.s32 @!p1 $0x1082;
	[sflag:s4] =	ssyncset.s32 $0xFFFFF086  }
0x25: {  	[simem:s6], [sflag:s4] =	dma.local [hbm:s3], $0xF7A  }
0x26: {  	[smem:$0x3F91] =	sst s1;
	(tag) =	ssettag s2;
	_ =	strace s9  }
0x27: {  	s1 =	sld [smem:$0x3FA1]  }
0x28: {  	s2 =	sld [smem:$0x3FA2]  }
0x29: {  	s4 =	sld [smem:$0x3FA4]  }
0x2a: {  	p0 =	seq.s32 s5, $0x0;
	s5 =	sld [smem:$0x3FA5]  }
0x2b: {  	s6 =	sld [smem:$0x3FA6]  }
0x2c: {  	s7 =	sld [smem:$0x3FA7]  }
0x2d: {  	s3 =	simm.s32 $0x108;
	s8 =	sld [smem:$0x3FA8]  }
0x2e: {  	s3 =	simm.s32 @!p0 $0x1082;
	s9 =	sld [smem:$0x3FA9]  }
0x2f: {  	lr =	sadd.s32 s0, s3;
	s0 =	sld [smem:$0x3FA0]  }
0x30: {  	s3 =	sld [smem:$0x3FA3]  }
0x31: {  	[smem:$0x3FAC] =	sst s10  }
0x32: {  	s10 =	sld [smem:$0x3FAA];
	_ =	sdelay $0x3  }
0x33: {  	p0 =	seq.s32 s10, $0x1;
	s10 =	sld [smem:$0x3FAC];
	_ =	sdelay $0x3  }
0x34: {  	[smem:$0x3FAC] =	sst s10  }
0x35: {  	s10 =	sld [smem:$0x3FAB];
	_ =	sdelay $0x3  }
0x36: {  	p1 =	seq.s32 s10, $0x1;
	s10 =	sld [smem:$0x3FAC];
	_ =	sdelay $0x3  }
0x37: {  	[smem:$0x3FAC] =	sst s10  }
0x38: {  	s10 =	sld [smem:$0x3FAD]  }
0x39: {  	_ = 	snop;
	(pc) =	sbr.ind lr, $3  }
0x3a: {  	_ = 	snop  }
0x3b: {  	_ = 	snop  }
0x3c: {  	p2 =	seq.s32 s10, $0x1;
	s10 =	sld [smem:$0x3FAC]  }
0x3d: {  	_ =	shalt  }
0x3e: {  	_ =	shalt  }
0x3f: {  	_ =	shalt  }
0x40: {  	_ =	shalt  }
0x41: {  	_ =	shalt  }
0x42: {  	_ =	shalt  }
0x43: {  	_ =	shalt  }
0x44: {  	_ =	shalt  }
0x45: {  	_ =	shalt  }
0x46: {  	_ =	shalt  }
0x47: {  	_ =	shalt  }
0x48: {  	_ =	shalt  }
0x49: {  	_ =	shalt  }
0x4a: {  	_ =	shalt  }
0x4b: {  	_ =	shalt  }
0x4c: {  	_ =	shalt  }
0x4d: {  	_ =	shalt  }
0x4e: {  	_ =	shalt  }
0x4f: {  	_ =	shalt  }
0x50: {  	_ =	shalt  }
0x51: {  	_ =	shalt  }
0x52: {  	_ =	shalt  }
0x53: {  	_ =	shalt  }
0x54: {  	_ =	shalt  }
0x55: {  	_ =	shalt  }
0x56: {  	_ =	shalt  }
0x57: {  	_ =	shalt  }
0x58: {  	_ =	shalt  }
0x59: {  	_ =	shalt  }
0x5a: {  	_ =	shalt  }
0x5b: {  	_ =	shalt  }
0x5c: {  	_ =	shalt  }
0x5d: {  	_ =	shalt  }
0x5e: {  	_ =	shalt  }
0x5f: {  	_ =	shalt  }
0x60: {  	_ =	shalt  }
0x61: {  	_ =	shalt  }
0x62: {  	_ =	shalt  }
0x63: {  	_ =	shalt  }
0x64: {  	_ =	shalt  }
0x65: {  	_ =	shalt  }
0x66: {  	_ =	shalt  }
0x67: {  	_ =	shalt  }
0x68: {  	_ =	shalt  }
0x69: {  	_ =	shalt  }
0x6a: {  	_ =	shalt  }
0x6b: {  	_ =	shalt  }
0x6c: {  	_ =	shalt  }
0x6d: {  	_ =	shalt  }
0x6e: {  	_ =	shalt  }
0x6f: {  	_ =	shalt  }
0x70: {  	_ =	shalt  }
0x71: {  	_ =	shalt  }
0x72: {  	_ =	shalt  }
0x73: {  	_ =	shalt  }
0x74: {  	_ =	shalt  }
0x75: {  	_ =	shalt  }
0x76: {  	_ =	shalt  }
0x77: {  	_ =	shalt  }
0x78: {  	_ =	shalt  }
0x79: {  	_ =	shalt  }
0x7a: {  	_ =	shalt  }
0x7b: {  	_ =	shalt  }
0x7c: {  	_ =	shalt  }
0x7d: {  	_ =	shalt  }
0x7e: {  	_ =	shalt  }
0x7f: {  	_ =	shalt  }
0x80: {  	_ =	shalt  }
0x81: {  	_ =	shalt  }
0x82: {  	_ =	shalt  }
0x83: {  	_ =	shalt  }
0x84: {  	_ =	shalt  }
0x85: {  	_ =	shalt  }
0x86: {  	_ =	shalt  }
0x87: {  	_ =	shalt  }
.Lfunc_end0:
.L_simem_size_0:
called_computation_lowered:
.L_overlay_start_0:
0x88: {  	s2 =	sld [smem:$0x3FD9]  }
0x89: {  	s3 =	sld [smem:$0x3FFE];
	_ =	sdelay $0x1  }
0x8a: {  	s1 =	srdreg.scid  }
0x8b: {  	s0 =	sand.u32 $0x1, s1  }
0x8c: {  	s17 =	sshll.u32 s0, $0xA;
	s2 =	sadd.s32 s3, s2  }
0x8d: {  	s2 =	sadd.s32 s2, s17  }
0x8e: {  	[smem:$0x3FB8] =	sst s2  }
0x8f: {  	_ = 	snop  }
0x90: {  	s2 =	sld [smem:$0x3FD0];
	(tm) =	ssettm $0x1  }
0x91: {  	s18 =	sld [smem:$0x3FFB];
	_ =	sdelay $0x3  }
0x92: {  	_ =	strace s18  }
0x93: {  	s3 =	sld [smem:$0x3FFC];
	_ =	sdelay $0x3  }
0x94: {  	_ =	strace s3  }
0x95: {  	s3 =	sld [smem:$0x3FFD];
	_ =	sdelay $0x3  }
0x96: {  	_ =	strace s3  }
0x97: {  	_ =	strace $0x8FFFFFFF  }
0x98: {  	s19 =	sld [smem:$0x3FDB];
	_ =	sdelay $0x1  }
0x99: {  	s4 =	simm.s32 $_scs_section_size  }
0x9a: {  	s5 =	simm.s32 $_size__tile_overlayer_lowered;
	s6 =	simm.s32 $_tile_overlayer_lowered  }
0x9b: {  	s22 =	simm.s32 $0x1BFF;
	s21 =	sshll.u32 s6, $0x1;
	s3 =	sadd.s32 s4, s19  }
0x9c: {  	s7 =	simm.s32 $0x0;
	s20 =	sshll.u32 s5, $0x1;
	s5 =	sadd.s32 s21, s3  }
0x9d: {  	[timem:s7], [sflag:s22] =	dma.local [hbm:s5], s20  }
0x9e: {  	_ =	swait.ge [sflag:s22], s20  }
0x9f: {  	s4 =	ssub.s32 $0x0, s20;
	[sflag:s22] =	ssyncset.done $0x0  }
0xa0: {  	[sflag:s22] =	ssyncadd.s32 s4;
	_ =	sdelay $0x1  }
0xa1: {  	s23 =	simm.s32 $0x1B8B  }
0xa2: {  	_ =	swait.ge [sflag:s23], $0x1  }
0xa3: {  	[sflag:s23] =	ssyncset.done $0x0  }
0xa4: {  	s25 =	simm.s32 $0x1B8E;
	s24 =	sld [smem:$0x3FFE];
	[sflag:s23] =	ssyncadd.s32 $0xFFFFFFFF  }
0xa5: {  	s26 =	simm.s32 $execute0_lowered;
	[smem:$0x3FD2] =	sst s25  }
0xa6: {  	s5 =	sshll.u32 s26, $0x1;
	_ =	strace $0x80000046;
	[dreg:$0x1] =	wrdreg $0xFFFFFFFF  }
0xa7: {  	s28 =	simm.s32 $_size_execute0_lowered;
	s3 =	sadd.s32 s3, s5;
	[dreg:$0x0] =	wrdreg $0x0  }
0xa8: {  	s5 =	sshll.u32 s28, $0x1;
	[dreg:$0x2] =	wrdreg s3  }
0xa9: {  	[dreg:$0x3] =	wrdreg s5  }
0xaa: {  	[dreg:$0x4] =	wrdreg $0xC0  }
0xab: {  	_ =	task [dreg:s7], $0x5FFFF  }
0xac: {  	[dreg:$0x1] =	wrdreg $0xFFFFFFFF  }
0xad: {  	[dreg:$0x0] =	wrdreg $0x60  }
0xae: {  	[dreg:$0x2] =	wrdreg s24  }
0xaf: {  	[dreg:$0x3] =	wrdreg s2  }
0xb0: {  	[dreg:$0x4] =	wrdreg $0x9  }
0xb1: {  	_ =	task.clear_ibuf [dreg:s7], $0x5FFFF;
	_ =	strace $0x90000046  }
0xb2: {  	s29 =	simm.s32 $0x9;
	_ =	strace $0x80000048  }
0xb3: {  	_ =	swait.ge [sflag:s29], $0x1  }
0xb4: {  	[sflag:s29] =	ssyncadd.s32 $0xFFFFFFFF  }
0xb5: {  	_ =	strace $0x90000048  }
0xb6: {  	_ =	sfence  }
0xb7: {  	s30 =	sld [smem:$0x0];
	_ =	sdelay $0x2  }
0xb8: {  	s31 =	sshll.u32 s1, $0xD;
	s1 =	sshrl.u32 s1, $0x2  }
0xb9: {  	s3 =	sand.u32 $0x4000, s31;
	s1 =	sadd.s32 s1, s30  }
0xba: {  	s0 =	sor.u32 s3, s0;
	s1 =	sshll.u32 s1, $0x11  }
0xbb: {  	s0 =	sor.u32 s1, s0  }
0xbc: {  	s0 =	sadd.s32 $0x8F2B, s0  }
0xbd: {  	[sflag:s0] =	ssyncadd.remote.s32 $0x1  }
0xbe: {  	_ =	sfence.sel $0xFFFF  }
0xbf: {  	[dreg:$0x0] =	wrdreg $0xFFFFFFFF;
	(pc) =	sbr.abs _section_cstart, $3  }
0xc0: {  	[dreg:$0x1] =	wrdreg $0xFFFFFFFF  }
0xc1: {  	_ =	task.clear_ibuf [dreg:s7], $0x2FFFF;
	_ =	strace $0x9FFFFFFF  }
0xc2: {  	(tm) =	ssettm $0x7FFFFFFF  }
0xc3: {  	_ =	shalt  }
tec
execute0_lowered:
.L_overlay_start_1:
0x0: {  	(tag) =	ssettag $0x1  }
0x1: {  	s0 =	rddreg [dreg:$0x0]  }
0x2: {  	s1 =	rddreg [dreg:$0x1];
	s2 =	simm.s32 $0x0;
	s3 =	srdreg.scid  }
0x3: {  	s12 =	stileid.u32;
	s28 =	simm.s32 $0x7;
	s29 =	simm.s32 $0x2  }
0x4: {  	s30 =	simm.s32 $0x4;
	s31 =	simm.s32 $0x6;
	[smem:$0x7FF] =	sst s2  }
0x5: {  	s3 =	sand.u32 $0x1, s3;
	s13 =	sadd.s32 $0x1200, s0;
	s17 =	smul.u32 $0x2710, s12  }
0x6: {  	s14 =	sadd.s32 $0xB000, s0;
	s6 =	sadd.s32 $0x14E00, s0;
	s19 =	smul.u32 $0x27100, s12  }
0x7: {  	s7 =	sadd.s32 $0x63000, s0;
	s0 =	sadd.s32 $0xA27000, s0;
	s22 =	smul.u32 $0x4E200, s12  }
0x8: {  	_ =	strace $0x80000047;
	s4 =	sshll.u32 s3, $0x4;
	[dreg:$0x4] =	wrdreg s14  }
0x9: {  	s5 =	ssub.s32 $0x2, s3;
	s10 =	smul.u32 $0x27100, s3;
	[dreg:$0x3] =	wrdreg s13  }
0xa: {  	s4 =	sor.u32 s12, s4;
	s8 =	sshrl.u32 s5, $0x1;
	s12 =	simm.s32 $0x4900  }
0xb: {  	s4 =	smul.u32 $0x2710, s4;
	s5 =	ssub.s32 s5, s8;
	s20 =	sadd.s32 s17, s10  }
0xc: {  	s17 =	simm.s32 $0x2100;
	s10 =	simm.s32 $0x2900;
	s5 =	smax.u32 s5, $0x1  }
0xd: {  	s21 =	sadd.s32 $0xA0, s20;
	s11 =	sshrl.u32 s4, $0x3;
	[dreg:$0xb] =	wrdreg s5  }
0xe: {  	s4 =	sadd.s32 $0x26C0, s4;
	[dreg:$0xc] =	wrdreg s21;
	s21 =	simm.s32 $0x100  }
0xf: {  	s9 =	sadd.s32 s13, s11;
	s15 =	sshrl.u32 s4, $0x3;
	s8 =	sadd.s32 s14, s11  }
0x10: {  	s18 =	sshll.u32 s4, $0x5;
	s11 =	smul.u32 $0x271000, s3;
	[dreg:$0x5] =	wrdreg s9  }
0x11: {  	s4 =	sshll.u32 s4, $0x4;
	[dreg:$0x6] =	wrdreg s8;
	s16 =	sadd.s32 s13, s15  }
0x12: {  	s3 =	smul.u32 $0x4E2000, s3;
	s9 =	sadd.s32 s14, s15;
	[dreg:$0x7] =	wrdreg s16  }
0x13: {  	s4 =	sadd.s32 s0, s4;
	s8 =	simm.s32 $0xA180;
	[dreg:$0x8] =	wrdreg s9  }
0x14: {  	s9 =	sadd.s32 s7, s18;
	[dreg:$0xa] =	wrdreg s4;
	s0 =	sadd.s32 s11, s0  }
0x15: {  	s3 =	sadd.s32 s3, s7;
	s4 =	sadd.s32 $0x50, s20;
	s20 =	simm.s32 $0xA100  }
0x16: {  	s16 =	simm.s32 $0x1100;
	s7 =	simm.s32 $0x1900;
	s18 =	simm.s32 $0x3100  }
0x17: {  	s11 =	simm.s32 $0x3900;
	[dreg:$0x9] =	wrdreg s9;
	s15 =	sadd.s32 s19, s0  }
0x18: {  	s23 =	sadd.s32 s22, s3;
	s24 =	sshrl.u32 s4, $0x3;
	s19 =	simm.s32 $0x9  }
0x19: {  	s22 =	simm.s32 $0x4100;
	s3 =	simm.s32 $0xA200;
	s9 =	simm.s32 $0x5100  }
.Ltmp0:
0x1a: {  	s4 =	simm.s32 $0x8;
	s0 =	sadd.s32 $0xA00, s23;
	(pc) =	sbr.rel .LBB2_1-.Ltmp0, $4  }
0x1b: {  	s25 =	sadd.s32 s24, s14;
	s26 =	sadd.s32 s24, s13;
	[dreg:$0xd] =	wrdreg s0  }
0x1c: {  	v2 =	vlaneseq.u32;
	s14 =	simm.s32 $0x900;
	s23 =	simm.s32 $0xCA00;
	[dreg:$0xe] =	wrdreg s25  }
0x1d: {  	vm0 =	vmmov $0xffff;
	v1 =	vshrl.u32 v2, $0x3;
	s24 =	simm.s32 $0x1;
	s13 =	simm.s32 $0x0;
	[dreg:$0xf] =	wrdreg s26  }
0x1e: {  	v0 =	vand.u32 $0x7, v2;
	v2 =	vor.u32 $0x8, v2;
	v1 =	vmul.u32 $0x8, v1;
	s0 =	simm.s32 $0x50;
	s25 =	simm.s32 $0x3;
	s26 =	simm.s32 $0x5  }
.LBB2_5:
0x1f: {  	s5 =	rddreg [dreg:$0x7]  }
0x20: {  	[tilespmem:s2], [sflag:$0x9] =	stream.linear.gather [hbm4b:s5+s2], $0x50, $0x38;
	[tilespmem:$0xF200] =	vst v63  }
0x21: {  	_ =	swait.ge [sflag:s19], $0x50  }
0x22: {  	[sflag:s19] =	ssyncset.done $0x0  }
0x23: {  	s12 =	rddreg [dreg:$0x8];
	[sflag:s19] =	ssyncadd.s32 $0xFFFFFFB0  }
0x24: {  	[tilespmem:s20], [sflag:$0x9] =	stream.linear.gather [hbm4b:s12+s2], $0x50, $0x38;
	[tilespmem:$0xF200] =	vst v63  }
0x25: {  	_ =	swait.ge [sflag:s19], $0x50  }
0x26: {  	[sflag:s19] =	ssyncset.done $0x0  }
0x27: {  	[sflag:s19] =	ssyncadd.s32 $0xFFFFFFB0  }
0x28: {  	v3 =	vld [tilespmem:$0x0];
	_ =	sdelay $0x4  }
0x29: {  	v4 =	vshll.u32 v3, $0x1  }
0x2a: {  	v3 =	vand.u32 $0x7, v3;
	v4 =	vand.u32 $0xFFFFFFF0, v4  }
0x2b: {  	v3 =	vor.u32 v3, v4  }
0x2c: {  	v4 =	vperm.xlane v3, v0;
	_ =	sdelay $0x1  }
0x2d: {  	v3 =	vperm.xlane v3, v2;
	v4 =	vadd.s32 v1, v4;
	_ =	sdelay $0x1  }
0x2e: {  	v3 =	vadd.s32 v1, v3;
	_ =	sdelay $0x2  }
0x2f: {  	[tilespmem:s21], [sflag:$0x1] =	stream.indirect_vreg.gather [hbm4b:s6+s2], $0x80, v4, vm0, $0xb8;
	[tilespmem:$0xF200] =	vst v63  }
0x30: {  	_ = 	snop  }
0x31: {  	[tilespmem:s14], [sflag:$0x1] =	stream.indirect_vreg.gather [hbm4b:s6+s2], $0x80, v3, vm0, $0xb8;
	[tilespmem:$0xF200] =	vst v63  }
0x32: {  	v3 =	vld [tilespmem:$0x10];
	_ =	sdelay $0x4  }
0x33: {  	v60 =	vshll.u32 v3, $0x1  }
0x34: {  	v3 =	vand.u32 $0x7, v3;
	v4 =	vand.u32 $0xFFFFFFF0, v60  }
0x35: {  	v3 =	vor.u32 v3, v4  }
0x36: {  	v4 =	vperm.xlane v3, v0;
	_ =	sdelay $0x1  }
0x37: {  	v3 =	vperm.xlane v3, v2;
	v4 =	vadd.s32 v1, v4;
	_ =	sdelay $0x1  }
0x38: {  	v3 =	vadd.s32 v1, v3;
	_ =	sdelay $0x2  }
0x39: {  	[tilespmem:s16], [sflag:$0x1] =	stream.indirect_vreg.gather [hbm4b:s6+s2], $0x80, v4, vm0, $0xb8;
	[tilespmem:$0xF200] =	vst v63  }
0x3a: {  	s7 =	simm.s32 $0x1900  }
0x3b: {  	[tilespmem:s7], [sflag:$0x1] =	stream.indirect_vreg.gather [hbm4b:s6+s2], $0x80, v3, vm0, $0xb8;
	[tilespmem:$0xF200] =	vst v63  }
0x3c: {  	v3 =	vld [tilespmem:$0x20];
	_ =	sdelay $0x4  }
0x3d: {  	v61 =	vshll.u32 v3, $0x1  }
0x3e: {  	v3 =	vand.u32 $0x7, v3;
	v4 =	vand.u32 $0xFFFFFFF0, v61  }
0x3f: {  	v3 =	vor.u32 v3, v4  }
0x40: {  	v4 =	vperm.xlane v3, v0;
	_ =	sdelay $0x1  }
0x41: {  	v3 =	vperm.xlane v3, v2;
	v4 =	vadd.s32 v1, v4;
	_ =	sdelay $0x1  }
0x42: {  	v3 =	vadd.s32 v1, v3;
	_ =	sdelay $0x2  }
0x43: {  	[tilespmem:s17], [sflag:$0x1] =	stream.indirect_vreg.gather [hbm4b:s6+s2], $0x80, v4, vm0, $0xb8;
	[tilespmem:$0xF200] =	vst v63  }
0x44: {  	s10 =	simm.s32 $0x2900  }
0x45: {  	[tilespmem:s10], [sflag:$0x1] =	stream.indirect_vreg.gather [hbm4b:s6+s2], $0x80, v3, vm0, $0xb8;
	[tilespmem:$0xF200] =	vst v63  }
0x46: {  	v3 =	vld [tilespmem:$0x30];
	_ =	sdelay $0x4  }
0x47: {  	v62 =	vshll.u32 v3, $0x1  }
0x48: {  	v3 =	vand.u32 $0x7, v3;
	v4 =	vand.u32 $0xFFFFFFF0, v62  }
0x49: {  	v3 =	vor.u32 v3, v4  }
0x4a: {  	v4 =	vperm.xlane v3, v0;
	_ =	sdelay $0x1  }
0x4b: {  	v3 =	vperm.xlane v3, v2;
	v4 =	vadd.s32 v1, v4;
	_ =	sdelay $0x1  }
0x4c: {  	v3 =	vadd.s32 v1, v3;
	_ =	sdelay $0x2  }
0x4d: {  	[tilespmem:s18], [sflag:$0x1] =	stream.indirect_vreg.gather [hbm4b:s6+s2], $0x80, v4, vm0, $0xb8;
	[tilespmem:$0xF200] =	vst v63  }
0x4e: {  	s11 =	simm.s32 $0x3900  }
0x4f: {  	[tilespmem:s11], [sflag:$0x1] =	stream.indirect_vreg.gather [hbm4b:s6+s2], $0x80, v3, vm0, $0xb8;
	[tilespmem:$0xF200] =	vst v63  }
0x50: {  	v3 =	vld [tilespmem:$0x40];
	_ =	sdelay $0x4  }
0x51: {  	v63 =	vshll.u32 v3, $0x1  }
0x52: {  	v3 =	vand.u32 $0x7, v3;
	v4 =	vand.u32 $0xFFFFFFF0, v63  }
0x53: {  	v3 =	vor.u32 v3, v4  }
0x54: {  	v4 =	vperm.xlane v3, v0;
	_ =	sdelay $0x1  }
0x55: {  	v3 =	vperm.xlane v3, v2;
	v4 =	vadd.s32 v1, v4;
	_ =	sdelay $0x1  }
0x56: {  	v3 =	vadd.s32 v1, v3;
	_ =	sdelay $0x2  }
0x57: {  	[tilespmem:s22], [sflag:$0x1] =	stream.indirect_vreg.gather [hbm4b:s6+s2], $0x80, v4, vm0, $0xb8;
	[tilespmem:$0xF200] =	vst v63  }
0x58: {  	s12 =	simm.s32 $0x4900  }
0x59: {  	[tilespmem:s12], [sflag:$0x1] =	stream.indirect_vreg.gather [hbm4b:s6+s2], $0x80, v3, vm0, $0xb8;
	[tilespmem:$0xF200] =	vst v63  }
0x5a: {  	_ = 	snop  }
0x5b: {  	[tilespmem:s3], [sflag:$0x3] =	stream.indirect.gather [hbm4b:s1+s0], $0x80, s20, s0, $0xb8;
	[tilespmem:$0xF200] =	vst v63  }
0x5c: {  	_ =	swait.ge [sflag:s24], $0x5000  }
0x5d: {  	[sflag:s24] =	ssyncset.done $0x0  }
0x5e: {  	[sflag:s24] =	ssyncadd.s32 $0xFFFFB000  }
0x5f: {  	_ =	swait.ge [sflag:s25], $0x2800  }
0x60: {  	[sflag:s25] =	ssyncset.done $0x0  }
0x61: {  	s13 =	rddreg [dreg:$0x9];
	[sflag:s25] =	ssyncadd.s32 $0xFFFFD800  }
0x62: {  	[hbm4b:s13+s2] =	stream.linear.scatter [tilespmem:s21], [sflag:$0x5], $0x5000, $0x38;
	[tilespmem:$0xF200] =	vst v63  }
0x63: {  	s13 =	rddreg [dreg:$0xa]  }
0x64: {  	[hbm4b:s13+s2] =	stream.linear.scatter [tilespmem:s3], [sflag:$0x7], $0x2800, $0x38;
	[tilespmem:$0xF200] =	vst v63  }
0x65: {  	_ =	swait.ge [sflag:s26], $0x5000  }
0x66: {  	[sflag:s26] =	ssyncset.done $0x0  }
0x67: {  	[sflag:s26] =	ssyncadd.s32 $0xFFFFB000  }
0x68: {  	_ =	swait.ge [sflag:s28], $0x2800  }
0x69: {  	s13 =	rddreg [dreg:$0x10]  }
0x6a: {  	s5 =	rddreg [dreg:$0xb];
	s13 =	sadd.s32 $0x1, s13  }
0x6b: {  	p0 =	sne.s32 s13, s5  }
.Ltmp1:
0x6c: {  	_ = 	snop;
	(pc) =	sbr.rel @!p0 .LBB2_6-.Ltmp1, $3  }
0x6d: {  	_ =	sdelay $0x1  }
0x6e: {  	[sflag:s28] =	ssyncset.done $0x0  }
0x6f: {  	[sflag:s28] =	ssyncadd.s32 $0xFFFFD800  }
.LBB2_1:
0x70: {  	[dreg:$0x10] =	wrdreg s13  }
0x71: {  	s5 =	rddreg [dreg:$0x5]  }
0x72: {  	[tilespmem:s2], [sflag:$0x9] =	stream.linear.gather [hbm4b:s5+s2], $0x50, $0x38;
	[tilespmem:$0xF200] =	vst v63  }
0x73: {  	_ =	swait.ge [sflag:s19], $0x50  }
0x74: {  	[sflag:s19] =	ssyncset.done $0x0  }
0x75: {  	s13 =	rddreg [dreg:$0x6];
	[sflag:s19] =	ssyncadd.s32 $0xFFFFFFB0  }
0x76: {  	[tilespmem:s20], [sflag:$0x9] =	stream.linear.gather [hbm4b:s13+s2], $0x50, $0x38;
	[tilespmem:$0xF200] =	vst v63  }
0x77: {  	_ =	swait.ge [sflag:s19], $0x50  }
0x78: {  	[sflag:s19] =	ssyncset.done $0x0  }
0x79: {  	[sflag:s19] =	ssyncadd.s32 $0xFFFFFFB0  }
0x7a: {  	v3 =	vld [tilespmem:$0x0];
	_ =	sdelay $0x4  }
0x7b: {  	v4 =	vshll.u32 v3, $0x1  }
0x7c: {  	v3 =	vand.u32 $0x7, v3;
	v4 =	vand.u32 $0xFFFFFFF0, v4  }
0x7d: {  	v3 =	vor.u32 v3, v4  }
0x7e: {  	v4 =	vperm.xlane v3, v0;
	_ =	sdelay $0x1  }
0x7f: {  	v3 =	vperm.xlane v3, v2;
	v4 =	vadd.s32 v1, v4;
	_ =	sdelay $0x1  }
0x80: {  	v3 =	vadd.s32 v1, v3;
	_ =	sdelay $0x2  }
0x81: {  	[tilespmem:s21], [sflag:$0x1] =	stream.indirect_vreg.gather [hbm4b:s6+s2], $0x80, v4, vm0, $0xb8;
	[tilespmem:$0xF200] =	vst v63  }
0x82: {  	_ = 	snop  }
0x83: {  	[tilespmem:s14], [sflag:$0x1] =	stream.indirect_vreg.gather [hbm4b:s6+s2], $0x80, v3, vm0, $0xb8;
	[tilespmem:$0xF200] =	vst v63  }
0x84: {  	v3 =	vld [tilespmem:$0x10];
	_ =	sdelay $0x4  }
0x85: {  	v60 =	vshll.u32 v3, $0x1  }
0x86: {  	v3 =	vand.u32 $0x7, v3;
	v4 =	vand.u32 $0xFFFFFFF0, v60  }
0x87: {  	v3 =	vor.u32 v3, v4  }
0x88: {  	v4 =	vperm.xlane v3, v0;
	_ =	sdelay $0x1  }
0x89: {  	v3 =	vperm.xlane v3, v2;
	v4 =	vadd.s32 v1, v4;
	_ =	sdelay $0x1  }
0x8a: {  	v3 =	vadd.s32 v1, v3;
	_ =	sdelay $0x2  }
0x8b: {  	[tilespmem:s16], [sflag:$0x1] =	stream.indirect_vreg.gather [hbm4b:s6+s2], $0x80, v4, vm0, $0xb8;
	[tilespmem:$0xF200] =	vst v63  }
0x8c: {  	_ = 	snop  }
0x8d: {  	[tilespmem:s7], [sflag:$0x1] =	stream.indirect_vreg.gather [hbm4b:s6+s2], $0x80, v3, vm0, $0xb8;
	[tilespmem:$0xF200] =	vst v63  }
0x8e: {  	v3 =	vld [tilespmem:$0x20];
	_ =	sdelay $0x4  }
0x8f: {  	v61 =	vshll.u32 v3, $0x1  }
0x90: {  	v3 =	vand.u32 $0x7, v3;
	v4 =	vand.u32 $0xFFFFFFF0, v61  }
0x91: {  	v3 =	vor.u32 v3, v4  }
0x92: {  	v4 =	vperm.xlane v3, v0;
	_ =	sdelay $0x1  }
0x93: {  	v3 =	vperm.xlane v3, v2;
	v4 =	vadd.s32 v1, v4;
	_ =	sdelay $0x1  }
0x94: {  	v3 =	vadd.s32 v1, v3;
	_ =	sdelay $0x2  }
0x95: {  	[tilespmem:s17], [sflag:$0x1] =	stream.indirect_vreg.gather [hbm4b:s6+s2], $0x80, v4, vm0, $0xb8;
	[tilespmem:$0xF200] =	vst v63  }
0x96: {  	_ = 	snop  }
0x97: {  	[tilespmem:s10], [sflag:$0x1] =	stream.indirect_vreg.gather [hbm4b:s6+s2], $0x80, v3, vm0, $0xb8;
	[tilespmem:$0xF200] =	vst v63  }
0x98: {  	v3 =	vld [tilespmem:$0x30];
	_ =	sdelay $0x4  }
0x99: {  	v62 =	vshll.u32 v3, $0x1  }
0x9a: {  	v3 =	vand.u32 $0x7, v3;
	v4 =	vand.u32 $0xFFFFFFF0, v62  }
0x9b: {  	v3 =	vor.u32 v3, v4  }
0x9c: {  	v4 =	vperm.xlane v3, v0;
	_ =	sdelay $0x1  }
0x9d: {  	v3 =	vperm.xlane v3, v2;
	v4 =	vadd.s32 v1, v4;
	_ =	sdelay $0x1  }
0x9e: {  	v3 =	vadd.s32 v1, v3;
	_ =	sdelay $0x2  }
0x9f: {  	[tilespmem:s18], [sflag:$0x1] =	stream.indirect_vreg.gather [hbm4b:s6+s2], $0x80, v4, vm0, $0xb8;
	[tilespmem:$0xF200] =	vst v63  }
0xa0: {  	_ = 	snop  }
0xa1: {  	[tilespmem:s11], [sflag:$0x1] =	stream.indirect_vreg.gather [hbm4b:s6+s2], $0x80, v3, vm0, $0xb8;
	[tilespmem:$0xF200] =	vst v63  }
0xa2: {  	v3 =	vld [tilespmem:$0x40];
	_ =	sdelay $0x4  }
0xa3: {  	v63 =	vshll.u32 v3, $0x1  }
0xa4: {  	v3 =	vand.u32 $0x7, v3;
	v4 =	vand.u32 $0xFFFFFFF0, v63  }
0xa5: {  	v3 =	vor.u32 v3, v4  }
0xa6: {  	v4 =	vperm.xlane v3, v0;
	_ =	sdelay $0x1  }
0xa7: {  	v4 =	vadd.s32 v1, v4  }
0xa8: {  	v3 =	vperm.xlane v3, v2;
	_ =	sdelay $0x1  }
0xa9: {  	v3 =	vadd.s32 v1, v3  }
0xaa: {  	s5 =	rddreg [dreg:$0xf]  }
0xab: {  	[tilespmem:s22], [sflag:$0x1] =	stream.indirect_vreg.gather [hbm4b:s6+s2], $0x80, v4, vm0, $0xb8;
	[tilespmem:$0xF200] =	vst v63  }
.Ltmp2:
0xac: {  	s7 =	rddreg [dreg:$0xe];
	(pc) =	sbr.rel .LBB2_2-.Ltmp2, $4  }
0xad: {  	s10 =	rddreg [dreg:$0xd]  }
0xae: {  	[tilespmem:s12], [sflag:$0x1] =	stream.indirect_vreg.gather [hbm4b:s6+s2], $0x80, v3, vm0, $0xb8;
	[tilespmem:$0xF200] =	vst v63  }
0xaf: {  	s11 =	rddreg [dreg:$0xc];
	s12 =	simm.s32 $0x0  }
0xb0: {  	[tilespmem:s3], [sflag:$0x3] =	stream.indirect.gather [hbm4b:s1+s0], $0x80, s20, s0, $0xb8;
	[tilespmem:$0xF200] =	vst v63  }
.LBB2_4:
0xb1: {  	_ =	swait.ge [sflag:s29], $0x5000  }
0xb2: {  	[sflag:s29] =	ssyncset.done $0x0  }
0xb3: {  	[sflag:s29] =	ssyncadd.s32 $0xFFFFB000  }
0xb4: {  	_ =	swait.ge [sflag:s30], $0x2800  }
0xb5: {  	[sflag:s30] =	ssyncset.done $0x0  }
0xb6: {  	[sflag:s30] =	ssyncadd.s32 $0xFFFFD800  }
0xb7: {  	[hbm4b:s10+s2] =	stream.linear.scatter [tilespmem:s9], [sflag:$0x6], $0x5000, $0x38;
	[tilespmem:$0xF200] =	vst v63  }
0xb8: {  	s13 =	sadd.s32 $0x500, s13;
	s12 =	sadd.s32 $0xA00, s12  }
0xb9: {  	[hbm4b:s13+s2] =	stream.linear.scatter [tilespmem:s23], [sflag:$0x8], $0x2800, $0x38;
	[tilespmem:$0xF200] =	vst v63  }
0xba: {  	p0 =	sne.s32 s12, $0x26C00;
	_ =	swait.ge [sflag:s31], $0x5000  }
.Ltmp3:
0xbb: {  	[sflag:s31] =	ssyncset.done $0x0;
	(pc) =	sbr.rel @!p0 .LBB2_5-.Ltmp3, $4  }
0xbc: {  	[sflag:s31] =	ssyncadd.s32 $0xFFFFB000  }
0xbd: {  	_ =	swait.ge [sflag:s4], $0x2800  }
0xbe: {  	s11 =	sadd.s32 $0xA0, s11;
	s7 =	sadd.s32 $0x14, s7;
	[sflag:s4] =	ssyncset.done $0x0  }
0xbf: {  	s5 =	sadd.s32 $0x14, s5;
	s10 =	sadd.s32 $0x1400, s10;
	[sflag:s4] =	ssyncadd.s32 $0xFFFFD800  }
.LBB2_2:
0xc0: {  	s13 =	simm.s32 $0x80  }
0xc1: {  	[tilespmem:s13], [sflag:$0x9] =	stream.linear.gather [hbm4b:s5+s2], $0x50, $0x38;
	[tilespmem:$0xF200] =	vst v63  }
0xc2: {  	_ =	swait.ge [sflag:s19], $0x50  }
0xc3: {  	[sflag:s19] =	ssyncset.done $0x0  }
0xc4: {  	[sflag:s19] =	ssyncadd.s32 $0xFFFFFFB0  }
0xc5: {  	[tilespmem:s8], [sflag:$0x9] =	stream.linear.gather [hbm4b:s7+s2], $0x50, $0x38;
	[tilespmem:$0xF200] =	vst v63  }
0xc6: {  	_ =	swait.ge [sflag:s19], $0x50  }
0xc7: {  	[sflag:s19] =	ssyncset.done $0x0  }
0xc8: {  	[sflag:s19] =	ssyncadd.s32 $0xFFFFFFB0  }
0xc9: {  	v3 =	vld [tilespmem:$0x80];
	_ =	sdelay $0x4  }
0xca: {  	v4 =	vshll.u32 v3, $0x1  }
0xcb: {  	v3 =	vand.u32 $0x7, v3;
	v4 =	vand.u32 $0xFFFFFFF0, v4  }
0xcc: {  	v3 =	vor.u32 v3, v4  }
0xcd: {  	v4 =	vperm.xlane v3, v0;
	_ =	sdelay $0x1  }
0xce: {  	v3 =	vperm.xlane v3, v2;
	v4 =	vadd.s32 v1, v4;
	_ =	sdelay $0x1  }
0xcf: {  	v3 =	vadd.s32 v1, v3;
	_ =	sdelay $0x2  }
0xd0: {  	[tilespmem:s9], [sflag:$0x2] =	stream.indirect_vreg.gather [hbm4b:s6+s2], $0x80, v4, vm0, $0xb8;
	[tilespmem:$0xF200] =	vst v63  }
0xd1: {  	s13 =	simm.s32 $0x5900  }
0xd2: {  	[tilespmem:s13], [sflag:$0x2] =	stream.indirect_vreg.gather [hbm4b:s6+s2], $0x80, v3, vm0, $0xb8;
	[tilespmem:$0xF200] =	vst v63  }
0xd3: {  	v3 =	vld [tilespmem:$0x90];
	_ =	sdelay $0x4  }
0xd4: {  	v60 =	vshll.u32 v3, $0x1  }
0xd5: {  	v3 =	vand.u32 $0x7, v3;
	v4 =	vand.u32 $0xFFFFFFF0, v60  }
0xd6: {  	v3 =	vor.u32 v3, v4  }
0xd7: {  	v4 =	vperm.xlane v3, v0;
	_ =	sdelay $0x1  }
0xd8: {  	v3 =	vperm.xlane v3, v2;
	v4 =	vadd.s32 v1, v4;
	_ =	sdelay $0x1  }
0xd9: {  	v3 =	vadd.s32 v1, v3;
	_ =	sdelay $0x1  }
0xda: {  	s13 =	simm.s32 $0x6100  }
0xdb: {  	[tilespmem:s13], [sflag:$0x2] =	stream.indirect_vreg.gather [hbm4b:s6+s2], $0x80, v4, vm0, $0xb8;
	[tilespmem:$0xF200] =	vst v63  }
0xdc: {  	s13 =	simm.s32 $0x6900  }
0xdd: {  	[tilespmem:s13], [sflag:$0x2] =	stream.indirect_vreg.gather [hbm4b:s6+s2], $0x80, v3, vm0, $0xb8;
	[tilespmem:$0xF200] =	vst v63  }
0xde: {  	v3 =	vld [tilespmem:$0xA0];
	_ =	sdelay $0x4  }
0xdf: {  	v61 =	vshll.u32 v3, $0x1  }
0xe0: {  	v3 =	vand.u32 $0x7, v3;
	v4 =	vand.u32 $0xFFFFFFF0, v61  }
0xe1: {  	v3 =	vor.u32 v3, v4  }
0xe2: {  	v4 =	vperm.xlane v3, v0;
	_ =	sdelay $0x1  }
0xe3: {  	v3 =	vperm.xlane v3, v2;
	v4 =	vadd.s32 v1, v4;
	_ =	sdelay $0x1  }
0xe4: {  	v3 =	vadd.s32 v1, v3;
	_ =	sdelay $0x1  }
0xe5: {  	s13 =	simm.s32 $0x7100  }
0xe6: {  	[tilespmem:s13], [sflag:$0x2] =	stream.indirect_vreg.gather [hbm4b:s6+s2], $0x80, v4, vm0, $0xb8;
	[tilespmem:$0xF200] =	vst v63  }
0xe7: {  	s13 =	simm.s32 $0x7900  }
0xe8: {  	[tilespmem:s13], [sflag:$0x2] =	stream.indirect_vreg.gather [hbm4b:s6+s2], $0x80, v3, vm0, $0xb8;
	[tilespmem:$0xF200] =	vst v63  }
0xe9: {  	v3 =	vld [tilespmem:$0xB0];
	_ =	sdelay $0x4  }
0xea: {  	v62 =	vshll.u32 v3, $0x1  }
0xeb: {  	v3 =	vand.u32 $0x7, v3;
	v4 =	vand.u32 $0xFFFFFFF0, v62  }
0xec: {  	v3 =	vor.u32 v3, v4  }
0xed: {  	v4 =	vperm.xlane v3, v0;
	_ =	sdelay $0x1  }
0xee: {  	v3 =	vperm.xlane v3, v2;
	v4 =	vadd.s32 v1, v4;
	_ =	sdelay $0x1  }
0xef: {  	v3 =	vadd.s32 v1, v3;
	_ =	sdelay $0x1  }
0xf0: {  	s13 =	simm.s32 $0x8100  }
0xf1: {  	[tilespmem:s13], [sflag:$0x2] =	stream.indirect_vreg.gather [hbm4b:s6+s2], $0x80, v4, vm0, $0xb8;
	[tilespmem:$0xF200] =	vst v63  }
0xf2: {  	s13 =	simm.s32 $0x8900  }
0xf3: {  	[tilespmem:s13], [sflag:$0x2] =	stream.indirect_vreg.gather [hbm4b:s6+s2], $0x80, v3, vm0, $0xb8;
	[tilespmem:$0xF200] =	vst v63  }
0xf4: {  	v3 =	vld [tilespmem:$0xC0];
	_ =	sdelay $0x4  }
0xf5: {  	v63 =	vshll.u32 v3, $0x1  }
0xf6: {  	v3 =	vand.u32 $0x7, v3;
	v4 =	vand.u32 $0xFFFFFFF0, v63  }
0xf7: {  	v3 =	vor.u32 v3, v4  }
0xf8: {  	v4 =	vperm.xlane v3, v0;
	_ =	sdelay $0x1  }
0xf9: {  	v3 =	vperm.xlane v3, v2;
	v4 =	vadd.s32 v1, v4;
	_ =	sdelay $0x1  }
0xfa: {  	v3 =	vadd.s32 v1, v3;
	_ =	sdelay $0x1  }
0xfb: {  	s13 =	simm.s32 $0x9100  }
0xfc: {  	[tilespmem:s13], [sflag:$0x2] =	stream.indirect_vreg.gather [hbm4b:s6+s2], $0x80, v4, vm0, $0xb8;
	[tilespmem:$0xF200] =	vst v63  }
0xfd: {  	s13 =	simm.s32 $0x9900  }
0xfe: {  	[tilespmem:s13], [sflag:$0x2] =	stream.indirect_vreg.gather [hbm4b:s6+s2], $0x80, v3, vm0, $0xb8;
	[tilespmem:$0xF200] =	vst v63  }
0xff: {  	_ = 	snop  }
0x100: {  	[tilespmem:s23], [sflag:$0x4] =	stream.indirect.gather [hbm4b:s1+s0], $0x80, s8, s0, $0xb8;
	[tilespmem:$0xF200] =	vst v63  }
0x101: {  	_ =	swait.ge [sflag:s24], $0x5000  }
0x102: {  	[sflag:s24] =	ssyncset.done $0x0  }
0x103: {  	[sflag:s24] =	ssyncadd.s32 $0xFFFFB000  }
0x104: {  	_ =	swait.ge [sflag:s25], $0x2800  }
0x105: {  	[sflag:s25] =	ssyncset.done $0x0  }
0x106: {  	s13 =	sadd.s32 $0xFFFFF600, s10;
	[sflag:s25] =	ssyncadd.s32 $0xFFFFD800  }
0x107: {  	[hbm4b:s13+s2] =	stream.linear.scatter [tilespmem:s21], [sflag:$0x5], $0x5000, $0x38;
	[tilespmem:$0xF200] =	vst v63  }
0x108: {  	s13 =	sadd.s32 s12, s15  }
0x109: {  	[hbm4b:s13+s2] =	stream.linear.scatter [tilespmem:s3], [sflag:$0x7], $0x2800, $0x38;
	[tilespmem:$0xF200] =	vst v63  }
0x10a: {  	p0 =	seq.s32 s12, $0x26200;
	_ =	swait.ge [sflag:s26], $0x5000  }
.Ltmp4:
0x10b: {  	[sflag:s26] =	ssyncset.done $0x0;
	(pc) =	sbr.rel @p0 .LBB2_4-.Ltmp4, $4  }
0x10c: {  	[sflag:s26] =	ssyncadd.s32 $0xFFFFB000  }
0x10d: {  	_ =	swait.ge [sflag:s28], $0x2800  }
0x10e: {  	[sflag:s28] =	ssyncset.done $0x0  }
0x10f: {  	[sflag:s28] =	ssyncadd.s32 $0xFFFFD800  }
0x110: {  	s14 =	sshrl.u32 s11, $0x3;
	s16 =	rddreg [dreg:$0x3]  }
0x111: {  	s16 =	sadd.s32 s16, s14  }
0x112: {  	[tilespmem:s2], [sflag:$0x9] =	stream.linear.gather [hbm4b:s16+s2], $0x50, $0x38;
	[tilespmem:$0xF200] =	vst v63  }
0x113: {  	_ =	swait.ge [sflag:s19], $0x50  }
0x114: {  	[sflag:s19] =	ssyncset.done $0x0;
	s22 =	rddreg [dreg:$0x4]  }
0x115: {  	[sflag:s19] =	ssyncadd.s32 $0xFFFFFFB0;
	s14 =	sadd.s32 s22, s14  }
0x116: {  	[tilespmem:s20], [sflag:$0x9] =	stream.linear.gather [hbm4b:s14+s2], $0x50, $0x38;
	[tilespmem:$0xF200] =	vst v63  }
0x117: {  	_ =	swait.ge [sflag:s19], $0x50  }
0x118: {  	[sflag:s19] =	ssyncset.done $0x0  }
0x119: {  	[sflag:s19] =	ssyncadd.s32 $0xFFFFFFB0  }
0x11a: {  	v3 =	vld [tilespmem:$0x0];
	_ =	sdelay $0x4  }
0x11b: {  	v4 =	vshll.u32 v3, $0x1  }
0x11c: {  	v3 =	vand.u32 $0x7, v3;
	v4 =	vand.u32 $0xFFFFFFF0, v4  }
0x11d: {  	v3 =	vor.u32 v3, v4  }
0x11e: {  	v4 =	vperm.xlane v3, v0;
	_ =	sdelay $0x1  }
0x11f: {  	v3 =	vperm.xlane v3, v2;
	v4 =	vadd.s32 v1, v4;
	_ =	sdelay $0x1  }
0x120: {  	v3 =	vadd.s32 v1, v3;
	_ =	sdelay $0x2  }
0x121: {  	[tilespmem:s21], [sflag:$0x1] =	stream.indirect_vreg.gather [hbm4b:s6+s2], $0x80, v4, vm0, $0xb8;
	[tilespmem:$0xF200] =	vst v63  }
0x122: {  	s14 =	simm.s32 $0x900  }
0x123: {  	[tilespmem:s14], [sflag:$0x1] =	stream.indirect_vreg.gather [hbm4b:s6+s2], $0x80, v3, vm0, $0xb8;
	[tilespmem:$0xF200] =	vst v63  }
0x124: {  	v3 =	vld [tilespmem:$0x10];
	_ =	sdelay $0x4  }
0x125: {  	v60 =	vshll.u32 v3, $0x1  }
0x126: {  	v3 =	vand.u32 $0x7, v3;
	v4 =	vand.u32 $0xFFFFFFF0, v60  }
0x127: {  	v3 =	vor.u32 v3, v4  }
0x128: {  	v4 =	vperm.xlane v3, v0;
	_ =	sdelay $0x1  }
0x129: {  	v3 =	vperm.xlane v3, v2;
	v4 =	vadd.s32 v1, v4;
	_ =	sdelay $0x1  }
0x12a: {  	v3 =	vadd.s32 v1, v3;
	_ =	sdelay $0x1  }
0x12b: {  	s16 =	simm.s32 $0x1100  }
0x12c: {  	[tilespmem:s16], [sflag:$0x1] =	stream.indirect_vreg.gather [hbm4b:s6+s2], $0x80, v4, vm0, $0xb8;
	[tilespmem:$0xF200] =	vst v63  }
0x12d: {  	s17 =	simm.s32 $0x1900  }
0x12e: {  	[tilespmem:s17], [sflag:$0x1] =	stream.indirect_vreg.gather [hbm4b:s6+s2], $0x80, v3, vm0, $0xb8;
	[tilespmem:$0xF200] =	vst v63  }
0x12f: {  	v3 =	vld [tilespmem:$0x20];
	_ =	sdelay $0x4  }
0x130: {  	v61 =	vshll.u32 v3, $0x1  }
0x131: {  	v3 =	vand.u32 $0x7, v3;
	v4 =	vand.u32 $0xFFFFFFF0, v61  }
0x132: {  	v3 =	vor.u32 v3, v4  }
0x133: {  	v4 =	vperm.xlane v3, v0;
	_ =	sdelay $0x1  }
0x134: {  	v3 =	vperm.xlane v3, v2;
	v4 =	vadd.s32 v1, v4;
	_ =	sdelay $0x1  }
0x135: {  	v3 =	vadd.s32 v1, v3;
	_ =	sdelay $0x1  }
0x136: {  	s17 =	simm.s32 $0x2100  }
0x137: {  	[tilespmem:s17], [sflag:$0x1] =	stream.indirect_vreg.gather [hbm4b:s6+s2], $0x80, v4, vm0, $0xb8;
	[tilespmem:$0xF200] =	vst v63  }
0x138: {  	s18 =	simm.s32 $0x2900  }
0x139: {  	[tilespmem:s18], [sflag:$0x1] =	stream.indirect_vreg.gather [hbm4b:s6+s2], $0x80, v3, vm0, $0xb8;
	[tilespmem:$0xF200] =	vst v63  }
0x13a: {  	v3 =	vld [tilespmem:$0x30];
	_ =	sdelay $0x4  }
0x13b: {  	v62 =	vshll.u32 v3, $0x1  }
0x13c: {  	v3 =	vand.u32 $0x7, v3;
	v4 =	vand.u32 $0xFFFFFFF0, v62  }
0x13d: {  	v3 =	vor.u32 v3, v4  }
0x13e: {  	v4 =	vperm.xlane v3, v0;
	_ =	sdelay $0x1  }
0x13f: {  	v3 =	vperm.xlane v3, v2;
	v4 =	vadd.s32 v1, v4;
	_ =	sdelay $0x1  }
0x140: {  	v3 =	vadd.s32 v1, v3;
	_ =	sdelay $0x1  }
0x141: {  	s18 =	simm.s32 $0x3100  }
0x142: {  	[tilespmem:s18], [sflag:$0x1] =	stream.indirect_vreg.gather [hbm4b:s6+s2], $0x80, v4, vm0, $0xb8;
	[tilespmem:$0xF200] =	vst v63  }
0x143: {  	s22 =	simm.s32 $0x3900  }
0x144: {  	[tilespmem:s22], [sflag:$0x1] =	stream.indirect_vreg.gather [hbm4b:s6+s2], $0x80, v3, vm0, $0xb8;
	[tilespmem:$0xF200] =	vst v63  }
0x145: {  	v3 =	vld [tilespmem:$0x40];
	_ =	sdelay $0x4  }
0x146: {  	v63 =	vshll.u32 v3, $0x1  }
0x147: {  	v3 =	vand.u32 $0x7, v3;
	v4 =	vand.u32 $0xFFFFFFF0, v63  }
0x148: {  	v3 =	vor.u32 v3, v4  }
0x149: {  	v4 =	vperm.xlane v3, v0;
	_ =	sdelay $0x1  }
0x14a: {  	v4 =	vadd.s32 v1, v4  }
0x14b: {  	v3 =	vperm.xlane v3, v2;
	_ =	sdelay $0x1  }
0x14c: {  	v3 =	vadd.s32 v1, v3  }
0x14d: {  	s22 =	simm.s32 $0x4100  }
0x14e: {  	[tilespmem:s22], [sflag:$0x1] =	stream.indirect_vreg.gather [hbm4b:s6+s2], $0x80, v4, vm0, $0xb8;
	[tilespmem:$0xF200] =	vst v63  }
.Ltmp5:
0x14f: {  	_ = 	snop;
	(pc) =	sbr.rel .LBB2_4-.Ltmp5, $4  }
0x150: {  	s20 =	simm.s32 $0x4900  }
0x151: {  	[tilespmem:s20], [sflag:$0x1] =	stream.indirect_vreg.gather [hbm4b:s6+s2], $0x80, v3, vm0, $0xb8;
	[tilespmem:$0xF200] =	vst v63  }
0x152: {  	s20 =	simm.s32 $0xA100  }
0x153: {  	[tilespmem:s3], [sflag:$0x3] =	stream.indirect.gather [hbm4b:s1+s0], $0x80, s20, s0, $0xb8;
	[tilespmem:$0xF200] =	vst v63  }
.LBB2_6:
0x154: {  	_ =	sfence.sel $0x180000  }
0x155: {  	[bflag:$0x0] =	sbarrier.arrive $0xFFFF  }
0x156: {  	_ =	strace $0x90000047  }
0x157: {  	s0 =	stileid.u32;
	[bflag:$0x2] =	sbarrier.arrive $0xFFFF  }
0x158: {  	p0 =	sne.s32 s0, $0x0;
	s0 =	rddreg [dreg:$0x2]  }
0x159: {  	s0 =	sadd.s32 @!p0 $0x100000, s0  }
0x15a: {  	[sflag:s0] =	ssyncadd.tile.s32 @!p0 $0x1;
	_ =	shalt  }
.Lfunc_end2:
_tile_overlayer_lowered:
.L_overlay_start_2:
0x15b: {  	(tag) =	ssettag $0x2  }
0x15c: {  	s0 =	rddreg [dreg:$0x0];
	s2 =	stileid.u32  }
0x15d: {  	s1 =	rddreg [dreg:$0x1];
	p0 =	sne.s32 s2, $0x0  }
0x15e: {  	s3 =	rddreg [dreg:$0x2];
	[bflag:$0x3] =	sbarrier.arrive $0xFFFF;
	s2 =	simm.s32 @!p0 $0x1C09  }
0x15f: {  	[timem:s3], [sflag:s2] =	dma.local @!p0 [hbm:s0], s1  }
0x160: {  	s0 =	simm.s32 @!p0 $0x9  }
0x161: {  	_ =	swait.ge @!p0 [sflag:s0], s1  }
0x162: {  	s1 =	ssub.s32 @!p0 $0x0, s1;
	[sflag:s0] =	ssyncset.done @!p0 $0x0  }
0x163: {  	[sflag:s0] =	ssyncadd.s32 @!p0 s1  }
0x164: {  	[bflag:$0x3] =	sbarrier.arrive $0xFFFF  }
0x165: {  	_ =	shalt  }

</sc_bundles>
